<compile_context>
chip_gen: v7x
topology: tpu7x:2x2x1
jax: 0.10.2.dev20260603
libtpu: 0.0.44.dev20260713+nightly
codegen_flags: <defaults>
</compile_context>

<pallas_src>
import functools

import jax
import jax.numpy as jnp
import numpy as np
from jax import lax
from jax.experimental import pallas as pl
from jax.experimental.pallas import tpu as pltpu
from jax.experimental.pallas import tpu_sc as plsc

F32 = jnp.float32
NC, NS = 2, 16
K = 80
IBLK = 50
NGRP = 16


def _mesh():
    return plsc.VectorSubcoreMesh(core_axis_name="c", subcore_axis_name="s",
                                  num_cores=NC, num_subcores=NS)


def _pad16x8(n):
    return ((n + NS * 8 - 1) // (NS * 8)) * (NS * 8)



def _make_deg(N, E):
    TPE = E // (NC * NS)
    RPT = TPE // K
    NP = _pad16x8(N)
    NPT = NP // NS

    @functools.partial(
        pl.kernel,
        out_type=jax.ShapeDtypeStruct((NP, 128), F32),
        mesh=_mesh(),
        compiler_params=pltpu.CompilerParams(use_tc_tiling_on_sc=False),
        scratch_types=[
            pltpu.VMEM((RPT, K), jnp.int32),
            pltpu.VMEM((K, 8), F32),
            pltpu.VMEM((NPT, 8), F32),
            pltpu.VMEM_SHARED((NP, 8), F32),
            pltpu.SemaphoreType.DMA,
        ],
    )
    def deg_kernel(dstr_hbm, zeros_hbm, ones_hbm, out_hbm,
                   dsts_v, ones_v, wb_v, acc_sh, ssem):
        c = lax.axis_index("c")
        s = lax.axis_index("s")
        pltpu.sync_copy(ones_hbm, ones_v)
        pltpu.sync_copy(zeros_hbm, acc_sh.at[pl.ds(s * NPT, NPT)])
        pltpu.sync_copy(dstr_hbm.at[pl.ds((c * NS + s) * RPT, RPT)], dsts_v)
        plsc.subcore_barrier()

        def chunk(j, carry):
            pltpu.sync_copy(ones_v, acc_sh.at[dsts_v.at[j]], add=True)
            return carry

        lax.fori_loop(0, RPT, chunk, 0)
        plsc.subcore_barrier()
        pltpu.sync_copy(acc_sh.at[pl.ds(s * NPT, NPT)], wb_v)
        pltpu.sync_copy(wb_v, out_hbm.at[pl.ds(s * NPT, NPT), pl.ds(c * 8, 8)])

    return deg_kernel


def _make_conv(N, E, W, slab):
    TPE = E // NS
    NCH = TPE // K
    NP = _pad16x8(N)
    NPT = NP // NS
    NB = 5

    @functools.partial(
        pl.kernel,
        out_type=(jax.ShapeDtypeStruct((NC, NP, 128), F32) if slab
                  else jax.ShapeDtypeStruct((NP, 128), F32)),
        mesh=_mesh(),
        compiler_params=pltpu.CompilerParams(use_tc_tiling_on_sc=False),
        scratch_types=[
            pltpu.VMEM((IBLK, K), jnp.int32),
            pltpu.VMEM((IBLK, K), jnp.int32),
        ] + [pltpu.VMEM((K, W), F32)] * NB + [
            pltpu.VMEM_SHARED((NP, W), F32),
        ] + [pltpu.SemaphoreType.DMA] * (2 * NB),
    )
    def conv_kernel(table_hbm, idx2_hbm, dst_hbm, zeros_hbm, out_hbm,
                    srcs_v, dsts_v, *rest):
        rows = rest[:NB]
        acc_sh = rest[NB]
        sg = rest[NB + 1:NB + 1 + NB]
        ss = rest[NB + 1 + NB:]
        c = lax.axis_index("c")
        s = lax.axis_index("s")
        RPE = E // K
        pltpu.sync_copy(zeros_hbm, acc_sh.at[pl.ds(s * NPT, NPT)])
        plsc.subcore_barrier()

        def block(ib, carry):
            rb = c * RPE + s * NCH + ib * IBLK
            pltpu.sync_copy(idx2_hbm.at[pl.ds(rb, IBLK)], srcs_v)
            pltpu.sync_copy(dst_hbm.at[pl.ds(s * NCH + ib * IBLK, IBLK)],
                            dsts_v)
            for p in range(NB):
                pltpu.async_copy(table_hbm.at[srcs_v.at[p]], rows[p], sg[p])

            def quad(t, cr):
                for p in range(NB):
                    j = NB * t + p
                    pv = (p - 1) % NB
                    jr = j - 1 + NB

                    @pl.when((j >= 1) & (jr < IBLK))
                    def _():
                        pltpu.make_async_copy(
                            rows[pv], acc_sh.at[dsts_v.at[0]], ss[pv]).wait()
                        pltpu.async_copy(table_hbm.at[srcs_v.at[jr]],
                                         rows[pv], sg[pv])

                    pltpu.make_async_copy(table_hbm.at[srcs_v.at[0]],
                                          rows[p], sg[p]).wait()
                    pltpu.async_copy(rows[p], acc_sh.at[dsts_v.at[j]],
                                     ss[p], add=True)
                return cr

            lax.fori_loop(0, IBLK // NB, quad, 0)
            for p in range(NB):
                pltpu.make_async_copy(rows[p], acc_sh.at[dsts_v.at[0]],
                                      ss[p]).wait()
            return carry

        lax.fori_loop(0, NCH // IBLK, block, 0)
        plsc.subcore_barrier()
        if slab:
            pltpu.sync_copy(acc_sh.at[pl.ds(s * NPT, NPT)],
                            out_hbm.at[c, pl.ds(s * NPT, NPT), pl.ds(0, W)])
        else:
            pltpu.sync_copy(acc_sh.at[pl.ds(s * NPT, NPT)],
                            out_hbm.at[pl.ds(s * NPT, NPT), pl.ds(c * W, W)])

    return conv_kernel


def _make_edge_gather(N, E, W):
    TPE = E // NS
    NCH = TPE // K

    @functools.partial(
        pl.kernel,
        out_type=jax.ShapeDtypeStruct((E, 2 * W), F32),
        mesh=_mesh(),
        compiler_params=pltpu.CompilerParams(use_tc_tiling_on_sc=False),
        scratch_types=[
            pltpu.VMEM((IBLK, K), jnp.int32),
            pltpu.VMEM((IBLK, K), jnp.int32),
            pltpu.VMEM((K, W), F32),
            pltpu.VMEM((K, W), F32),
            pltpu.VMEM((K, W), F32),
            pltpu.VMEM((K, W), F32),
            pltpu.SemaphoreType.DMA,
            pltpu.SemaphoreType.DMA,
            pltpu.SemaphoreType.DMA,
            pltpu.SemaphoreType.DMA,
            pltpu.SemaphoreType.DMA,
            pltpu.SemaphoreType.DMA,
        ],
    )
    def eg_kernel(a_hbm, b_hbm, idx2_hbm, dst2_hbm, out_hbm,
                  sis_v, dis_v, ra0, rb0, ra1, rb1,
                  sa0, sb0, sa1, sb1, sw0, sw1):
        c = lax.axis_index("c")
        s = lax.axis_index("s")
        RPE = E // K
        ra = (ra0, ra1)
        rb = (rb0, rb1)
        sa = (sa0, sa1)
        sb = (sb0, sb1)
        sw = (sw0, sw1)
        base = s * TPE

        def block(ib, carry):
            rbase = c * RPE + s * NCH + ib * IBLK
            pltpu.sync_copy(idx2_hbm.at[pl.ds(rbase, IBLK)], sis_v)
            pltpu.sync_copy(dst2_hbm.at[pl.ds(rbase, IBLK)], dis_v)
            for p in range(2):
                pltpu.async_copy(a_hbm.at[sis_v.at[p]], ra[p], sa[p])
                pltpu.async_copy(b_hbm.at[dis_v.at[p]], rb[p], sb[p])

            def pair(t, cr):
                for p in range(2):
                    j = 2 * t + p
                    pltpu.make_async_copy(a_hbm.at[sis_v.at[0]],
                                          ra[p], sa[p]).wait()
                    pltpu.make_async_copy(b_hbm.at[dis_v.at[0]],
                                          rb[p], sb[p]).wait()

                    def row(r, rcr):
                        for k in range(W // 16):
                            sl = pl.ds(k * 16, 16)
                            ra[p][r, sl] = ra[p][r, sl] + rb[p][r, sl]
                        return rcr

                    lax.fori_loop(0, K, row, 0)
                    pltpu.async_copy(
                        ra[p],
                        out_hbm.at[pl.ds(base + (ib * IBLK + j) * K, K),
                                   pl.ds(c * W, W)], sw[p])

                    @pl.when(j + 2 < IBLK)
                    def _():
                        pltpu.make_async_copy(
                            ra[p],
                            out_hbm.at[pl.ds(base, K), pl.ds(c * W, W)],
                            sw[p]).wait()
                        pltpu.async_copy(a_hbm.at[sis_v.at[j + 2]],
                                         ra[p], sa[p])
                        pltpu.async_copy(b_hbm.at[dis_v.at[j + 2]],
                                         rb[p], sb[p])
                return cr

            lax.fori_loop(0, IBLK // 2, pair, 0)
            for p in range(2):
                pltpu.make_async_copy(
                    ra[p], out_hbm.at[pl.ds(base, K), pl.ds(c * W, W)],
                    sw[p]).wait()
            return carry

        lax.fori_loop(0, NCH // IBLK, block, 0)

    return eg_kernel



def _tc_idx(src_m, dst_m, N):
    R, Cm = src_m.shape

    def body(s_ref, d_ref, i2_ref, d2_ref):
        s = s_ref[...]
        d = d_ref[...]
        i2_ref[0] = s
        i2_ref[1] = s + N
        d2_ref[0] = d
        d2_ref[1] = d + N

    return pl.pallas_call(
        body,
        out_shape=[jax.ShapeDtypeStruct((2, R, Cm), jnp.int32)] * 2,
    )(src_m, dst_m)


def _tc_stats(x, batch_col):
    N, D = x.shape
    BN = 2000
    grid = (N // BN,)

    def body(x_ref, b_ref, sums_ref, cnt_ref):
        i = pl.program_id(0)
        oh = (b_ref[...] == lax.broadcasted_iota(jnp.int32, (BN, NGRP), 1)
              ).astype(F32)
        sums = lax.dot_general(oh, x_ref[...], (((0,), (0,)), ((), ())),
                               preferred_element_type=F32)
        cnt = lax.dot_general(oh, jnp.ones((BN, 128), F32),
                              (((0,), (0,)), ((), ())),
                              preferred_element_type=F32)

        @pl.when(i == 0)
        def _():
            sums_ref[...] = jnp.zeros_like(sums_ref)
            cnt_ref[...] = jnp.zeros_like(cnt_ref)

        sums_ref[...] += sums
        cnt_ref[...] += cnt

    return pl.pallas_call(
        body,
        grid=grid,
        in_specs=[pl.BlockSpec((BN, D), lambda i: (i, 0)),
                  pl.BlockSpec((BN, 1), lambda i: (i, 0))],
        out_specs=[pl.BlockSpec((NGRP, D), lambda i: (0, 0)),
                   pl.BlockSpec((NGRP, 128), lambda i: (0, 0))],
        out_shape=[jax.ShapeDtypeStruct((NGRP, D), F32),
                   jax.ShapeDtypeStruct((NGRP, 128), F32)],
    )(x, batch_col)


def _dinv_of(dg):
    deg = dg[:, 0:1] + dg[:, 8:9] + 1.0
    return lax.rsqrt(deg)


def _tc_z1(x, batch_col, degcat):
    N, D = x.shape
    BN = 2000
    grid = (N // BN,)

    def body(x_ref, b_ref, dg_ref, out_ref):
        dinv = _dinv_of(dg_ref)
        ohd = ((b_ref[...] == lax.broadcasted_iota(jnp.int32, (BN, NGRP), 1)
                ).astype(F32)) * dinv
        xd = x_ref[...] * dinv
        z = jnp.concatenate([xd, ohd, jnp.zeros((BN, NGRP), F32)], axis=1)
        out_ref[0] = z[:, :80]
        out_ref[1] = z[:, 80:]

    return pl.pallas_call(
        body,
        grid=grid,
        in_specs=[pl.BlockSpec((BN, D), lambda i: (i, 0)),
                  pl.BlockSpec((BN, 1), lambda i: (i, 0)),
                  pl.BlockSpec((BN, 128), lambda i: (i, 0))],
        out_specs=pl.BlockSpec((2, BN, 80), lambda i: (0, i, 0)),
        out_shape=jax.ShapeDtypeStruct((2, N, 80), F32),
    )(x, batch_col, degcat)


def _tc_h1(Zcat, zcat, degcat, sums_x, cnt, W1a, W1b, b1r, batch_col):
    N = zcat.shape[1]
    BN = 2000
    grid = (N // BN,)

    def body(Z_ref, z_ref, dg_ref, sx_ref, cnt_ref, wa_ref, wb_ref, b1_ref,
             bc_ref, h1_ref, sh_ref):
        i = pl.program_id(0)
        dinv = _dinv_of(dg_ref)
        means = sx_ref[...] / jnp.maximum(cnt_ref[:, 0:1], 1.0)
        Mb = jnp.dot(means, wb_ref[...], preferred_element_type=F32)
        Wzp = jnp.concatenate([wa_ref[...], Mb, jnp.zeros((NGRP, 256), F32)],
                              axis=0)
        V = (jnp.concatenate([Z_ref[0][:, :80], Z_ref[1][:, :80]], axis=1)
             + jnp.concatenate([z_ref[0], z_ref[1]], axis=1))
        pre = jnp.dot(V, Wzp, preferred_element_type=F32)
        h1 = jnp.maximum(dinv * pre + b1_ref[...], 0.0)
        h1_ref[...] = h1
        oh = (bc_ref[...] == lax.broadcasted_iota(jnp.int32, (BN, NGRP), 1)
              ).astype(F32)

        @pl.when(i == 0)
        def _():
            sh_ref[...] = jnp.zeros_like(sh_ref)

        sh_ref[...] += lax.dot_general(oh, h1, (((0,), (0,)), ((), ())),
                                       preferred_element_type=F32)

    return pl.pallas_call(
        body,
        grid=grid,
        in_specs=[pl.BlockSpec((2, BN, 128), lambda i: (0, i, 0)),
                  pl.BlockSpec((2, BN, 80), lambda i: (0, i, 0)),
                  pl.BlockSpec((BN, 128), lambda i: (i, 0)),
                  pl.BlockSpec((NGRP, 128), lambda i: (0, 0)),
                  pl.BlockSpec((NGRP, 128), lambda i: (0, 0)),
                  pl.BlockSpec((128, 256), lambda i: (0, 0)),
                  pl.BlockSpec((128, 256), lambda i: (0, 0)),
                  pl.BlockSpec((1, 256), lambda i: (0, 0)),
                  pl.BlockSpec((BN, 1), lambda i: (i, 0))],
        out_specs=[pl.BlockSpec((BN, 256), lambda i: (i, 0)),
                   pl.BlockSpec((NGRP, 256), lambda i: (0, 0))],
        out_shape=[jax.ShapeDtypeStruct((N, 256), F32),
                   jax.ShapeDtypeStruct((NGRP, 256), F32)],
    )(Zcat, zcat, degcat, sums_x, cnt, W1a, W1b, b1r, batch_col)


def _tc_prep2(h1, batch_col, degcat, sums_h1, cnt, W2a, W2b):
    N = h1.shape[0]
    BN = 2000
    grid = (N // BN,)

    def body(h_ref, b_ref, dg_ref, sh_ref, cnt_ref, wa_ref, wb_ref, out_ref):
        dinv = _dinv_of(dg_ref)
        means = sh_ref[...] / jnp.maximum(cnt_ref[:, 0:1], 1.0)
        Mb = jnp.dot(means, wb_ref[...], preferred_element_type=F32)
        oh = (b_ref[...] == lax.broadcasted_iota(jnp.int32, (BN, NGRP), 1)
              ).astype(F32)
        t2 = (jnp.dot(h_ref[...], wa_ref[...], preferred_element_type=F32)
              + jnp.dot(oh, Mb, preferred_element_type=F32))
        u2 = t2 * dinv
        out_ref[0] = u2[:, :64]
        out_ref[1] = u2[:, 64:]

    return pl.pallas_call(
        body,
        grid=grid,
        in_specs=[pl.BlockSpec((BN, 256), lambda i: (i, 0)),
                  pl.BlockSpec((BN, 1), lambda i: (i, 0)),
                  pl.BlockSpec((BN, 128), lambda i: (i, 0)),
                  pl.BlockSpec((NGRP, 256), lambda i: (0, 0)),
                  pl.BlockSpec((NGRP, 128), lambda i: (0, 0)),
                  pl.BlockSpec((256, 128), lambda i: (0, 0)),
                  pl.BlockSpec((256, 128), lambda i: (0, 0))],
        out_specs=pl.BlockSpec((2, BN, 64), lambda i: (0, i, 0)),
        out_shape=jax.ShapeDtypeStruct((2, N, 64), F32),
    )(h1, batch_col, degcat, sums_h1, cnt, W2a, W2b)


def _tc_h2p(S2cat, u2cat, degcat, b2r, WoAB):
    N = u2cat.shape[1]
    BN = 2000
    grid = (N // BN,)

    def body(s2_ref, u2_ref, dg_ref, b2_ref, wab_ref, a_ref, b_out_ref):
        dinv = _dinv_of(dg_ref)
        S2 = s2_ref[...]
        U2 = jnp.concatenate([u2_ref[0], u2_ref[1]], axis=1)
        h2 = jnp.maximum(dinv * (S2 + U2) + b2_ref[...], 0.0)
        P = jnp.dot(h2, wab_ref[...], preferred_element_type=F32)
        a_ref[0] = P[:, :64]
        a_ref[1] = P[:, 64:128]
        b_out_ref[0] = P[:, 128:192]
        b_out_ref[1] = P[:, 192:]

    return pl.pallas_call(
        body,
        grid=grid,
        in_specs=[pl.BlockSpec((BN, 128), lambda i: (i, 0)),
                  pl.BlockSpec((2, BN, 64), lambda i: (0, i, 0)),
                  pl.BlockSpec((BN, 128), lambda i: (i, 0)),
                  pl.BlockSpec((1, 128), lambda i: (0, 0)),
                  pl.BlockSpec((128, 256), lambda i: (0, 0))],
        out_specs=[pl.BlockSpec((2, BN, 64), lambda i: (0, i, 0)),
                   pl.BlockSpec((2, BN, 64), lambda i: (0, i, 0))],
        out_shape=[jax.ShapeDtypeStruct((2, N, 64), F32),
                   jax.ShapeDtypeStruct((2, N, 64), F32)],
    )(S2cat, u2cat, degcat, b2r, WoAB)


def _tc_final(g, edge_attr, We, ber, WoC, bor, Wf, bfr):
    E = edge_attr.shape[0]
    BE = 6400
    grid = (E // BE,)

    def body(g_ref, ea_ref, we_ref, be_ref, wc_ref, bo_ref, wf_ref, bf_ref,
             o_ref):
        e = jnp.maximum(jnp.dot(ea_ref[...], we_ref[...],
                                preferred_element_type=F32) + be_ref[...], 0.0)
        Cc = jnp.dot(e, wc_ref[...], preferred_element_type=F32)
        gf = g_ref[...]
        f = jnp.maximum(gf + Cc + bo_ref[...], 0.0)
        o4 = jnp.dot(f, wf_ref[...], preferred_element_type=F32) + bf_ref[...]
        o_ref[...] = o4.T

    return pl.pallas_call(
        body,
        grid=grid,
        in_specs=[pl.BlockSpec((BE, 128), lambda i: (i, 0)),
                  pl.BlockSpec((BE, 16), lambda i: (i, 0)),
                  pl.BlockSpec((16, 64), lambda i: (0, 0)),
                  pl.BlockSpec((1, 64), lambda i: (0, 0)),
                  pl.BlockSpec((64, 128), lambda i: (0, 0)),
                  pl.BlockSpec((1, 128), lambda i: (0, 0)),
                  pl.BlockSpec((128, 4), lambda i: (0, 0)),
                  pl.BlockSpec((1, 4), lambda i: (0, 0))],
        out_specs=pl.BlockSpec((4, BE), lambda i: (0, i)),
        out_shape=jax.ShapeDtypeStruct((4, E), F32),
    )(g, edge_attr, We, ber, WoC, bor, Wf, bfr)



def kernel(x, edge_index, edge_attr, batch, W1, b1, W2, b2, We, be, Wo, bo,
           Wf, bf):
    N, D = x.shape
    E = edge_index.shape[1]
    src, dst = edge_index[0], edge_index[1]
    batch_col = batch.reshape(N, 1)

    idx2_m, dst2_m = _tc_idx(src.reshape(E // 128, 128),
                             dst.reshape(E // 128, 128), N)
    idx2 = idx2_m.reshape(2 * E // K, K)
    dst2 = dst2_m.reshape(2 * E // K, K)
    dst_rows = dst.reshape(E // K, K)
    NPT = _pad16x8(N) // NS

    sums_x, cnt = _tc_stats(x, batch_col)
    degcat = _make_deg(N, E)(dst_rows, jnp.zeros((NPT, 8), F32),
                             jnp.ones((K, 8), F32))

    zcat = _tc_z1(x, batch_col, degcat)
    Zcat = _make_conv(N, E, 80, True)(zcat.reshape(2 * N, 80), idx2,
                                      dst_rows, jnp.zeros((NPT, 80), F32))
    h1, sums_h1 = _tc_h1(Zcat, zcat, degcat, sums_x, cnt, W1[:D], W1[D:],
                         b1.reshape(1, -1), batch_col)

    u2cat = _tc_prep2(h1, batch_col, degcat, sums_h1, cnt, W2[:256], W2[256:])
    S2cat = _make_conv(N, E, 64, False)(u2cat.reshape(2 * N, 64), idx2,
                                        dst_rows, jnp.zeros((NPT, 64), F32))
    WoAB = jnp.concatenate([Wo[:128], Wo[128:256]], axis=1)
    Acat, Bcat = _tc_h2p(S2cat, u2cat, degcat, b2.reshape(1, -1), WoAB)

    g = _make_edge_gather(N, E, 64)(Acat.reshape(2 * N, 64),
                                    Bcat.reshape(2 * N, 64), idx2, dst2)
    out_t = _tc_final(g, edge_attr, We, be.reshape(1, -1), Wo[256:],
                      bo.reshape(1, -1), Wf, bf.reshape(1, -1))
    return out_t.T

# --- scband reference (transcript-rebuilt; emitter-appended) ---
"""Pipeline reference for scband-u-gcn-5798205849656 (READ-ONLY COPY).

The authoritative reference and input builder live on the scoring server;
editing this copy changes nothing except your own understanding.
"""

import jax, jax.numpy as jnp
import numpy as np

N = 10000
E = 320000
G = 16
D_NODE = 128
D_EDGE = 16


def _glorot(key, shape):
    fan_in, fan_out = shape[0], shape[1]
    lim = (6.0 / (fan_in + fan_out)) ** 0.5
    return jax.random.uniform(key, shape, minval=-lim, maxval=lim, dtype=jnp.float32)


def setup_inputs(seed: int = 0):
    key = jax.random.key(seed)
    ks = jax.random.split(key, 10)
    x = jax.random.normal(ks[0], (N, D_NODE), dtype=jnp.float32)
    edge_index = jax.random.randint(ks[1], (2, E), 0, N, dtype=jnp.int32)
    edge_attr = jax.random.normal(ks[2], (E, D_EDGE), dtype=jnp.float32)
    batch = jnp.sort(jax.random.randint(ks[3], (N,), 0, G, dtype=jnp.int32))
    W1 = _glorot(ks[4], (2 * D_NODE, 256)); b1 = jnp.zeros((256,), jnp.float32)
    W2 = _glorot(ks[5], (2 * 256, 128)); b2 = jnp.zeros((128,), jnp.float32)
    We = _glorot(ks[6], (D_EDGE, 64)); be = jnp.zeros((64,), jnp.float32)
    Wo = _glorot(ks[7], (128 * 2 + 64, 128)); bo = jnp.zeros((128,), jnp.float32)
    Wf = _glorot(ks[8], (128, 4)); bf = jnp.zeros((4,), jnp.float32)
    return {"x": x, "edge_index": edge_index, "edge_attr": edge_attr, "batch": batch,
            "W1": W1, "b1": b1, "W2": W2, "b2": b2, "We": We, "be": be,
            "Wo": Wo, "bo": bo, "Wf": Wf, "bf": bf}


def _global_mean_pool(x, batch):
    sums = jax.ops.segment_sum(x, batch, num_segments=G)
    cnt = jax.ops.segment_sum(jnp.ones((x.shape[0], 1), jnp.float32), batch, num_segments=G)
    means = sums / jnp.maximum(cnt, 1.0)
    return means[batch]


def _gcn_conv(x, edge_index, W, b):
    # GCNConv: add self-loops, symmetric norm D^-1/2 (A+I) D^-1/2 X W + b
    n = x.shape[0]
    loop = jnp.arange(n, dtype=edge_index.dtype)
    src = jnp.concatenate([edge_index[0], loop])
    dst = jnp.concatenate([edge_index[1], loop])
    h = x @ W
    deg = jax.ops.segment_sum(jnp.ones(src.shape[0], jnp.float32), dst, num_segments=n)
    dinv = jnp.where(deg > 0, deg ** -0.5, 0.0)
    norm = dinv[src] * dinv[dst]
    out = jax.ops.segment_sum(h[src] * norm[:, None], dst, num_segments=n)
    return out + b


def reference(x, edge_index, edge_attr, batch, W1, b1, W2, b2, We, be, Wo, bo, Wf, bf):
    src, dst = edge_index[0], edge_index[1]
    h = jnp.concatenate([x, _global_mean_pool(x, batch)], axis=1)
    h = jax.nn.relu(_gcn_conv(h, edge_index, W1, b1))
    h = jnp.concatenate([h, _global_mean_pool(h, batch)], axis=1)
    h = jax.nn.relu(_gcn_conv(h, edge_index, W2, b2))
    e = jax.nn.relu(edge_attr @ We + be)
    f = jnp.concatenate([h[src], h[dst], e], axis=1)
    f = jax.nn.relu(f @ Wo + bo)
    return f @ Wf + bf

if __name__ == "__main__":
    import jax
    _d = setup_inputs()
    print(jax.jit(kernel)(*tuple(_d.values())))

</pallas_src>

<mosaic_0001>
#map = affine_map<(d0, d1) -> (0, 0)>
module attributes {stable_mosaic.version = 14 : i64} {
  func.func @eg_kernel(%arg0: i32, %arg1: i32, %arg2: memref<20000x64xf32, #tpu.memory_space<hbm>>, %arg3: memref<20000x64xf32, #tpu.memory_space<hbm>>, %arg4: memref<8000x80xi32, #tpu.memory_space<hbm>>, %arg5: memref<8000x80xi32, #tpu.memory_space<hbm>>, %arg6: memref<320000x128xf32, #tpu.memory_space<hbm>>, %arg7: memref<50x80xi32, #tpu.memory_space<vmem>>, %arg8: memref<50x80xi32, #tpu.memory_space<vmem>>, %arg9: memref<80x64xf32, #tpu.memory_space<vmem>>, %arg10: memref<80x64xf32, #tpu.memory_space<vmem>>, %arg11: memref<80x64xf32, #tpu.memory_space<vmem>>, %arg12: memref<80x64xf32, #tpu.memory_space<vmem>>, %arg13: memref<!tpu.dma_semaphore, #tpu.memory_space<semaphore_mem>>, %arg14: memref<!tpu.dma_semaphore, #tpu.memory_space<semaphore_mem>>, %arg15: memref<!tpu.dma_semaphore, #tpu.memory_space<semaphore_mem>>, %arg16: memref<!tpu.dma_semaphore, #tpu.memory_space<semaphore_mem>>, %arg17: memref<!tpu.dma_semaphore, #tpu.memory_space<semaphore_mem>>, %arg18: memref<!tpu.dma_semaphore, #tpu.memory_space<semaphore_mem>>) attributes {dimension_semantics = [#tpu.dimension_semantics<core_parallel>, #tpu.dimension_semantics<subcore_parallel>], iteration_bounds = array<i64: 2, 16>, scalar_prefetch = 0 : i64, scratch_operands = 12 : i64, tpu.core_type = #tpu.core_type<sc_vector_subcore>, window_params = [{transform_indices = #map}, {transform_indices = #map}, {transform_indices = #map}, {transform_indices = #map}, {transform_indices = #map}]} {
    %mul3A = arith.constant 20000 : i32
    %mul3A_0 = arith.muli %arg1, %mul3A : i32
    %scan3A = arith.constant 0 : i32
    %scan3A_1 = arith.constant 0 : i32
    %scan3A_2 = arith.constant 5 : i32
    %scan3A_3 = arith.addi %scan3A_1, %scan3A_2 : i32
    %scan3A_4 = arith.constant 1 : i32
    scf.for %scan3A_6 = %scan3A_1 to %scan3A_3 step %scan3A_4  : i32 {
      %mul3A_7 = arith.constant 4000 : i32
      %mul3A_8 = arith.muli %arg0, %mul3A_7 : i32
      %mul3A_9 = arith.constant 250 : i32
      %mul3A_10 = arith.muli %arg1, %mul3A_9 : i32
      %add3A = arith.addi %mul3A_8, %mul3A_10 : i32
      %mul3A_11 = arith.constant 50 : i32
      %mul3A_12 = arith.muli %scan3A_6, %mul3A_11 : i32
      %add3A_13 = arith.addi %add3A, %mul3A_12 : i32
      "tpu.region"() ({
        %run_scoped3A = tpu.sem_alloc : memref<!tpu.dma_semaphore, #tpu.memory_space<semaphore_mem>>
        %dma_start3A_54 = arith.constant 0 : i32
        %dma_start3A_55 = tpu.memref_slice %arg4[%add3A_13, %dma_start3A_54] : memref<8000x80xi32, #tpu.memory_space<hbm>> -> memref<50x80xi32, #tpu.memory_space<hbm>>
        %dma_start3A_56 = arith.constant 0 : i32
        %dma_start3A_57 = tpu.memref_slice %arg4[%add3A_13, %dma_start3A_56] : memref<8000x80xi32, #tpu.memory_space<hbm>> -> memref<50x80xi32, #tpu.memory_space<hbm>>
        tpu.enqueue_dma source(%dma_start3A_57 : memref<50x80xi32, #tpu.memory_space<hbm>>) target(%arg7 : memref<50x80xi32, #tpu.memory_space<vmem>>) target_semaphore(%run_scoped3A : memref<!tpu.dma_semaphore, #tpu.memory_space<semaphore_mem>>)
        %dma_wait3A_58 = arith.constant 0 : i32
        %dma_wait3A_59 = tpu.memref_slice %arg4[%add3A_13, %dma_wait3A_58] : memref<8000x80xi32, #tpu.memory_space<hbm>> -> memref<50x80xi32, #tpu.memory_space<hbm>>
        %dma_wait3A_60 = arith.constant 0 : i32
        %dma_wait3A_61 = tpu.memref_slice %arg4[%add3A_13, %dma_wait3A_60] : memref<8000x80xi32, #tpu.memory_space<hbm>> -> memref<50x80xi32, #tpu.memory_space<hbm>>
        tpu.wait_dma2 semaphore(%run_scoped3A : memref<!tpu.dma_semaphore, #tpu.memory_space<semaphore_mem>>) src(%dma_wait3A_61 : memref<50x80xi32, #tpu.memory_space<hbm>>) dst(%arg7 : memref<50x80xi32, #tpu.memory_space<vmem>>)
        tpu.yield
      }) : () -> ()
      "tpu.region"() ({
        %run_scoped3A = tpu.sem_alloc : memref<!tpu.dma_semaphore, #tpu.memory_space<semaphore_mem>>
        %dma_start3A_54 = arith.constant 0 : i32
        %dma_start3A_55 = tpu.memref_slice %arg5[%add3A_13, %dma_start3A_54] : memref<8000x80xi32, #tpu.memory_space<hbm>> -> memref<50x80xi32, #tpu.memory_space<hbm>>
        %dma_start3A_56 = arith.constant 0 : i32
        %dma_start3A_57 = tpu.memref_slice %arg5[%add3A_13, %dma_start3A_56] : memref<8000x80xi32, #tpu.memory_space<hbm>> -> memref<50x80xi32, #tpu.memory_space<hbm>>
        tpu.enqueue_dma source(%dma_start3A_57 : memref<50x80xi32, #tpu.memory_space<hbm>>) target(%arg8 : memref<50x80xi32, #tpu.memory_space<vmem>>) target_semaphore(%run_scoped3A : memref<!tpu.dma_semaphore, #tpu.memory_space<semaphore_mem>>)
        %dma_wait3A_58 = arith.constant 0 : i32
        %dma_wait3A_59 = tpu.memref_slice %arg5[%add3A_13, %dma_wait3A_58] : memref<8000x80xi32, #tpu.memory_space<hbm>> -> memref<50x80xi32, #tpu.memory_space<hbm>>
        %dma_wait3A_60 = arith.constant 0 : i32
        %dma_wait3A_61 = tpu.memref_slice %arg5[%add3A_13, %dma_wait3A_60] : memref<8000x80xi32, #tpu.memory_space<hbm>> -> memref<50x80xi32, #tpu.memory_space<hbm>>
        tpu.wait_dma2 semaphore(%run_scoped3A : memref<!tpu.dma_semaphore, #tpu.memory_space<semaphore_mem>>) src(%dma_wait3A_61 : memref<50x80xi32, #tpu.memory_space<hbm>>) dst(%arg8 : memref<50x80xi32, #tpu.memory_space<vmem>>)
        tpu.yield
      }) : () -> ()
      %dma_start3A = arith.constant 0 : i32
      %dma_start3A_14 = arith.constant 0 : i32
      %dma_start3A_15 = tpu.memref_slice %arg7[%dma_start3A, %dma_start3A_14] : memref<50x80xi32, #tpu.memory_space<vmem>> -> memref<1x80xi32, #tpu.memory_space<vmem>>
      %dma_start3A_16 = tpu.memref_squeeze %dma_start3A_15 : memref<1x80xi32, #tpu.memory_space<vmem>> -> memref<80xi32, #tpu.memory_space<vmem>>
      %dma_start3A_17 = arith.constant 0 : i32
      %dma_start3A_18 = arith.constant 0 : i32
      %dma_start3A_19 = tpu.memref_slice %arg2[%dma_start3A_17, %dma_start3A_18] : memref<20000x64xf32, #tpu.memory_space<hbm>> -> memref<20000x64xf32, #tpu.memory_space<hbm>>
      tpu.enqueue_indirect_dma source(%dma_start3A_19 : memref<20000x64xf32, #tpu.memory_space<hbm>>) target(%arg9 : memref<80x64xf32, #tpu.memory_space<vmem>>) offsets(%dma_start3A_16 : memref<80xi32, #tpu.memory_space<vmem>>) semaphore(%arg13 : memref<!tpu.dma_semaphore, #tpu.memory_space<semaphore_mem>>)
      %dma_start3A_20 = arith.constant 0 : i32
      %dma_start3A_21 = arith.constant 0 : i32
      %dma_start3A_22 = tpu.memref_slice %arg8[%dma_start3A_20, %dma_start3A_21] : memref<50x80xi32, #tpu.memory_space<vmem>> -> memref<1x80xi32, #tpu.memory_space<vmem>>
      %dma_start3A_23 = tpu.memref_squeeze %dma_start3A_22 : memref<1x80xi32, #tpu.memory_space<vmem>> -> memref<80xi32, #tpu.memory_space<vmem>>
      %dma_start3A_24 = arith.constant 0 : i32
      %dma_start3A_25 = arith.constant 0 : i32
      %dma_start3A_26 = tpu.memref_slice %arg3[%dma_start3A_24, %dma_start3A_25] : memref<20000x64xf32, #tpu.memory_space<hbm>> -> memref<20000x64xf32, #tpu.memory_space<hbm>>
      tpu.enqueue_indirect_dma source(%dma_start3A_26 : memref<20000x64xf32, #tpu.memory_space<hbm>>) target(%arg10 : memref<80x64xf32, #tpu.memory_space<vmem>>) offsets(%dma_start3A_23 : memref<80xi32, #tpu.memory_space<vmem>>) semaphore(%arg14 : memref<!tpu.dma_semaphore, #tpu.memory_space<semaphore_mem>>)
      %dma_start3A_27 = arith.constant 1 : i32
      %dma_start3A_28 = arith.constant 0 : i32
      %dma_start3A_29 = tpu.memref_slice %arg7[%dma_start3A_27, %dma_start3A_28] : memref<50x80xi32, #tpu.memory_space<vmem>> -> memref<1x80xi32, #tpu.memory_space<vmem>>
      %dma_start3A_30 = tpu.memref_squeeze %dma_start3A_29 : memref<1x80xi32, #tpu.memory_space<vmem>> -> memref<80xi32, #tpu.memory_space<vmem>>
      %dma_start3A_31 = arith.constant 0 : i32
      %dma_start3A_32 = arith.constant 0 : i32
      %dma_start3A_33 = tpu.memref_slice %arg2[%dma_start3A_31, %dma_start3A_32] : memref<20000x64xf32, #tpu.memory_space<hbm>> -> memref<20000x64xf32, #tpu.memory_space<hbm>>
      tpu.enqueue_indirect_dma source(%dma_start3A_33 : memref<20000x64xf32, #tpu.memory_space<hbm>>) target(%arg11 : memref<80x64xf32, #tpu.memory_space<vmem>>) offsets(%dma_start3A_30 : memref<80xi32, #tpu.memory_space<vmem>>) semaphore(%arg15 : memref<!tpu.dma_semaphore, #tpu.memory_space<semaphore_mem>>)
      %dma_start3A_34 = arith.constant 1 : i32
      %dma_start3A_35 = arith.constant 0 : i32
      %dma_start3A_36 = tpu.memref_slice %arg8[%dma_start3A_34, %dma_start3A_35] : memref<50x80xi32, #tpu.memory_space<vmem>> -> memref<1x80xi32, #tpu.memory_space<vmem>>
      %dma_start3A_37 = tpu.memref_squeeze %dma_start3A_36 : memref<1x80xi32, #tpu.memory_space<vmem>> -> memref<80xi32, #tpu.memory_space<vmem>>
      %dma_start3A_38 = arith.constant 0 : i32
      %dma_start3A_39 = arith.constant 0 : i32
      %dma_start3A_40 = tpu.memref_slice %arg3[%dma_start3A_38, %dma_start3A_39] : memref<20000x64xf32, #tpu.memory_space<hbm>> -> memref<20000x64xf32, #tpu.memory_space<hbm>>
      tpu.enqueue_indirect_dma source(%dma_start3A_40 : memref<20000x64xf32, #tpu.memory_space<hbm>>) target(%arg12 : memref<80x64xf32, #tpu.memory_space<vmem>>) offsets(%dma_start3A_37 : memref<80xi32, #tpu.memory_space<vmem>>) semaphore(%arg16 : memref<!tpu.dma_semaphore, #tpu.memory_space<semaphore_mem>>)
      %scan3A_41 = arith.constant 0 : i32
      %scan3A_42 = arith.constant 0 : i32
      %scan3A_43 = arith.constant 25 : i32
      %scan3A_44 = arith.addi %scan3A_42, %scan3A_43 : i32
      %scan3A_45 = arith.constant 1 : i32
      scf.for %scan3A_54 = %scan3A_42 to %scan3A_44 step %scan3A_45  : i32 {
        %mul3A_55 = arith.constant 2 : i32
        %mul3A_56 = arith.muli %mul3A_55, %scan3A_54 : i32
        %add3A_57 = arith.constant 0 : i32
        %add3A_58 = arith.addi %mul3A_56, %add3A_57 : i32
        %dma_wait3A_59 = arith.constant 0 : i32
        %dma_wait3A_60 = arith.constant 0 : i32
        %dma_wait3A_61 = tpu.memref_slice %arg7[%dma_wait3A_59, %dma_wait3A_60] : memref<50x80xi32, #tpu.memory_space<vmem>> -> memref<1x80xi32, #tpu.memory_space<vmem>>
        %dma_wait3A_62 = tpu.memref_squeeze %dma_wait3A_61 : memref<1x80xi32, #tpu.memory_space<vmem>> -> memref<80xi32, #tpu.memory_space<vmem>>
        %dma_wait3A_63 = arith.constant 0 : i32
        %dma_wait3A_64 = arith.constant 0 : i32
        %dma_wait3A_65 = tpu.memref_slice %arg2[%dma_wait3A_63, %dma_wait3A_64] : memref<20000x64xf32, #tpu.memory_space<hbm>> -> memref<20000x64xf32, #tpu.memory_space<hbm>>
        tpu.wait_indirect_dma semaphore(%arg13 : memref<!tpu.dma_semaphore, #tpu.memory_space<semaphore_mem>>) src(%dma_wait3A_65 : memref<20000x64xf32, #tpu.memory_space<hbm>>) dst(%arg9 : memref<80x64xf32, #tpu.memory_space<vmem>>)
        %dma_wait3A_66 = arith.constant 0 : i32
        %dma_wait3A_67 = arith.constant 0 : i32
        %dma_wait3A_68 = tpu.memref_slice %arg8[%dma_wait3A_66, %dma_wait3A_67] : memref<50x80xi32, #tpu.memory_space<vmem>> -> memref<1x80xi32, #tpu.memory_space<vmem>>
        %dma_wait3A_69 = tpu.memref_squeeze %dma_wait3A_68 : memref<1x80xi32, #tpu.memory_space<vmem>> -> memref<80xi32, #tpu.memory_space<vmem>>
        %dma_wait3A_70 = arith.constant 0 : i32
        %dma_wait3A_71 = arith.constant 0 : i32
        %dma_wait3A_72 = tpu.memref_slice %arg3[%dma_wait3A_70, %dma_wait3A_71] : memref<20000x64xf32, #tpu.memory_space<hbm>> -> memref<20000x64xf32, #tpu.memory_space<hbm>>
        tpu.wait_indirect_dma semaphore(%arg14 : memref<!tpu.dma_semaphore, #tpu.memory_space<semaphore_mem>>) src(%dma_wait3A_72 : memref<20000x64xf32, #tpu.memory_space<hbm>>) dst(%arg10 : memref<80x64xf32, #tpu.memory_space<vmem>>)
        %scan3A_73 = arith.constant 0 : i32
        %scan3A_74 = arith.constant 0 : i32
        %scan3A_75 = arith.constant 80 : i32
        %scan3A_76 = arith.addi %scan3A_74, %scan3A_75 : i32
        %scan3A_77 = arith.constant 1 : i32
        scf.for %scan3A_134 = %scan3A_74 to %scan3A_76 step %scan3A_77  : i32 {
          %get3A = arith.index_cast %scan3A_134 : i32 to index
          %get3A_135 = arith.constant 0 : index
          %get3A_136 = tpu.vector_load %arg9[%get3A, %get3A_135] {strides = array<i32>} : memref<80x64xf32, #tpu.memory_space<vmem>>, vector<1x16xf32>,
          %get3A_137 = vector.shape_cast %get3A_136 : vector<1x16xf32> to vector<16xf32>
          %get3A_138 = arith.index_cast %scan3A_134 : i32 to index
          %get3A_139 = arith.constant 0 : index
          %get3A_140 = tpu.vector_load %arg10[%get3A_138, %get3A_139] {strides = array<i32>} : memref<80x64xf32, #tpu.memory_space<vmem>>, vector<1x16xf32>,
          %get3A_141 = vector.shape_cast %get3A_140 : vector<1x16xf32> to vector<16xf32>
          %add3A_142 = arith.addf %get3A_137, %get3A_141 : vector<16xf32>
          %swap3A = arith.index_cast %scan3A_134 : i32 to index
          %swap3A_143 = arith.constant 0 : index
          %swap3A_144 = tpu.vector_load %arg9[%swap3A, %swap3A_143] {strides = array<i32>} : memref<80x64xf32, #tpu.memory_space<vmem>>, vector<1x16xf32>,
          %swap3A_145 = vector.shape_cast %swap3A_144 : vector<1x16xf32> to vector<16xf32>
          %swap3A_146 = vector.shape_cast %add3A_142 : vector<16xf32> to vector<1x16xf32>
          tpu.vector_store %arg9[%swap3A, %swap3A_143], %swap3A_146 {strides = array<i32>} : memref<80x64xf32, #tpu.memory_space<vmem>>, vector<1x16xf32>,
          %get3A_147 = arith.index_cast %scan3A_134 : i32 to index
          %get3A_148 = arith.constant 16 : index
          %get3A_149 = tpu.vector_load %arg9[%get3A_147, %get3A_148] {strides = array<i32>} : memref<80x64xf32, #tpu.memory_space<vmem>>, vector<1x16xf32>,
          %get3A_150 = vector.shape_cast %get3A_149 : vector<1x16xf32> to vector<16xf32>
          %get3A_151 = arith.index_cast %scan3A_134 : i32 to index
          %get3A_152 = arith.constant 16 : index
          %get3A_153 = tpu.vector_load %arg10[%get3A_151, %get3A_152] {strides = array<i32>} : memref<80x64xf32, #tpu.memory_space<vmem>>, vector<1x16xf32>,
          %get3A_154 = vector.shape_cast %get3A_153 : vector<1x16xf32> to vector<16xf32>
          %add3A_155 = arith.addf %get3A_150, %get3A_154 : vector<16xf32>
          %swap3A_156 = arith.index_cast %scan3A_134 : i32 to index
          %swap3A_157 = arith.constant 16 : index
          %swap3A_158 = tpu.vector_load %arg9[%swap3A_156, %swap3A_157] {strides = array<i32>} : memref<80x64xf32, #tpu.memory_space<vmem>>, vector<1x16xf32>,
          %swap3A_159 = vector.shape_cast %swap3A_158 : vector<1x16xf32> to vector<16xf32>
          %swap3A_160 = vector.shape_cast %add3A_155 : vector<16xf32> to vector<1x16xf32>
          tpu.vector_store %arg9[%swap3A_156, %swap3A_157], %swap3A_160 {strides = array<i32>} : memref<80x64xf32, #tpu.memory_space<vmem>>, vector<1x16xf32>,
          %get3A_161 = arith.index_cast %scan3A_134 : i32 to index
          %get3A_162 = arith.constant 32 : index
          %get3A_163 = tpu.vector_load %arg9[%get3A_161, %get3A_162] {strides = array<i32>} : memref<80x64xf32, #tpu.memory_space<vmem>>, vector<1x16xf32>,
          %get3A_164 = vector.shape_cast %get3A_163 : vector<1x16xf32> to vector<16xf32>
          %get3A_165 = arith.index_cast %scan3A_134 : i32 to index
          %get3A_166 = arith.constant 32 : index
          %get3A_167 = tpu.vector_load %arg10[%get3A_165, %get3A_166] {strides = array<i32>} : memref<80x64xf32, #tpu.memory_space<vmem>>, vector<1x16xf32>,
          %get3A_168 = vector.shape_cast %get3A_167 : vector<1x16xf32> to vector<16xf32>
          %add3A_169 = arith.addf %get3A_164, %get3A_168 : vector<16xf32>
          %swap3A_170 = arith.index_cast %scan3A_134 : i32 to index
          %swap3A_171 = arith.constant 32 : index
          %swap3A_172 = tpu.vector_load %arg9[%swap3A_170, %swap3A_171] {strides = array<i32>} : memref<80x64xf32, #tpu.memory_space<vmem>>, vector<1x16xf32>,
          %swap3A_173 = vector.shape_cast %swap3A_172 : vector<1x16xf32> to vector<16xf32>
          %swap3A_174 = vector.shape_cast %add3A_169 : vector<16xf32> to vector<1x16xf32>
          tpu.vector_store %arg9[%swap3A_170, %swap3A_171], %swap3A_174 {strides = array<i32>} : memref<80x64xf32, #tpu.memory_space<vmem>>, vector<1x16xf32>,
          %get3A_175 = arith.index_cast %scan3A_134 : i32 to index
          %get3A_176 = arith.constant 48 : index
          %get3A_177 = tpu.vector_load %arg9[%get3A_175, %get3A_176] {strides = array<i32>} : memref<80x64xf32, #tpu.memory_space<vmem>>, vector<1x16xf32>,
          %get3A_178 = vector.shape_cast %get3A_177 : vector<1x16xf32> to vector<16xf32>
          %get3A_179 = arith.index_cast %scan3A_134 : i32 to index
          %get3A_180 = arith.constant 48 : index
          %get3A_181 = tpu.vector_load %arg10[%get3A_179, %get3A_180] {strides = array<i32>} : memref<80x64xf32, #tpu.memory_space<vmem>>, vector<1x16xf32>,
          %get3A_182 = vector.shape_cast %get3A_181 : vector<1x16xf32> to vector<16xf32>
          %add3A_183 = arith.addf %get3A_178, %get3A_182 : vector<16xf32>
          %swap3A_184 = arith.index_cast %scan3A_134 : i32 to index
          %swap3A_185 = arith.constant 48 : index
          %swap3A_186 = tpu.vector_load %arg9[%swap3A_184, %swap3A_185] {strides = array<i32>} : memref<80x64xf32, #tpu.memory_space<vmem>>, vector<1x16xf32>,
          %swap3A_187 = vector.shape_cast %swap3A_186 : vector<1x16xf32> to vector<16xf32>
          %swap3A_188 = vector.shape_cast %add3A_183 : vector<16xf32> to vector<1x16xf32>
          tpu.vector_store %arg9[%swap3A_184, %swap3A_185], %swap3A_188 {strides = array<i32>} : memref<80x64xf32, #tpu.memory_space<vmem>>, vector<1x16xf32>,
        }
        %scan3A_78 = arith.constant 80 : i32
        %mul3A_79 = arith.constant 50 : i32
        %mul3A_80 = arith.muli %scan3A_6, %mul3A_79 : i32
        %add3A_81 = arith.addi %mul3A_80, %add3A_58 : i32
        %mul3A_82 = arith.constant 80 : i32
        %mul3A_83 = arith.muli %add3A_81, %mul3A_82 : i32
        %add3A_84 = arith.addi %mul3A_0, %mul3A_83 : i32
        %mul3A_85 = arith.constant 64 : i32
        %mul3A_86 = arith.muli %arg0, %mul3A_85 : i32
        %dma_start3A_87 = tpu.memref_slice %arg6[%add3A_84, %mul3A_86] : memref<320000x128xf32, #tpu.memory_space<hbm>> -> memref<80x64xf32, #tpu.memory_space<hbm>>
        %dma_start3A_88 = tpu.memref_slice %arg6[%add3A_84, %mul3A_86] : memref<320000x128xf32, #tpu.memory_space<hbm>> -> memref<80x64xf32, #tpu.memory_space<hbm>>
        tpu.enqueue_dma source(%arg9 : memref<80x64xf32, #tpu.memory_space<vmem>>) target(%dma_start3A_88 : memref<80x64xf32, #tpu.memory_space<hbm>>) target_semaphore(%arg17 : memref<!tpu.dma_semaphore, #tpu.memory_space<semaphore_mem>>)
        %add3A_89 = arith.constant 2 : i32
        %add3A_90 = arith.addi %add3A_58, %add3A_89 : i32
        %lt3A = arith.constant 50 : i32
        %lt3A_91 = arith.cmpi slt, %add3A_90, %lt3A : i32
        %convert_element_type3A = arith.extui %lt3A_91 : i1 to i32
        %cond3A = arith.constant 0 : i32
        %cond3A_92 = arith.cmpi ne, %convert_element_type3A, %cond3A : i32
        scf.if %cond3A_92 {
          %mul3A_134 = arith.constant 64 : i32
          %mul3A_135 = arith.muli %arg0, %mul3A_134 : i32
          %dma_wait3A_136 = tpu.memref_slice %arg6[%mul3A_0, %mul3A_135] : memref<320000x128xf32, #tpu.memory_space<hbm>> -> memref<80x64xf32, #tpu.memory_space<hbm>>
          %dma_wait3A_137 = tpu.memref_slice %arg6[%mul3A_0, %mul3A_135] : memref<320000x128xf32, #tpu.memory_space<hbm>> -> memref<80x64xf32, #tpu.memory_space<hbm>>
          tpu.wait_dma2 semaphore(%arg17 : memref<!tpu.dma_semaphore, #tpu.memory_space<semaphore_mem>>) src(%arg9 : memref<80x64xf32, #tpu.memory_space<vmem>>) dst(%dma_wait3A_137 : memref<80x64xf32, #tpu.memory_space<hbm>>)
          %add3A_138 = arith.constant 2 : i32
          %add3A_139 = arith.addi %add3A_58, %add3A_138 : i32
          %dma_start3A_140 = arith.constant 0 : i32
          %dma_start3A_141 = tpu.memref_slice %arg7[%add3A_139, %dma_start3A_140] : memref<50x80xi32, #tpu.memory_space<vmem>> -> memref<1x80xi32, #tpu.memory_space<vmem>>
          %dma_start3A_142 = tpu.memref_squeeze %dma_start3A_141 : memref<1x80xi32, #tpu.memory_space<vmem>> -> memref<80xi32, #tpu.memory_space<vmem>>
          %dma_start3A_143 = arith.constant 0 : i32
          %dma_start3A_144 = arith.constant 0 : i32
          %dma_start3A_145 = tpu.memref_slice %arg2[%dma_start3A_143, %dma_start3A_144] : memref<20000x64xf32, #tpu.memory_space<hbm>> -> memref<20000x64xf32, #tpu.memory_space<hbm>>
          tpu.enqueue_indirect_dma source(%dma_start3A_145 : memref<20000x64xf32, #tpu.memory_space<hbm>>) target(%arg9 : memref<80x64xf32, #tpu.memory_space<vmem>>) offsets(%dma_start3A_142 : memref<80xi32, #tpu.memory_space<vmem>>) semaphore(%arg13 : memref<!tpu.dma_semaphore, #tpu.memory_space<semaphore_mem>>)
          %add3A_146 = arith.constant 2 : i32
          %add3A_147 = arith.addi %add3A_58, %add3A_146 : i32
          %dma_start3A_148 = arith.constant 0 : i32
          %dma_start3A_149 = tpu.memref_slice %arg8[%add3A_147, %dma_start3A_148] : memref<50x80xi32, #tpu.memory_space<vmem>> -> memref<1x80xi32, #tpu.memory_space<vmem>>
          %dma_start3A_150 = tpu.memref_squeeze %dma_start3A_149 : memref<1x80xi32, #tpu.memory_space<vmem>> -> memref<80xi32, #tpu.memory_space<vmem>>
          %dma_start3A_151 = arith.constant 0 : i32
          %dma_start3A_152 = arith.constant 0 : i32
          %dma_start3A_153 = tpu.memref_slice %arg3[%dma_start3A_151, %dma_start3A_152] : memref<20000x64xf32, #tpu.memory_space<hbm>> -> memref<20000x64xf32, #tpu.memory_space<hbm>>
          tpu.enqueue_indirect_dma source(%dma_start3A_153 : memref<20000x64xf32, #tpu.memory_space<hbm>>) target(%arg10 : memref<80x64xf32, #tpu.memory_space<vmem>>) offsets(%dma_start3A_150 : memref<80xi32, #tpu.memory_space<vmem>>) semaphore(%arg14 : memref<!tpu.dma_semaphore, #tpu.memory_space<semaphore_mem>>)
        } else {
        }
        %mul3A_93 = arith.constant 2 : i32
        %mul3A_94 = arith.muli %mul3A_93, %scan3A_54 : i32
        %add3A_95 = arith.constant 1 : i32
        %add3A_96 = arith.addi %mul3A_94, %add3A_95 : i32
        %dma_wait3A_97 = arith.constant 0 : i32
        %dma_wait3A_98 = arith.constant 0 : i32
        %dma_wait3A_99 = tpu.memref_slice %arg7[%dma_wait3A_97, %dma_wait3A_98] : memref<50x80xi32, #tpu.memory_space<vmem>> -> memref<1x80xi32, #tpu.memory_space<vmem>>
        %dma_wait3A_100 = tpu.memref_squeeze %dma_wait3A_99 : memref<1x80xi32, #tpu.memory_space<vmem>> -> memref<80xi32, #tpu.memory_space<vmem>>
        %dma_wait3A_101 = arith.constant 0 : i32
        %dma_wait3A_102 = arith.constant 0 : i32
        %dma_wait3A_103 = tpu.memref_slice %arg2[%dma_wait3A_101, %dma_wait3A_102] : memref<20000x64xf32, #tpu.memory_space<hbm>> -> memref<20000x64xf32, #tpu.memory_space<hbm>>
        tpu.wait_indirect_dma semaphore(%arg15 : memref<!tpu.dma_semaphore, #tpu.memory_space<semaphore_mem>>) src(%dma_wait3A_103 : memref<20000x64xf32, #tpu.memory_space<hbm>>) dst(%arg11 : memref<80x64xf32, #tpu.memory_space<vmem>>)
        %dma_wait3A_104 = arith.constant 0 : i32
        %dma_wait3A_105 = arith.constant 0 : i32
        %dma_wait3A_106 = tpu.memref_slice %arg8[%dma_wait3A_104, %dma_wait3A_105] : memref<50x80xi32, #tpu.memory_space<vmem>> -> memref<1x80xi32, #tpu.memory_space<vmem>>
        %dma_wait3A_107 = tpu.memref_squeeze %dma_wait3A_106 : memref<1x80xi32, #tpu.memory_space<vmem>> -> memref<80xi32, #tpu.memory_space<vmem>>
        %dma_wait3A_108 = arith.constant 0 : i32
        %dma_wait3A_109 = arith.constant 0 : i32
        %dma_wait3A_110 = tpu.memref_slice %arg3[%dma_wait3A_108, %dma_wait3A_109] : memref<20000x64xf32, #tpu.memory_space<hbm>> -> memref<20000x64xf32, #tpu.memory_space<hbm>>
        tpu.wait_indirect_dma semaphore(%arg16 : memref<!tpu.dma_semaphore, #tpu.memory_space<semaphore_mem>>) src(%dma_wait3A_110 : memref<20000x64xf32, #tpu.memory_space<hbm>>) dst(%arg12 : memref<80x64xf32, #tpu.memory_space<vmem>>)
        %scan3A_111 = arith.constant 0 : i32
        %scan3A_112 = arith.constant 0 : i32
        %scan3A_113 = arith.constant 80 : i32
        %scan3A_114 = arith.addi %scan3A_112, %scan3A_113 : i32
        %scan3A_115 = arith.constant 1 : i32
        scf.for %scan3A_134 = %scan3A_112 to %scan3A_114 step %scan3A_115  : i32 {
          %get3A = arith.index_cast %scan3A_134 : i32 to index
          %get3A_135 = arith.constant 0 : index
          %get3A_136 = tpu.vector_load %arg11[%get3A, %get3A_135] {strides = array<i32>} : memref<80x64xf32, #tpu.memory_space<vmem>>, vector<1x16xf32>,
          %get3A_137 = vector.shape_cast %get3A_136 : vector<1x16xf32> to vector<16xf32>
          %get3A_138 = arith.index_cast %scan3A_134 : i32 to index
          %get3A_139 = arith.constant 0 : index
          %get3A_140 = tpu.vector_load %arg12[%get3A_138, %get3A_139] {strides = array<i32>} : memref<80x64xf32, #tpu.memory_space<vmem>>, vector<1x16xf32>,
          %get3A_141 = vector.shape_cast %get3A_140 : vector<1x16xf32> to vector<16xf32>
          %add3A_142 = arith.addf %get3A_137, %get3A_141 : vector<16xf32>
          %swap3A = arith.index_cast %scan3A_134 : i32 to index
          %swap3A_143 = arith.constant 0 : index
          %swap3A_144 = tpu.vector_load %arg11[%swap3A, %swap3A_143] {strides = array<i32>} : memref<80x64xf32, #tpu.memory_space<vmem>>, vector<1x16xf32>,
          %swap3A_145 = vector.shape_cast %swap3A_144 : vector<1x16xf32> to vector<16xf32>
          %swap3A_146 = vector.shape_cast %add3A_142 : vector<16xf32> to vector<1x16xf32>
          tpu.vector_store %arg11[%swap3A, %swap3A_143], %swap3A_146 {strides = array<i32>} : memref<80x64xf32, #tpu.memory_space<vmem>>, vector<1x16xf32>,
          %get3A_147 = arith.index_cast %scan3A_134 : i32 to index
          %get3A_148 = arith.constant 16 : index
          %get3A_149 = tpu.vector_load %arg11[%get3A_147, %get3A_148] {strides = array<i32>} : memref<80x64xf32, #tpu.memory_space<vmem>>, vector<1x16xf32>,
          %get3A_150 = vector.shape_cast %get3A_149 : vector<1x16xf32> to vector<16xf32>
          %get3A_151 = arith.index_cast %scan3A_134 : i32 to index
          %get3A_152 = arith.constant 16 : index
          %get3A_153 = tpu.vector_load %arg12[%get3A_151, %get3A_152] {strides = array<i32>} : memref<80x64xf32, #tpu.memory_space<vmem>>, vector<1x16xf32>,
          %get3A_154 = vector.shape_cast %get3A_153 : vector<1x16xf32> to vector<16xf32>
          %add3A_155 = arith.addf %get3A_150, %get3A_154 : vector<16xf32>
          %swap3A_156 = arith.index_cast %scan3A_134 : i32 to index
          %swap3A_157 = arith.constant 16 : index
          %swap3A_158 = tpu.vector_load %arg11[%swap3A_156, %swap3A_157] {strides = array<i32>} : memref<80x64xf32, #tpu.memory_space<vmem>>, vector<1x16xf32>,
          %swap3A_159 = vector.shape_cast %swap3A_158 : vector<1x16xf32> to vector<16xf32>
          %swap3A_160 = vector.shape_cast %add3A_155 : vector<16xf32> to vector<1x16xf32>
          tpu.vector_store %arg11[%swap3A_156, %swap3A_157], %swap3A_160 {strides = array<i32>} : memref<80x64xf32, #tpu.memory_space<vmem>>, vector<1x16xf32>,
          %get3A_161 = arith.index_cast %scan3A_134 : i32 to index
          %get3A_162 = arith.constant 32 : index
          %get3A_163 = tpu.vector_load %arg11[%get3A_161, %get3A_162] {strides = array<i32>} : memref<80x64xf32, #tpu.memory_space<vmem>>, vector<1x16xf32>,
          %get3A_164 = vector.shape_cast %get3A_163 : vector<1x16xf32> to vector<16xf32>
          %get3A_165 = arith.index_cast %scan3A_134 : i32 to index
          %get3A_166 = arith.constant 32 : index
          %get3A_167 = tpu.vector_load %arg12[%get3A_165, %get3A_166] {strides = array<i32>} : memref<80x64xf32, #tpu.memory_space<vmem>>, vector<1x16xf32>,
          %get3A_168 = vector.shape_cast %get3A_167 : vector<1x16xf32> to vector<16xf32>
          %add3A_169 = arith.addf %get3A_164, %get3A_168 : vector<16xf32>
          %swap3A_170 = arith.index_cast %scan3A_134 : i32 to index
          %swap3A_171 = arith.constant 32 : index
          %swap3A_172 = tpu.vector_load %arg11[%swap3A_170, %swap3A_171] {strides = array<i32>} : memref<80x64xf32, #tpu.memory_space<vmem>>, vector<1x16xf32>,
          %swap3A_173 = vector.shape_cast %swap3A_172 : vector<1x16xf32> to vector<16xf32>
          %swap3A_174 = vector.shape_cast %add3A_169 : vector<16xf32> to vector<1x16xf32>
          tpu.vector_store %arg11[%swap3A_170, %swap3A_171], %swap3A_174 {strides = array<i32>} : memref<80x64xf32, #tpu.memory_space<vmem>>, vector<1x16xf32>,
          %get3A_175 = arith.index_cast %scan3A_134 : i32 to index
          %get3A_176 = arith.constant 48 : index
          %get3A_177 = tpu.vector_load %arg11[%get3A_175, %get3A_176] {strides = array<i32>} : memref<80x64xf32, #tpu.memory_space<vmem>>, vector<1x16xf32>,
          %get3A_178 = vector.shape_cast %get3A_177 : vector<1x16xf32> to vector<16xf32>
          %get3A_179 = arith.index_cast %scan3A_134 : i32 to index
          %get3A_180 = arith.constant 48 : index
          %get3A_181 = tpu.vector_load %arg12[%get3A_179, %get3A_180] {strides = array<i32>} : memref<80x64xf32, #tpu.memory_space<vmem>>, vector<1x16xf32>,
          %get3A_182 = vector.shape_cast %get3A_181 : vector<1x16xf32> to vector<16xf32>
          %add3A_183 = arith.addf %get3A_178, %get3A_182 : vector<16xf32>
          %swap3A_184 = arith.index_cast %scan3A_134 : i32 to index
          %swap3A_185 = arith.constant 48 : index
          %swap3A_186 = tpu.vector_load %arg11[%swap3A_184, %swap3A_185] {strides = array<i32>} : memref<80x64xf32, #tpu.memory_space<vmem>>, vector<1x16xf32>,
          %swap3A_187 = vector.shape_cast %swap3A_186 : vector<1x16xf32> to vector<16xf32>
          %swap3A_188 = vector.shape_cast %add3A_183 : vector<16xf32> to vector<1x16xf32>
          tpu.vector_store %arg11[%swap3A_184, %swap3A_185], %swap3A_188 {strides = array<i32>} : memref<80x64xf32, #tpu.memory_space<vmem>>, vector<1x16xf32>,
        }
        %scan3A_116 = arith.constant 80 : i32
        %mul3A_117 = arith.constant 50 : i32
        %mul3A_118 = arith.muli %scan3A_6, %mul3A_117 : i32
        %add3A_119 = arith.addi %mul3A_118, %add3A_96 : i32
        %mul3A_120 = arith.constant 80 : i32
        %mul3A_121 = arith.muli %add3A_119, %mul3A_120 : i32
        %add3A_122 = arith.addi %mul3A_0, %mul3A_121 : i32
        %mul3A_123 = arith.constant 64 : i32
        %mul3A_124 = arith.muli %arg0, %mul3A_123 : i32
        %dma_start3A_125 = tpu.memref_slice %arg6[%add3A_122, %mul3A_124] : memref<320000x128xf32, #tpu.memory_space<hbm>> -> memref<80x64xf32, #tpu.memory_space<hbm>>
        %dma_start3A_126 = tpu.memref_slice %arg6[%add3A_122, %mul3A_124] : memref<320000x128xf32, #tpu.memory_space<hbm>> -> memref<80x64xf32, #tpu.memory_space<hbm>>
        tpu.enqueue_dma source(%arg11 : memref<80x64xf32, #tpu.memory_space<vmem>>) target(%dma_start3A_126 : memref<80x64xf32, #tpu.memory_space<hbm>>) target_semaphore(%arg18 : memref<!tpu.dma_semaphore, #tpu.memory_space<semaphore_mem>>)
        %add3A_127 = arith.constant 2 : i32
        %add3A_128 = arith.addi %add3A_96, %add3A_127 : i32
        %lt3A_129 = arith.constant 50 : i32
        %lt3A_130 = arith.cmpi slt, %add3A_128, %lt3A_129 : i32
        %convert_element_type3A_131 = arith.extui %lt3A_130 : i1 to i32
        %cond3A_132 = arith.constant 0 : i32
        %cond3A_133 = arith.cmpi ne, %convert_element_type3A_131, %cond3A_132 : i32
        scf.if %cond3A_133 {
          %mul3A_134 = arith.constant 64 : i32
          %mul3A_135 = arith.muli %arg0, %mul3A_134 : i32
          %dma_wait3A_136 = tpu.memref_slice %arg6[%mul3A_0, %mul3A_135] : memref<320000x128xf32, #tpu.memory_space<hbm>> -> memref<80x64xf32, #tpu.memory_space<hbm>>
          %dma_wait3A_137 = tpu.memref_slice %arg6[%mul3A_0, %mul3A_135] : memref<320000x128xf32, #tpu.memory_space<hbm>> -> memref<80x64xf32, #tpu.memory_space<hbm>>
          tpu.wait_dma2 semaphore(%arg18 : memref<!tpu.dma_semaphore, #tpu.memory_space<semaphore_mem>>) src(%arg11 : memref<80x64xf32, #tpu.memory_space<vmem>>) dst(%dma_wait3A_137 : memref<80x64xf32, #tpu.memory_space<hbm>>)
          %add3A_138 = arith.constant 2 : i32
          %add3A_139 = arith.addi %add3A_96, %add3A_138 : i32
          %dma_start3A_140 = arith.constant 0 : i32
          %dma_start3A_141 = tpu.memref_slice %arg7[%add3A_139, %dma_start3A_140] : memref<50x80xi32, #tpu.memory_space<vmem>> -> memref<1x80xi32, #tpu.memory_space<vmem>>
          %dma_start3A_142 = tpu.memref_squeeze %dma_start3A_141 : memref<1x80xi32, #tpu.memory_space<vmem>> -> memref<80xi32, #tpu.memory_space<vmem>>
          %dma_start3A_143 = arith.constant 0 : i32
          %dma_start3A_144 = arith.constant 0 : i32
          %dma_start3A_145 = tpu.memref_slice %arg2[%dma_start3A_143, %dma_start3A_144] : memref<20000x64xf32, #tpu.memory_space<hbm>> -> memref<20000x64xf32, #tpu.memory_space<hbm>>
          tpu.enqueue_indirect_dma source(%dma_start3A_145 : memref<20000x64xf32, #tpu.memory_space<hbm>>) target(%arg11 : memref<80x64xf32, #tpu.memory_space<vmem>>) offsets(%dma_start3A_142 : memref<80xi32, #tpu.memory_space<vmem>>) semaphore(%arg15 : memref<!tpu.dma_semaphore, #tpu.memory_space<semaphore_mem>>)
          %add3A_146 = arith.constant 2 : i32
          %add3A_147 = arith.addi %add3A_96, %add3A_146 : i32
          %dma_start3A_148 = arith.constant 0 : i32
          %dma_start3A_149 = tpu.memref_slice %arg8[%add3A_147, %dma_start3A_148] : memref<50x80xi32, #tpu.memory_space<vmem>> -> memref<1x80xi32, #tpu.memory_space<vmem>>
          %dma_start3A_150 = tpu.memref_squeeze %dma_start3A_149 : memref<1x80xi32, #tpu.memory_space<vmem>> -> memref<80xi32, #tpu.memory_space<vmem>>
          %dma_start3A_151 = arith.constant 0 : i32
          %dma_start3A_152 = arith.constant 0 : i32
          %dma_start3A_153 = tpu.memref_slice %arg3[%dma_start3A_151, %dma_start3A_152] : memref<20000x64xf32, #tpu.memory_space<hbm>> -> memref<20000x64xf32, #tpu.memory_space<hbm>>
          tpu.enqueue_indirect_dma source(%dma_start3A_153 : memref<20000x64xf32, #tpu.memory_space<hbm>>) target(%arg12 : memref<80x64xf32, #tpu.memory_space<vmem>>) offsets(%dma_start3A_150 : memref<80xi32, #tpu.memory_space<vmem>>) semaphore(%arg16 : memref<!tpu.dma_semaphore, #tpu.memory_space<semaphore_mem>>)
        } else {
        }
      }
      %scan3A_46 = arith.constant 25 : i32
      %mul3A_47 = arith.constant 64 : i32
      %mul3A_48 = arith.muli %arg0, %mul3A_47 : i32
      %dma_wait3A = tpu.memref_slice %arg6[%mul3A_0, %mul3A_48] : memref<320000x128xf32, #tpu.memory_space<hbm>> -> memref<80x64xf32, #tpu.memory_space<hbm>>
      %dma_wait3A_49 = tpu.memref_slice %arg6[%mul3A_0, %mul3A_48] : memref<320000x128xf32, #tpu.memory_space<hbm>> -> memref<80x64xf32, #tpu.memory_space<hbm>>
      tpu.wait_dma2 semaphore(%arg17 : memref<!tpu.dma_semaphore, #tpu.memory_space<semaphore_mem>>) src(%arg9 : memref<80x64xf32, #tpu.memory_space<vmem>>) dst(%dma_wait3A_49 : memref<80x64xf32, #tpu.memory_space<hbm>>)
      %mul3A_50 = arith.constant 64 : i32
      %mul3A_51 = arith.muli %arg0, %mul3A_50 : i32
      %dma_wait3A_52 = tpu.memref_slice %arg6[%mul3A_0, %mul3A_51] : memref<320000x128xf32, #tpu.memory_space<hbm>> -> memref<80x64xf32, #tpu.memory_space<hbm>>
      %dma_wait3A_53 = tpu.memref_slice %arg6[%mul3A_0, %mul3A_51] : memref<320000x128xf32, #tpu.memory_space<hbm>> -> memref<80x64xf32, #tpu.memory_space<hbm>>
      tpu.wait_dma2 semaphore(%arg18 : memref<!tpu.dma_semaphore, #tpu.memory_space<semaphore_mem>>) src(%arg11 : memref<80x64xf32, #tpu.memory_space<vmem>>) dst(%dma_wait3A_53 : memref<80x64xf32, #tpu.memory_space<hbm>>)
    }
    %scan3A_5 = arith.constant 5 : i32
    return
  }
}

#map = affine_map<(d0, d1) -> (0, 0)>
module attributes {stable_mosaic.version = 14 : i64} {
  func.func @conv_kernel(%arg0: i32, %arg1: i32, %arg2: memref<20000x64xf32, #tpu.memory_space<hbm>>, %arg3: memref<8000x80xi32, #tpu.memory_space<hbm>>, %arg4: memref<4000x80xi32, #tpu.memory_space<hbm>>, %arg5: memref<632x64xf32, #tpu.memory_space<hbm>>, %arg6: memref<10112x128xf32, #tpu.memory_space<hbm>>, %arg7: memref<50x80xi32, #tpu.memory_space<vmem>>, %arg8: memref<50x80xi32, #tpu.memory_space<vmem>>, %arg9: memref<80x64xf32, #tpu.memory_space<vmem>>, %arg10: memref<80x64xf32, #tpu.memory_space<vmem>>, %arg11: memref<80x64xf32, #tpu.memory_space<vmem>>, %arg12: memref<80x64xf32, #tpu.memory_space<vmem>>, %arg13: memref<80x64xf32, #tpu.memory_space<vmem>>, %arg14: memref<10112x64xf32, #tpu.memory_space<vmem_shared>>, %arg15: memref<!tpu.dma_semaphore, #tpu.memory_space<semaphore_mem>>, %arg16: memref<!tpu.dma_semaphore, #tpu.memory_space<semaphore_mem>>, %arg17: memref<!tpu.dma_semaphore, #tpu.memory_space<semaphore_mem>>, %arg18: memref<!tpu.dma_semaphore, #tpu.memory_space<semaphore_mem>>, %arg19: memref<!tpu.dma_semaphore, #tpu.memory_space<semaphore_mem>>, %arg20: memref<!tpu.dma_semaphore, #tpu.memory_space<semaphore_mem>>, %arg21: memref<!tpu.dma_semaphore, #tpu.memory_space<semaphore_mem>>, %arg22: memref<!tpu.dma_semaphore, #tpu.memory_space<semaphore_mem>>, %arg23: memref<!tpu.dma_semaphore, #tpu.memory_space<semaphore_mem>>, %arg24: memref<!tpu.dma_semaphore, #tpu.memory_space<semaphore_mem>>) attributes {dimension_semantics = [#tpu.dimension_semantics<core_parallel>, #tpu.dimension_semantics<subcore_parallel>], iteration_bounds = array<i64: 2, 16>, scalar_prefetch = 0 : i64, scratch_operands = 18 : i64, tpu.core_type = #tpu.core_type<sc_vector_subcore>, window_params = [{transform_indices = #map}, {transform_indices = #map}, {transform_indices = #map}, {transform_indices = #map}, {transform_indices = #map}]} {
    %mul3A = arith.constant 632 : i32
    %mul3A_0 = arith.muli %arg1, %mul3A : i32
    "tpu.region"() ({
      %run_scoped3A = tpu.sem_alloc : memref<!tpu.dma_semaphore, #tpu.memory_space<semaphore_mem>>
      %dma_start3A = arith.constant 0 : i32
      %dma_start3A_13 = tpu.memref_slice %arg14[%mul3A_0, %dma_start3A] : memref<10112x64xf32, #tpu.memory_space<vmem_shared>> -> memref<632x64xf32, #tpu.memory_space<vmem_shared>>
      tpu.enqueue_dma source(%arg5 : memref<632x64xf32, #tpu.memory_space<hbm>>) target(%dma_start3A_13 : memref<632x64xf32, #tpu.memory_space<vmem_shared>>) target_semaphore(%run_scoped3A : memref<!tpu.dma_semaphore, #tpu.memory_space<semaphore_mem>>)
      %dma_wait3A = arith.constant 0 : i32
      %dma_wait3A_14 = tpu.memref_slice %arg14[%mul3A_0, %dma_wait3A] : memref<10112x64xf32, #tpu.memory_space<vmem_shared>> -> memref<632x64xf32, #tpu.memory_space<vmem_shared>>
      tpu.wait_dma2 semaphore(%run_scoped3A : memref<!tpu.dma_semaphore, #tpu.memory_space<semaphore_mem>>) src(%arg5 : memref<632x64xf32, #tpu.memory_space<hbm>>) dst(%dma_wait3A_14 : memref<632x64xf32, #tpu.memory_space<vmem_shared>>)
      tpu.yield
    }) : () -> ()
    %barrier3A = arith.constant 0 : index
    tpu.barrier barrier_id(%barrier3A)
    %scan3A = arith.constant 0 : i32
    %scan3A_1 = arith.constant 0 : i32
    %scan3A_2 = arith.constant 5 : i32
    %scan3A_3 = arith.addi %scan3A_1, %scan3A_2 : i32
    %scan3A_4 = arith.constant 1 : i32
    scf.for %scan3A_13 = %scan3A_1 to %scan3A_3 step %scan3A_4  : i32 {
      %mul3A_14 = arith.constant 4000 : i32
      %mul3A_15 = arith.muli %arg0, %mul3A_14 : i32
      %mul3A_16 = arith.constant 250 : i32
      %mul3A_17 = arith.muli %arg1, %mul3A_16 : i32
      %add3A = arith.addi %mul3A_15, %mul3A_17 : i32
      %mul3A_18 = arith.constant 50 : i32
      %mul3A_19 = arith.muli %scan3A_13, %mul3A_18 : i32
      %add3A_20 = arith.addi %add3A, %mul3A_19 : i32
      "tpu.region"() ({
        %run_scoped3A = tpu.sem_alloc : memref<!tpu.dma_semaphore, #tpu.memory_space<semaphore_mem>>
        %dma_start3A_100 = arith.constant 0 : i32
        %dma_start3A_101 = tpu.memref_slice %arg3[%add3A_20, %dma_start3A_100] : memref<8000x80xi32, #tpu.memory_space<hbm>> -> memref<50x80xi32, #tpu.memory_space<hbm>>
        %dma_start3A_102 = arith.constant 0 : i32
        %dma_start3A_103 = tpu.memref_slice %arg3[%add3A_20, %dma_start3A_102] : memref<8000x80xi32, #tpu.memory_space<hbm>> -> memref<50x80xi32, #tpu.memory_space<hbm>>
        tpu.enqueue_dma source(%dma_start3A_103 : memref<50x80xi32, #tpu.memory_space<hbm>>) target(%arg7 : memref<50x80xi32, #tpu.memory_space<vmem>>) target_semaphore(%run_scoped3A : memref<!tpu.dma_semaphore, #tpu.memory_space<semaphore_mem>>)
        %dma_wait3A_104 = arith.constant 0 : i32
        %dma_wait3A_105 = tpu.memref_slice %arg3[%add3A_20, %dma_wait3A_104] : memref<8000x80xi32, #tpu.memory_space<hbm>> -> memref<50x80xi32, #tpu.memory_space<hbm>>
        %dma_wait3A_106 = arith.constant 0 : i32
        %dma_wait3A_107 = tpu.memref_slice %arg3[%add3A_20, %dma_wait3A_106] : memref<8000x80xi32, #tpu.memory_space<hbm>> -> memref<50x80xi32, #tpu.memory_space<hbm>>
        tpu.wait_dma2 semaphore(%run_scoped3A : memref<!tpu.dma_semaphore, #tpu.memory_space<semaphore_mem>>) src(%dma_wait3A_107 : memref<50x80xi32, #tpu.memory_space<hbm>>) dst(%arg7 : memref<50x80xi32, #tpu.memory_space<vmem>>)
        tpu.yield
      }) : () -> ()
      %mul3A_21 = arith.constant 250 : i32
      %mul3A_22 = arith.muli %arg1, %mul3A_21 : i32
      %mul3A_23 = arith.constant 50 : i32
      %mul3A_24 = arith.muli %scan3A_13, %mul3A_23 : i32
      %add3A_25 = arith.addi %mul3A_22, %mul3A_24 : i32
      "tpu.region"() ({
        %run_scoped3A = tpu.sem_alloc : memref<!tpu.dma_semaphore, #tpu.memory_space<semaphore_mem>>
        %dma_start3A_100 = arith.constant 0 : i32
        %dma_start3A_101 = tpu.memref_slice %arg4[%add3A_25, %dma_start3A_100] : memref<4000x80xi32, #tpu.memory_space<hbm>> -> memref<50x80xi32, #tpu.memory_space<hbm>>
        %dma_start3A_102 = arith.constant 0 : i32
        %dma_start3A_103 = tpu.memref_slice %arg4[%add3A_25, %dma_start3A_102] : memref<4000x80xi32, #tpu.memory_space<hbm>> -> memref<50x80xi32, #tpu.memory_space<hbm>>
        tpu.enqueue_dma source(%dma_start3A_103 : memref<50x80xi32, #tpu.memory_space<hbm>>) target(%arg8 : memref<50x80xi32, #tpu.memory_space<vmem>>) target_semaphore(%run_scoped3A : memref<!tpu.dma_semaphore, #tpu.memory_space<semaphore_mem>>)
        %dma_wait3A_104 = arith.constant 0 : i32
        %dma_wait3A_105 = tpu.memref_slice %arg4[%add3A_25, %dma_wait3A_104] : memref<4000x80xi32, #tpu.memory_space<hbm>> -> memref<50x80xi32, #tpu.memory_space<hbm>>
        %dma_wait3A_106 = arith.constant 0 : i32
        %dma_wait3A_107 = tpu.memref_slice %arg4[%add3A_25, %dma_wait3A_106] : memref<4000x80xi32, #tpu.memory_space<hbm>> -> memref<50x80xi32, #tpu.memory_space<hbm>>
        tpu.wait_dma2 semaphore(%run_scoped3A : memref<!tpu.dma_semaphore, #tpu.memory_space<semaphore_mem>>) src(%dma_wait3A_107 : memref<50x80xi32, #tpu.memory_space<hbm>>) dst(%arg8 : memref<50x80xi32, #tpu.memory_space<vmem>>)
        tpu.yield
      }) : () -> ()
      %dma_start3A = arith.constant 0 : i32
      %dma_start3A_26 = arith.constant 0 : i32
      %dma_start3A_27 = tpu.memref_slice %arg7[%dma_start3A, %dma_start3A_26] : memref<50x80xi32, #tpu.memory_space<vmem>> -> memref<1x80xi32, #tpu.memory_space<vmem>>
      %dma_start3A_28 = tpu.memref_squeeze %dma_start3A_27 : memref<1x80xi32, #tpu.memory_space<vmem>> -> memref<80xi32, #tpu.memory_space<vmem>>
      %dma_start3A_29 = arith.constant 0 : i32
      %dma_start3A_30 = arith.constant 0 : i32
      %dma_start3A_31 = tpu.memref_slice %arg2[%dma_start3A_29, %dma_start3A_30] : memref<20000x64xf32, #tpu.memory_space<hbm>> -> memref<20000x64xf32, #tpu.memory_space<hbm>>
      tpu.enqueue_indirect_dma source(%dma_start3A_31 : memref<20000x64xf32, #tpu.memory_space<hbm>>) target(%arg9 : memref<80x64xf32, #tpu.memory_space<vmem>>) offsets(%dma_start3A_28 : memref<80xi32, #tpu.memory_space<vmem>>) semaphore(%arg15 : memref<!tpu.dma_semaphore, #tpu.memory_space<semaphore_mem>>)
      %dma_start3A_32 = arith.constant 1 : i32
      %dma_start3A_33 = arith.constant 0 : i32
      %dma_start3A_34 = tpu.memref_slice %arg7[%dma_start3A_32, %dma_start3A_33] : memref<50x80xi32, #tpu.memory_space<vmem>> -> memref<1x80xi32, #tpu.memory_space<vmem>>
      %dma_start3A_35 = tpu.memref_squeeze %dma_start3A_34 : memref<1x80xi32, #tpu.memory_space<vmem>> -> memref<80xi32, #tpu.memory_space<vmem>>
      %dma_start3A_36 = arith.constant 0 : i32
      %dma_start3A_37 = arith.constant 0 : i32
      %dma_start3A_38 = tpu.memref_slice %arg2[%dma_start3A_36, %dma_start3A_37] : memref<20000x64xf32, #tpu.memory_space<hbm>> -> memref<20000x64xf32, #tpu.memory_space<hbm>>
      tpu.enqueue_indirect_dma source(%dma_start3A_38 : memref<20000x64xf32, #tpu.memory_space<hbm>>) target(%arg10 : memref<80x64xf32, #tpu.memory_space<vmem>>) offsets(%dma_start3A_35 : memref<80xi32, #tpu.memory_space<vmem>>) semaphore(%arg16 : memref<!tpu.dma_semaphore, #tpu.memory_space<semaphore_mem>>)
      %dma_start3A_39 = arith.constant 2 : i32
      %dma_start3A_40 = arith.constant 0 : i32
      %dma_start3A_41 = tpu.memref_slice %arg7[%dma_start3A_39, %dma_start3A_40] : memref<50x80xi32, #tpu.memory_space<vmem>> -> memref<1x80xi32, #tpu.memory_space<vmem>>
      %dma_start3A_42 = tpu.memref_squeeze %dma_start3A_41 : memref<1x80xi32, #tpu.memory_space<vmem>> -> memref<80xi32, #tpu.memory_space<vmem>>
      %dma_start3A_43 = arith.constant 0 : i32
      %dma_start3A_44 = arith.constant 0 : i32
      %dma_start3A_45 = tpu.memref_slice %arg2[%dma_start3A_43, %dma_start3A_44] : memref<20000x64xf32, #tpu.memory_space<hbm>> -> memref<20000x64xf32, #tpu.memory_space<hbm>>
      tpu.enqueue_indirect_dma source(%dma_start3A_45 : memref<20000x64xf32, #tpu.memory_space<hbm>>) target(%arg11 : memref<80x64xf32, #tpu.memory_space<vmem>>) offsets(%dma_start3A_42 : memref<80xi32, #tpu.memory_space<vmem>>) semaphore(%arg17 : memref<!tpu.dma_semaphore, #tpu.memory_space<semaphore_mem>>)
      %dma_start3A_46 = arith.constant 3 : i32
      %dma_start3A_47 = arith.constant 0 : i32
      %dma_start3A_48 = tpu.memref_slice %arg7[%dma_start3A_46, %dma_start3A_47] : memref<50x80xi32, #tpu.memory_space<vmem>> -> memref<1x80xi32, #tpu.memory_space<vmem>>
      %dma_start3A_49 = tpu.memref_squeeze %dma_start3A_48 : memref<1x80xi32, #tpu.memory_space<vmem>> -> memref<80xi32, #tpu.memory_space<vmem>>
      %dma_start3A_50 = arith.constant 0 : i32
      %dma_start3A_51 = arith.constant 0 : i32
      %dma_start3A_52 = tpu.memref_slice %arg2[%dma_start3A_50, %dma_start3A_51] : memref<20000x64xf32, #tpu.memory_space<hbm>> -> memref<20000x64xf32, #tpu.memory_space<hbm>>
      tpu.enqueue_indirect_dma source(%dma_start3A_52 : memref<20000x64xf32, #tpu.memory_space<hbm>>) target(%arg12 : memref<80x64xf32, #tpu.memory_space<vmem>>) offsets(%dma_start3A_49 : memref<80xi32, #tpu.memory_space<vmem>>) semaphore(%arg18 : memref<!tpu.dma_semaphore, #tpu.memory_space<semaphore_mem>>)
      %dma_start3A_53 = arith.constant 4 : i32
      %dma_start3A_54 = arith.constant 0 : i32
      %dma_start3A_55 = tpu.memref_slice %arg7[%dma_start3A_53, %dma_start3A_54] : memref<50x80xi32, #tpu.memory_space<vmem>> -> memref<1x80xi32, #tpu.memory_space<vmem>>
      %dma_start3A_56 = tpu.memref_squeeze %dma_start3A_55 : memref<1x80xi32, #tpu.memory_space<vmem>> -> memref<80xi32, #tpu.memory_space<vmem>>
      %dma_start3A_57 = arith.constant 0 : i32
      %dma_start3A_58 = arith.constant 0 : i32
      %dma_start3A_59 = tpu.memref_slice %arg2[%dma_start3A_57, %dma_start3A_58] : memref<20000x64xf32, #tpu.memory_space<hbm>> -> memref<20000x64xf32, #tpu.memory_space<hbm>>
      tpu.enqueue_indirect_dma source(%dma_start3A_59 : memref<20000x64xf32, #tpu.memory_space<hbm>>) target(%arg13 : memref<80x64xf32, #tpu.memory_space<vmem>>) offsets(%dma_start3A_56 : memref<80xi32, #tpu.memory_space<vmem>>) semaphore(%arg19 : memref<!tpu.dma_semaphore, #tpu.memory_space<semaphore_mem>>)
      %scan3A_60 = arith.constant 0 : i32
      %scan3A_61 = arith.constant 0 : i32
      %scan3A_62 = arith.constant 10 : i32
      %scan3A_63 = arith.addi %scan3A_61, %scan3A_62 : i32
      %scan3A_64 = arith.constant 1 : i32
      scf.for %scan3A_100 = %scan3A_61 to %scan3A_63 step %scan3A_64  : i32 {
        %mul3A_101 = arith.constant 5 : i32
        %mul3A_102 = arith.muli %mul3A_101, %scan3A_100 : i32
        %add3A_103 = arith.constant 0 : i32
        %add3A_104 = arith.addi %mul3A_102, %add3A_103 : i32
        %sub3A = arith.constant 1 : i32
        %sub3A_105 = arith.subi %add3A_104, %sub3A : i32
        %add3A_106 = arith.constant 5 : i32
        %add3A_107 = arith.addi %sub3A_105, %add3A_106 : i32
        %ge3A = arith.constant 1 : i32
        %ge3A_108 = arith.cmpi sge, %add3A_104, %ge3A : i32
        %lt3A = arith.constant 50 : i32
        %lt3A_109 = arith.cmpi slt, %add3A_107, %lt3A : i32
        %and3A = arith.andi %ge3A_108, %lt3A_109 : i1
        %convert_element_type3A = arith.extui %and3A : i1 to i32
        %cond3A = arith.constant 0 : i32
        %cond3A_110 = arith.cmpi ne, %convert_element_type3A, %cond3A : i32
        scf.if %cond3A_110 {
          %dma_wait3A_240 = arith.constant 0 : i32
          %dma_wait3A_241 = arith.constant 0 : i32
          %dma_wait3A_242 = tpu.memref_slice %arg8[%dma_wait3A_240, %dma_wait3A_241] : memref<50x80xi32, #tpu.memory_space<vmem>> -> memref<1x80xi32, #tpu.memory_space<vmem>>
          %dma_wait3A_243 = tpu.memref_squeeze %dma_wait3A_242 : memref<1x80xi32, #tpu.memory_space<vmem>> -> memref<80xi32, #tpu.memory_space<vmem>>
          %dma_wait3A_244 = arith.constant 0 : i32
          %dma_wait3A_245 = arith.constant 0 : i32
          %dma_wait3A_246 = tpu.memref_slice %arg14[%dma_wait3A_244, %dma_wait3A_245] : memref<10112x64xf32, #tpu.memory_space<vmem_shared>> -> memref<10112x64xf32, #tpu.memory_space<vmem_shared>>
          tpu.wait_indirect_dma semaphore(%arg24 : memref<!tpu.dma_semaphore, #tpu.memory_space<semaphore_mem>>) src(%arg13 : memref<80x64xf32, #tpu.memory_space<vmem>>) dst(%dma_wait3A_246 : memref<10112x64xf32, #tpu.memory_space<vmem_shared>>)
          %dma_start3A_247 = arith.constant 0 : i32
          %dma_start3A_248 = tpu.memref_slice %arg7[%add3A_107, %dma_start3A_247] : memref<50x80xi32, #tpu.memory_space<vmem>> -> memref<1x80xi32, #tpu.memory_space<vmem>>
          %dma_start3A_249 = tpu.memref_squeeze %dma_start3A_248 : memref<1x80xi32, #tpu.memory_space<vmem>> -> memref<80xi32, #tpu.memory_space<vmem>>
          %dma_start3A_250 = arith.constant 0 : i32
          %dma_start3A_251 = arith.constant 0 : i32
          %dma_start3A_252 = tpu.memref_slice %arg2[%dma_start3A_250, %dma_start3A_251] : memref<20000x64xf32, #tpu.memory_space<hbm>> -> memref<20000x64xf32, #tpu.memory_space<hbm>>
          tpu.enqueue_indirect_dma source(%dma_start3A_252 : memref<20000x64xf32, #tpu.memory_space<hbm>>) target(%arg13 : memref<80x64xf32, #tpu.memory_space<vmem>>) offsets(%dma_start3A_249 : memref<80xi32, #tpu.memory_space<vmem>>) semaphore(%arg19 : memref<!tpu.dma_semaphore, #tpu.memory_space<semaphore_mem>>)
        } else {
        }
        %dma_wait3A_111 = arith.constant 0 : i32
        %dma_wait3A_112 = arith.constant 0 : i32
        %dma_wait3A_113 = tpu.memref_slice %arg7[%dma_wait3A_111, %dma_wait3A_112] : memref<50x80xi32, #tpu.memory_space<vmem>> -> memref<1x80xi32, #tpu.memory_space<vmem>>
        %dma_wait3A_114 = tpu.memref_squeeze %dma_wait3A_113 : memref<1x80xi32, #tpu.memory_space<vmem>> -> memref<80xi32, #tpu.memory_space<vmem>>
        %dma_wait3A_115 = arith.constant 0 : i32
        %dma_wait3A_116 = arith.constant 0 : i32
        %dma_wait3A_117 = tpu.memref_slice %arg2[%dma_wait3A_115, %dma_wait3A_116] : memref<20000x64xf32, #tpu.memory_space<hbm>> -> memref<20000x64xf32, #tpu.memory_space<hbm>>
        tpu.wait_indirect_dma semaphore(%arg15 : memref<!tpu.dma_semaphore, #tpu.memory_space<semaphore_mem>>) src(%dma_wait3A_117 : memref<20000x64xf32, #tpu.memory_space<hbm>>) dst(%arg9 : memref<80x64xf32, #tpu.memory_space<vmem>>)
        %dma_start3A_118 = arith.constant 0 : i32
        %dma_start3A_119 = tpu.memref_slice %arg8[%add3A_104, %dma_start3A_118] : memref<50x80xi32, #tpu.memory_space<vmem>> -> memref<1x80xi32, #tpu.memory_space<vmem>>
        %dma_start3A_120 = tpu.memref_squeeze %dma_start3A_119 : memref<1x80xi32, #tpu.memory_space<vmem>> -> memref<80xi32, #tpu.memory_space<vmem>>
        %dma_start3A_121 = arith.constant 0 : i32
        %dma_start3A_122 = arith.constant 0 : i32
        %dma_start3A_123 = tpu.memref_slice %arg14[%dma_start3A_121, %dma_start3A_122] : memref<10112x64xf32, #tpu.memory_space<vmem_shared>> -> memref<10112x64xf32, #tpu.memory_space<vmem_shared>>
        tpu.enqueue_indirect_dma source(%arg9 : memref<80x64xf32, #tpu.memory_space<vmem>>) target(%dma_start3A_123 : memref<10112x64xf32, #tpu.memory_space<vmem_shared>>) offsets(%dma_start3A_120 : memref<80xi32, #tpu.memory_space<vmem>>) semaphore(%arg20 : memref<!tpu.dma_semaphore, #tpu.memory_space<semaphore_mem>>) {add = true}
        %mul3A_124 = arith.constant 5 : i32
        %mul3A_125 = arith.muli %mul3A_124, %scan3A_100 : i32
        %add3A_126 = arith.constant 1 : i32
        %add3A_127 = arith.addi %mul3A_125, %add3A_126 : i32
        %sub3A_128 = arith.constant 1 : i32
        %sub3A_129 = arith.subi %add3A_127, %sub3A_128 : i32
        %add3A_130 = arith.constant 5 : i32
        %add3A_131 = arith.addi %sub3A_129, %add3A_130 : i32
        %ge3A_132 = arith.constant 1 : i32
        %ge3A_133 = arith.cmpi sge, %add3A_127, %ge3A_132 : i32
        %lt3A_134 = arith.constant 50 : i32
        %lt3A_135 = arith.cmpi slt, %add3A_131, %lt3A_134 : i32
        %and3A_136 = arith.andi %ge3A_133, %lt3A_135 : i1
        %convert_element_type3A_137 = arith.extui %and3A_136 : i1 to i32
        %cond3A_138 = arith.constant 0 : i32
        %cond3A_139 = arith.cmpi ne, %convert_element_type3A_137, %cond3A_138 : i32
        scf.if %cond3A_139 {
          %dma_wait3A_240 = arith.constant 0 : i32
          %dma_wait3A_241 = arith.constant 0 : i32
          %dma_wait3A_242 = tpu.memref_slice %arg8[%dma_wait3A_240, %dma_wait3A_241] : memref<50x80xi32, #tpu.memory_space<vmem>> -> memref<1x80xi32, #tpu.memory_space<vmem>>
          %dma_wait3A_243 = tpu.memref_squeeze %dma_wait3A_242 : memref<1x80xi32, #tpu.memory_space<vmem>> -> memref<80xi32, #tpu.memory_space<vmem>>
          %dma_wait3A_244 = arith.constant 0 : i32
          %dma_wait3A_245 = arith.constant 0 : i32
          %dma_wait3A_246 = tpu.memref_slice %arg14[%dma_wait3A_244, %dma_wait3A_245] : memref<10112x64xf32, #tpu.memory_space<vmem_shared>> -> memref<10112x64xf32, #tpu.memory_space<vmem_shared>>
          tpu.wait_indirect_dma semaphore(%arg20 : memref<!tpu.dma_semaphore, #tpu.memory_space<semaphore_mem>>) src(%arg9 : memref<80x64xf32, #tpu.memory_space<vmem>>) dst(%dma_wait3A_246 : memref<10112x64xf32, #tpu.memory_space<vmem_shared>>)
          %dma_start3A_247 = arith.constant 0 : i32
          %dma_start3A_248 = tpu.memref_slice %arg7[%add3A_131, %dma_start3A_247] : memref<50x80xi32, #tpu.memory_space<vmem>> -> memref<1x80xi32, #tpu.memory_space<vmem>>
          %dma_start3A_249 = tpu.memref_squeeze %dma_start3A_248 : memref<1x80xi32, #tpu.memory_space<vmem>> -> memref<80xi32, #tpu.memory_space<vmem>>
          %dma_start3A_250 = arith.constant 0 : i32
          %dma_start3A_251 = arith.constant 0 : i32
          %dma_start3A_252 = tpu.memref_slice %arg2[%dma_start3A_250, %dma_start3A_251] : memref<20000x64xf32, #tpu.memory_space<hbm>> -> memref<20000x64xf32, #tpu.memory_space<hbm>>
          tpu.enqueue_indirect_dma source(%dma_start3A_252 : memref<20000x64xf32, #tpu.memory_space<hbm>>) target(%arg9 : memref<80x64xf32, #tpu.memory_space<vmem>>) offsets(%dma_start3A_249 : memref<80xi32, #tpu.memory_space<vmem>>) semaphore(%arg15 : memref<!tpu.dma_semaphore, #tpu.memory_space<semaphore_mem>>)
        } else {
        }
        %dma_wait3A_140 = arith.constant 0 : i32
        %dma_wait3A_141 = arith.constant 0 : i32
        %dma_wait3A_142 = tpu.memref_slice %arg7[%dma_wait3A_140, %dma_wait3A_141] : memref<50x80xi32, #tpu.memory_space<vmem>> -> memref<1x80xi32, #tpu.memory_space<vmem>>
        %dma_wait3A_143 = tpu.memref_squeeze %dma_wait3A_142 : memref<1x80xi32, #tpu.memory_space<vmem>> -> memref<80xi32, #tpu.memory_space<vmem>>
        %dma_wait3A_144 = arith.constant 0 : i32
        %dma_wait3A_145 = arith.constant 0 : i32
        %dma_wait3A_146 = tpu.memref_slice %arg2[%dma_wait3A_144, %dma_wait3A_145] : memref<20000x64xf32, #tpu.memory_space<hbm>> -> memref<20000x64xf32, #tpu.memory_space<hbm>>
        tpu.wait_indirect_dma semaphore(%arg16 : memref<!tpu.dma_semaphore, #tpu.memory_space<semaphore_mem>>) src(%dma_wait3A_146 : memref<20000x64xf32, #tpu.memory_space<hbm>>) dst(%arg10 : memref<80x64xf32, #tpu.memory_space<vmem>>)
        %dma_start3A_147 = arith.constant 0 : i32
        %dma_start3A_148 = tpu.memref_slice %arg8[%add3A_127, %dma_start3A_147] : memref<50x80xi32, #tpu.memory_space<vmem>> -> memref<1x80xi32, #tpu.memory_space<vmem>>
        %dma_start3A_149 = tpu.memref_squeeze %dma_start3A_148 : memref<1x80xi32, #tpu.memory_space<vmem>> -> memref<80xi32, #tpu.memory_space<vmem>>
        %dma_start3A_150 = arith.constant 0 : i32
        %dma_start3A_151 = arith.constant 0 : i32
        %dma_start3A_152 = tpu.memref_slice %arg14[%dma_start3A_150, %dma_start3A_151] : memref<10112x64xf32, #tpu.memory_space<vmem_shared>> -> memref<10112x64xf32, #tpu.memory_space<vmem_shared>>
        tpu.enqueue_indirect_dma source(%arg10 : memref<80x64xf32, #tpu.memory_space<vmem>>) target(%dma_start3A_152 : memref<10112x64xf32, #tpu.memory_space<vmem_shared>>) offsets(%dma_start3A_149 : memref<80xi32, #tpu.memory_space<vmem>>) semaphore(%arg21 : memref<!tpu.dma_semaphore, #tpu.memory_space<semaphore_mem>>) {add = true}
        %mul3A_153 = arith.constant 5 : i32
        %mul3A_154 = arith.muli %mul3A_153, %scan3A_100 : i32
        %add3A_155 = arith.constant 2 : i32
        %add3A_156 = arith.addi %mul3A_154, %add3A_155 : i32
        %sub3A_157 = arith.constant 1 : i32
        %sub3A_158 = arith.subi %add3A_156, %sub3A_157 : i32
        %add3A_159 = arith.constant 5 : i32
        %add3A_160 = arith.addi %sub3A_158, %add3A_159 : i32
        %ge3A_161 = arith.constant 1 : i32
        %ge3A_162 = arith.cmpi sge, %add3A_156, %ge3A_161 : i32
        %lt3A_163 = arith.constant 50 : i32
        %lt3A_164 = arith.cmpi slt, %add3A_160, %lt3A_163 : i32
        %and3A_165 = arith.andi %ge3A_162, %lt3A_164 : i1
        %convert_element_type3A_166 = arith.extui %and3A_165 : i1 to i32
        %cond3A_167 = arith.constant 0 : i32
        %cond3A_168 = arith.cmpi ne, %convert_element_type3A_166, %cond3A_167 : i32
        scf.if %cond3A_168 {
          %dma_wait3A_240 = arith.constant 0 : i32
          %dma_wait3A_241 = arith.constant 0 : i32
          %dma_wait3A_242 = tpu.memref_slice %arg8[%dma_wait3A_240, %dma_wait3A_241] : memref<50x80xi32, #tpu.memory_space<vmem>> -> memref<1x80xi32, #tpu.memory_space<vmem>>
          %dma_wait3A_243 = tpu.memref_squeeze %dma_wait3A_242 : memref<1x80xi32, #tpu.memory_space<vmem>> -> memref<80xi32, #tpu.memory_space<vmem>>
          %dma_wait3A_244 = arith.constant 0 : i32
          %dma_wait3A_245 = arith.constant 0 : i32
          %dma_wait3A_246 = tpu.memref_slice %arg14[%dma_wait3A_244, %dma_wait3A_245] : memref<10112x64xf32, #tpu.memory_space<vmem_shared>> -> memref<10112x64xf32, #tpu.memory_space<vmem_shared>>
          tpu.wait_indirect_dma semaphore(%arg21 : memref<!tpu.dma_semaphore, #tpu.memory_space<semaphore_mem>>) src(%arg10 : memref<80x64xf32, #tpu.memory_space<vmem>>) dst(%dma_wait3A_246 : memref<10112x64xf32, #tpu.memory_space<vmem_shared>>)
          %dma_start3A_247 = arith.constant 0 : i32
          %dma_start3A_248 = tpu.memref_slice %arg7[%add3A_160, %dma_start3A_247] : memref<50x80xi32, #tpu.memory_space<vmem>> -> memref<1x80xi32, #tpu.memory_space<vmem>>
          %dma_start3A_249 = tpu.memref_squeeze %dma_start3A_248 : memref<1x80xi32, #tpu.memory_space<vmem>> -> memref<80xi32, #tpu.memory_space<vmem>>
          %dma_start3A_250 = arith.constant 0 : i32
          %dma_start3A_251 = arith.constant 0 : i32
          %dma_start3A_252 = tpu.memref_slice %arg2[%dma_start3A_250, %dma_start3A_251] : memref<20000x64xf32, #tpu.memory_space<hbm>> -> memref<20000x64xf32, #tpu.memory_space<hbm>>
          tpu.enqueue_indirect_dma source(%dma_start3A_252 : memref<20000x64xf32, #tpu.memory_space<hbm>>) target(%arg10 : memref<80x64xf32, #tpu.memory_space<vmem>>) offsets(%dma_start3A_249 : memref<80xi32, #tpu.memory_space<vmem>>) semaphore(%arg16 : memref<!tpu.dma_semaphore, #tpu.memory_space<semaphore_mem>>)
        } else {
        }
        %dma_wait3A_169 = arith.constant 0 : i32
        %dma_wait3A_170 = arith.constant 0 : i32
        %dma_wait3A_171 = tpu.memref_slice %arg7[%dma_wait3A_169, %dma_wait3A_170] : memref<50x80xi32, #tpu.memory_space<vmem>> -> memref<1x80xi32, #tpu.memory_space<vmem>>
        %dma_wait3A_172 = tpu.memref_squeeze %dma_wait3A_171 : memref<1x80xi32, #tpu.memory_space<vmem>> -> memref<80xi32, #tpu.memory_space<vmem>>
        %dma_wait3A_173 = arith.constant 0 : i32
        %dma_wait3A_174 = arith.constant 0 : i32
        %dma_wait3A_175 = tpu.memref_slice %arg2[%dma_wait3A_173, %dma_wait3A_174] : memref<20000x64xf32, #tpu.memory_space<hbm>> -> memref<20000x64xf32, #tpu.memory_space<hbm>>
        tpu.wait_indirect_dma semaphore(%arg17 : memref<!tpu.dma_semaphore, #tpu.memory_space<semaphore_mem>>) src(%dma_wait3A_175 : memref<20000x64xf32, #tpu.memory_space<hbm>>) dst(%arg11 : memref<80x64xf32, #tpu.memory_space<vmem>>)
        %dma_start3A_176 = arith.constant 0 : i32
        %dma_start3A_177 = tpu.memref_slice %arg8[%add3A_156, %dma_start3A_176] : memref<50x80xi32, #tpu.memory_space<vmem>> -> memref<1x80xi32, #tpu.memory_space<vmem>>
        %dma_start3A_178 = tpu.memref_squeeze %dma_start3A_177 : memref<1x80xi32, #tpu.memory_space<vmem>> -> memref<80xi32, #tpu.memory_space<vmem>>
        %dma_start3A_179 = arith.constant 0 : i32
        %dma_start3A_180 = arith.constant 0 : i32
        %dma_start3A_181 = tpu.memref_slice %arg14[%dma_start3A_179, %dma_start3A_180] : memref<10112x64xf32, #tpu.memory_space<vmem_shared>> -> memref<10112x64xf32, #tpu.memory_space<vmem_shared>>
        tpu.enqueue_indirect_dma source(%arg11 : memref<80x64xf32, #tpu.memory_space<vmem>>) target(%dma_start3A_181 : memref<10112x64xf32, #tpu.memory_space<vmem_shared>>) offsets(%dma_start3A_178 : memref<80xi32, #tpu.memory_space<vmem>>) semaphore(%arg22 : memref<!tpu.dma_semaphore, #tpu.memory_space<semaphore_mem>>) {add = true}
        %mul3A_182 = arith.constant 5 : i32
        %mul3A_183 = arith.muli %mul3A_182, %scan3A_100 : i32
        %add3A_184 = arith.constant 3 : i32
        %add3A_185 = arith.addi %mul3A_183, %add3A_184 : i32
        %sub3A_186 = arith.constant 1 : i32
        %sub3A_187 = arith.subi %add3A_185, %sub3A_186 : i32
        %add3A_188 = arith.constant 5 : i32
        %add3A_189 = arith.addi %sub3A_187, %add3A_188 : i32
        %ge3A_190 = arith.constant 1 : i32
        %ge3A_191 = arith.cmpi sge, %add3A_185, %ge3A_190 : i32
        %lt3A_192 = arith.constant 50 : i32
        %lt3A_193 = arith.cmpi slt, %add3A_189, %lt3A_192 : i32
        %and3A_194 = arith.andi %ge3A_191, %lt3A_193 : i1
        %convert_element_type3A_195 = arith.extui %and3A_194 : i1 to i32
        %cond3A_196 = arith.constant 0 : i32
        %cond3A_197 = arith.cmpi ne, %convert_element_type3A_195, %cond3A_196 : i32
        scf.if %cond3A_197 {
          %dma_wait3A_240 = arith.constant 0 : i32
          %dma_wait3A_241 = arith.constant 0 : i32
          %dma_wait3A_242 = tpu.memref_slice %arg8[%dma_wait3A_240, %dma_wait3A_241] : memref<50x80xi32, #tpu.memory_space<vmem>> -> memref<1x80xi32, #tpu.memory_space<vmem>>
          %dma_wait3A_243 = tpu.memref_squeeze %dma_wait3A_242 : memref<1x80xi32, #tpu.memory_space<vmem>> -> memref<80xi32, #tpu.memory_space<vmem>>
          %dma_wait3A_244 = arith.constant 0 : i32
          %dma_wait3A_245 = arith.constant 0 : i32
          %dma_wait3A_246 = tpu.memref_slice %arg14[%dma_wait3A_244, %dma_wait3A_245] : memref<10112x64xf32, #tpu.memory_space<vmem_shared>> -> memref<10112x64xf32, #tpu.memory_space<vmem_shared>>
          tpu.wait_indirect_dma semaphore(%arg22 : memref<!tpu.dma_semaphore, #tpu.memory_space<semaphore_mem>>) src(%arg11 : memref<80x64xf32, #tpu.memory_space<vmem>>) dst(%dma_wait3A_246 : memref<10112x64xf32, #tpu.memory_space<vmem_shared>>)
          %dma_start3A_247 = arith.constant 0 : i32
          %dma_start3A_248 = tpu.memref_slice %arg7[%add3A_189, %dma_start3A_247] : memref<50x80xi32, #tpu.memory_space<vmem>> -> memref<1x80xi32, #tpu.memory_space<vmem>>
          %dma_start3A_249 = tpu.memref_squeeze %dma_start3A_248 : memref<1x80xi32, #tpu.memory_space<vmem>> -> memref<80xi32, #tpu.memory_space<vmem>>
          %dma_start3A_250 = arith.constant 0 : i32
          %dma_start3A_251 = arith.constant 0 : i32
          %dma_start3A_252 = tpu.memref_slice %arg2[%dma_start3A_250, %dma_start3A_251] : memref<20000x64xf32, #tpu.memory_space<hbm>> -> memref<20000x64xf32, #tpu.memory_space<hbm>>
          tpu.enqueue_indirect_dma source(%dma_start3A_252 : memref<20000x64xf32, #tpu.memory_space<hbm>>) target(%arg11 : memref<80x64xf32, #tpu.memory_space<vmem>>) offsets(%dma_start3A_249 : memref<80xi32, #tpu.memory_space<vmem>>) semaphore(%arg17 : memref<!tpu.dma_semaphore, #tpu.memory_space<semaphore_mem>>)
        } else {
        }
        %dma_wait3A_198 = arith.constant 0 : i32
        %dma_wait3A_199 = arith.constant 0 : i32
        %dma_wait3A_200 = tpu.memref_slice %arg7[%dma_wait3A_198, %dma_wait3A_199] : memref<50x80xi32, #tpu.memory_space<vmem>> -> memref<1x80xi32, #tpu.memory_space<vmem>>
        %dma_wait3A_201 = tpu.memref_squeeze %dma_wait3A_200 : memref<1x80xi32, #tpu.memory_space<vmem>> -> memref<80xi32, #tpu.memory_space<vmem>>
        %dma_wait3A_202 = arith.constant 0 : i32
        %dma_wait3A_203 = arith.constant 0 : i32
        %dma_wait3A_204 = tpu.memref_slice %arg2[%dma_wait3A_202, %dma_wait3A_203] : memref<20000x64xf32, #tpu.memory_space<hbm>> -> memref<20000x64xf32, #tpu.memory_space<hbm>>
        tpu.wait_indirect_dma semaphore(%arg18 : memref<!tpu.dma_semaphore, #tpu.memory_space<semaphore_mem>>) src(%dma_wait3A_204 : memref<20000x64xf32, #tpu.memory_space<hbm>>) dst(%arg12 : memref<80x64xf32, #tpu.memory_space<vmem>>)
        %dma_start3A_205 = arith.constant 0 : i32
        %dma_start3A_206 = tpu.memref_slice %arg8[%add3A_185, %dma_start3A_205] : memref<50x80xi32, #tpu.memory_space<vmem>> -> memref<1x80xi32, #tpu.memory_space<vmem>>
        %dma_start3A_207 = tpu.memref_squeeze %dma_start3A_206 : memref<1x80xi32, #tpu.memory_space<vmem>> -> memref<80xi32, #tpu.memory_space<vmem>>
        %dma_start3A_208 = arith.constant 0 : i32
        %dma_start3A_209 = arith.constant 0 : i32
        %dma_start3A_210 = tpu.memref_slice %arg14[%dma_start3A_208, %dma_start3A_209] : memref<10112x64xf32, #tpu.memory_space<vmem_shared>> -> memref<10112x64xf32, #tpu.memory_space<vmem_shared>>
        tpu.enqueue_indirect_dma source(%arg12 : memref<80x64xf32, #tpu.memory_space<vmem>>) target(%dma_start3A_210 : memref<10112x64xf32, #tpu.memory_space<vmem_shared>>) offsets(%dma_start3A_207 : memref<80xi32, #tpu.memory_space<vmem>>) semaphore(%arg23 : memref<!tpu.dma_semaphore, #tpu.memory_space<semaphore_mem>>) {add = true}
        %mul3A_211 = arith.constant 5 : i32
        %mul3A_212 = arith.muli %mul3A_211, %scan3A_100 : i32
        %add3A_213 = arith.constant 4 : i32
        %add3A_214 = arith.addi %mul3A_212, %add3A_213 : i32
        %sub3A_215 = arith.constant 1 : i32
        %sub3A_216 = arith.subi %add3A_214, %sub3A_215 : i32
        %add3A_217 = arith.constant 5 : i32
        %add3A_218 = arith.addi %sub3A_216, %add3A_217 : i32
        %ge3A_219 = arith.constant 1 : i32
        %ge3A_220 = arith.cmpi sge, %add3A_214, %ge3A_219 : i32
        %lt3A_221 = arith.constant 50 : i32
        %lt3A_222 = arith.cmpi slt, %add3A_218, %lt3A_221 : i32
        %and3A_223 = arith.andi %ge3A_220, %lt3A_222 : i1
        %convert_element_type3A_224 = arith.extui %and3A_223 : i1 to i32
        %cond3A_225 = arith.constant 0 : i32
        %cond3A_226 = arith.cmpi ne, %convert_element_type3A_224, %cond3A_225 : i32
        scf.if %cond3A_226 {
          %dma_wait3A_240 = arith.constant 0 : i32
          %dma_wait3A_241 = arith.constant 0 : i32
          %dma_wait3A_242 = tpu.memref_slice %arg8[%dma_wait3A_240, %dma_wait3A_241] : memref<50x80xi32, #tpu.memory_space<vmem>> -> memref<1x80xi32, #tpu.memory_space<vmem>>
          %dma_wait3A_243 = tpu.memref_squeeze %dma_wait3A_242 : memref<1x80xi32, #tpu.memory_space<vmem>> -> memref<80xi32, #tpu.memory_space<vmem>>
          %dma_wait3A_244 = arith.constant 0 : i32
          %dma_wait3A_245 = arith.constant 0 : i32
          %dma_wait3A_246 = tpu.memref_slice %arg14[%dma_wait3A_244, %dma_wait3A_245] : memref<10112x64xf32, #tpu.memory_space<vmem_shared>> -> memref<10112x64xf32, #tpu.memory_space<vmem_shared>>
          tpu.wait_indirect_dma semaphore(%arg23 : memref<!tpu.dma_semaphore, #tpu.memory_space<semaphore_mem>>) src(%arg12 : memref<80x64xf32, #tpu.memory_space<vmem>>) dst(%dma_wait3A_246 : memref<10112x64xf32, #tpu.memory_space<vmem_shared>>)
          %dma_start3A_247 = arith.constant 0 : i32
          %dma_start3A_248 = tpu.memref_slice %arg7[%add3A_218, %dma_start3A_247] : memref<50x80xi32, #tpu.memory_space<vmem>> -> memref<1x80xi32, #tpu.memory_space<vmem>>
          %dma_start3A_249 = tpu.memref_squeeze %dma_start3A_248 : memref<1x80xi32, #tpu.memory_space<vmem>> -> memref<80xi32, #tpu.memory_space<vmem>>
          %dma_start3A_250 = arith.constant 0 : i32
          %dma_start3A_251 = arith.constant 0 : i32
          %dma_start3A_252 = tpu.memref_slice %arg2[%dma_start3A_250, %dma_start3A_251] : memref<20000x64xf32, #tpu.memory_space<hbm>> -> memref<20000x64xf32, #tpu.memory_space<hbm>>
          tpu.enqueue_indirect_dma source(%dma_start3A_252 : memref<20000x64xf32, #tpu.memory_space<hbm>>) target(%arg12 : memref<80x64xf32, #tpu.memory_space<vmem>>) offsets(%dma_start3A_249 : memref<80xi32, #tpu.memory_space<vmem>>) semaphore(%arg18 : memref<!tpu.dma_semaphore, #tpu.memory_space<semaphore_mem>>)
        } else {
        }
        %dma_wait3A_227 = arith.constant 0 : i32
        %dma_wait3A_228 = arith.constant 0 : i32
        %dma_wait3A_229 = tpu.memref_slice %arg7[%dma_wait3A_227, %dma_wait3A_228] : memref<50x80xi32, #tpu.memory_space<vmem>> -> memref<1x80xi32, #tpu.memory_space<vmem>>
        %dma_wait3A_230 = tpu.memref_squeeze %dma_wait3A_229 : memref<1x80xi32, #tpu.memory_space<vmem>> -> memref<80xi32, #tpu.memory_space<vmem>>
        %dma_wait3A_231 = arith.constant 0 : i32
        %dma_wait3A_232 = arith.constant 0 : i32
        %dma_wait3A_233 = tpu.memref_slice %arg2[%dma_wait3A_231, %dma_wait3A_232] : memref<20000x64xf32, #tpu.memory_space<hbm>> -> memref<20000x64xf32, #tpu.memory_space<hbm>>
        tpu.wait_indirect_dma semaphore(%arg19 : memref<!tpu.dma_semaphore, #tpu.memory_space<semaphore_mem>>) src(%dma_wait3A_233 : memref<20000x64xf32, #tpu.memory_space<hbm>>) dst(%arg13 : memref<80x64xf32, #tpu.memory_space<vmem>>)
        %dma_start3A_234 = arith.constant 0 : i32
        %dma_start3A_235 = tpu.memref_slice %arg8[%add3A_214, %dma_start3A_234] : memref<50x80xi32, #tpu.memory_space<vmem>> -> memref<1x80xi32, #tpu.memory_space<vmem>>
        %dma_start3A_236 = tpu.memref_squeeze %dma_start3A_235 : memref<1x80xi32, #tpu.memory_space<vmem>> -> memref<80xi32, #tpu.memory_space<vmem>>
        %dma_start3A_237 = arith.constant 0 : i32
        %dma_start3A_238 = arith.constant 0 : i32
        %dma_start3A_239 = tpu.memref_slice %arg14[%dma_start3A_237, %dma_start3A_238] : memref<10112x64xf32, #tpu.memory_space<vmem_shared>> -> memref<10112x64xf32, #tpu.memory_space<vmem_shared>>
        tpu.enqueue_indirect_dma source(%arg13 : memref<80x64xf32, #tpu.memory_space<vmem>>) target(%dma_start3A_239 : memref<10112x64xf32, #tpu.memory_space<vmem_shared>>) offsets(%dma_start3A_236 : memref<80xi32, #tpu.memory_space<vmem>>) semaphore(%arg24 : memref<!tpu.dma_semaphore, #tpu.memory_space<semaphore_mem>>) {add = true}
      }
      %scan3A_65 = arith.constant 10 : i32
      %dma_wait3A = arith.constant 0 : i32
      %dma_wait3A_66 = arith.constant 0 : i32
      %dma_wait3A_67 = tpu.memref_slice %arg8[%dma_wait3A, %dma_wait3A_66] : memref<50x80xi32, #tpu.memory_space<vmem>> -> memref<1x80xi32, #tpu.memory_space<vmem>>
      %dma_wait3A_68 = tpu.memref_squeeze %dma_wait3A_67 : memref<1x80xi32, #tpu.memory_space<vmem>> -> memref<80xi32, #tpu.memory_space<vmem>>
      %dma_wait3A_69 = arith.constant 0 : i32
      %dma_wait3A_70 = arith.constant 0 : i32
      %dma_wait3A_71 = tpu.memref_slice %arg14[%dma_wait3A_69, %dma_wait3A_70] : memref<10112x64xf32, #tpu.memory_space<vmem_shared>> -> memref<10112x64xf32, #tpu.memory_space<vmem_shared>>
      tpu.wait_indirect_dma semaphore(%arg20 : memref<!tpu.dma_semaphore, #tpu.memory_space<semaphore_mem>>) src(%arg9 : memref<80x64xf32, #tpu.memory_space<vmem>>) dst(%dma_wait3A_71 : memref<10112x64xf32, #tpu.memory_space<vmem_shared>>)
      %dma_wait3A_72 = arith.constant 0 : i32
      %dma_wait3A_73 = arith.constant 0 : i32
      %dma_wait3A_74 = tpu.memref_slice %arg8[%dma_wait3A_72, %dma_wait3A_73] : memref<50x80xi32, #tpu.memory_space<vmem>> -> memref<1x80xi32, #tpu.memory_space<vmem>>
      %dma_wait3A_75 = tpu.memref_squeeze %dma_wait3A_74 : memref<1x80xi32, #tpu.memory_space<vmem>> -> memref<80xi32, #tpu.memory_space<vmem>>
      %dma_wait3A_76 = arith.constant 0 : i32
      %dma_wait3A_77 = arith.constant 0 : i32
      %dma_wait3A_78 = tpu.memref_slice %arg14[%dma_wait3A_76, %dma_wait3A_77] : memref<10112x64xf32, #tpu.memory_space<vmem_shared>> -> memref<10112x64xf32, #tpu.memory_space<vmem_shared>>
      tpu.wait_indirect_dma semaphore(%arg21 : memref<!tpu.dma_semaphore, #tpu.memory_space<semaphore_mem>>) src(%arg10 : memref<80x64xf32, #tpu.memory_space<vmem>>) dst(%dma_wait3A_78 : memref<10112x64xf32, #tpu.memory_space<vmem_shared>>)
      %dma_wait3A_79 = arith.constant 0 : i32
      %dma_wait3A_80 = arith.constant 0 : i32
      %dma_wait3A_81 = tpu.memref_slice %arg8[%dma_wait3A_79, %dma_wait3A_80] : memref<50x80xi32, #tpu.memory_space<vmem>> -> memref<1x80xi32, #tpu.memory_space<vmem>>
      %dma_wait3A_82 = tpu.memref_squeeze %dma_wait3A_81 : memref<1x80xi32, #tpu.memory_space<vmem>> -> memref<80xi32, #tpu.memory_space<vmem>>
      %dma_wait3A_83 = arith.constant 0 : i32
      %dma_wait3A_84 = arith.constant 0 : i32
      %dma_wait3A_85 = tpu.memref_slice %arg14[%dma_wait3A_83, %dma_wait3A_84] : memref<10112x64xf32, #tpu.memory_space<vmem_shared>> -> memref<10112x64xf32, #tpu.memory_space<vmem_shared>>
      tpu.wait_indirect_dma semaphore(%arg22 : memref<!tpu.dma_semaphore, #tpu.memory_space<semaphore_mem>>) src(%arg11 : memref<80x64xf32, #tpu.memory_space<vmem>>) dst(%dma_wait3A_85 : memref<10112x64xf32, #tpu.memory_space<vmem_shared>>)
      %dma_wait3A_86 = arith.constant 0 : i32
      %dma_wait3A_87 = arith.constant 0 : i32
      %dma_wait3A_88 = tpu.memref_slice %arg8[%dma_wait3A_86, %dma_wait3A_87] : memref<50x80xi32, #tpu.memory_space<vmem>> -> memref<1x80xi32, #tpu.memory_space<vmem>>
      %dma_wait3A_89 = tpu.memref_squeeze %dma_wait3A_88 : memref<1x80xi32, #tpu.memory_space<vmem>> -> memref<80xi32, #tpu.memory_space<vmem>>
      %dma_wait3A_90 = arith.constant 0 : i32
      %dma_wait3A_91 = arith.constant 0 : i32
      %dma_wait3A_92 = tpu.memref_slice %arg14[%dma_wait3A_90, %dma_wait3A_91] : memref<10112x64xf32, #tpu.memory_space<vmem_shared>> -> memref<10112x64xf32, #tpu.memory_space<vmem_shared>>
      tpu.wait_indirect_dma semaphore(%arg23 : memref<!tpu.dma_semaphore, #tpu.memory_space<semaphore_mem>>) src(%arg12 : memref<80x64xf32, #tpu.memory_space<vmem>>) dst(%dma_wait3A_92 : memref<10112x64xf32, #tpu.memory_space<vmem_shared>>)
      %dma_wait3A_93 = arith.constant 0 : i32
      %dma_wait3A_94 = arith.constant 0 : i32
      %dma_wait3A_95 = tpu.memref_slice %arg8[%dma_wait3A_93, %dma_wait3A_94] : memref<50x80xi32, #tpu.memory_space<vmem>> -> memref<1x80xi32, #tpu.memory_space<vmem>>
      %dma_wait3A_96 = tpu.memref_squeeze %dma_wait3A_95 : memref<1x80xi32, #tpu.memory_space<vmem>> -> memref<80xi32, #tpu.memory_space<vmem>>
      %dma_wait3A_97 = arith.constant 0 : i32
      %dma_wait3A_98 = arith.constant 0 : i32
      %dma_wait3A_99 = tpu.memref_slice %arg14[%dma_wait3A_97, %dma_wait3A_98] : memref<10112x64xf32, #tpu.memory_space<vmem_shared>> -> memref<10112x64xf32, #tpu.memory_space<vmem_shared>>
      tpu.wait_indirect_dma semaphore(%arg24 : memref<!tpu.dma_semaphore, #tpu.memory_space<semaphore_mem>>) src(%arg13 : memref<80x64xf32, #tpu.memory_space<vmem>>) dst(%dma_wait3A_99 : memref<10112x64xf32, #tpu.memory_space<vmem_shared>>)
    }
    %scan3A_5 = arith.constant 5 : i32
    %barrier3A_6 = arith.constant 0 : index
    tpu.barrier barrier_id(%barrier3A_6)
    %mul3A_7 = arith.constant 632 : i32
    %mul3A_8 = arith.muli %arg1, %mul3A_7 : i32
    %mul3A_9 = arith.constant 632 : i32
    %mul3A_10 = arith.muli %arg1, %mul3A_9 : i32
    %mul3A_11 = arith.constant 64 : i32
    %mul3A_12 = arith.muli %arg0, %mul3A_11 : i32
    "tpu.region"() ({
      %run_scoped3A = tpu.sem_alloc : memref<!tpu.dma_semaphore, #tpu.memory_space<semaphore_mem>>
      %dma_start3A = tpu.memref_slice %arg6[%mul3A_10, %mul3A_12] : memref<10112x128xf32, #tpu.memory_space<hbm>> -> memref<632x64xf32, #tpu.memory_space<hbm>>
      %dma_start3A_13 = arith.constant 0 : i32
      %dma_start3A_14 = tpu.memref_slice %arg14[%mul3A_8, %dma_start3A_13] : memref<10112x64xf32, #tpu.memory_space<vmem_shared>> -> memref<632x64xf32, #tpu.memory_space<vmem_shared>>
      tpu.enqueue_dma source(%dma_start3A_14 : memref<632x64xf32, #tpu.memory_space<vmem_shared>>) target(%dma_start3A : memref<632x64xf32, #tpu.memory_space<hbm>>) target_semaphore(%run_scoped3A : memref<!tpu.dma_semaphore, #tpu.memory_space<semaphore_mem>>)
      %dma_wait3A = tpu.memref_slice %arg6[%mul3A_10, %mul3A_12] : memref<10112x128xf32, #tpu.memory_space<hbm>> -> memref<632x64xf32, #tpu.memory_space<hbm>>
      %dma_wait3A_15 = arith.constant 0 : i32
      %dma_wait3A_16 = tpu.memref_slice %arg14[%mul3A_8, %dma_wait3A_15] : memref<10112x64xf32, #tpu.memory_space<vmem_shared>> -> memref<632x64xf32, #tpu.memory_space<vmem_shared>>
      tpu.wait_dma2 semaphore(%run_scoped3A : memref<!tpu.dma_semaphore, #tpu.memory_space<semaphore_mem>>) src(%dma_wait3A_16 : memref<632x64xf32, #tpu.memory_space<vmem_shared>>) dst(%dma_wait3A : memref<632x64xf32, #tpu.memory_space<hbm>>)
      tpu.yield
    }) : () -> ()
    return
  }
}

#map = affine_map<(d0, d1) -> (0, 0)>
module attributes {stable_mosaic.version = 14 : i64} {
  func.func @deg_kernel(%arg0: i32, %arg1: i32, %arg2: memref<4000x80xi32, #tpu.memory_space<hbm>>, %arg3: memref<632x8xf32, #tpu.memory_space<hbm>>, %arg4: memref<80x8xf32, #tpu.memory_space<hbm>>, %arg5: memref<10112x128xf32, #tpu.memory_space<hbm>>, %arg6: memref<125x80xi32, #tpu.memory_space<vmem>>, %arg7: memref<80x8xf32, #tpu.memory_space<vmem>>, %arg8: memref<632x8xf32, #tpu.memory_space<vmem>>, %arg9: memref<10112x8xf32, #tpu.memory_space<vmem_shared>>, %arg10: memref<!tpu.dma_semaphore, #tpu.memory_space<semaphore_mem>>) attributes {dimension_semantics = [#tpu.dimension_semantics<core_parallel>, #tpu.dimension_semantics<subcore_parallel>], iteration_bounds = array<i64: 2, 16>, scalar_prefetch = 0 : i64, scratch_operands = 5 : i64, tpu.core_type = #tpu.core_type<sc_vector_subcore>, window_params = [{transform_indices = #map}, {transform_indices = #map}, {transform_indices = #map}, {transform_indices = #map}]} {
    "tpu.region"() ({
      %run_scoped3A = tpu.sem_alloc : memref<!tpu.dma_semaphore, #tpu.memory_space<semaphore_mem>>
      tpu.enqueue_dma source(%arg4 : memref<80x8xf32, #tpu.memory_space<hbm>>) target(%arg7 : memref<80x8xf32, #tpu.memory_space<vmem>>) target_semaphore(%run_scoped3A : memref<!tpu.dma_semaphore, #tpu.memory_space<semaphore_mem>>)
      tpu.wait_dma2 semaphore(%run_scoped3A : memref<!tpu.dma_semaphore, #tpu.memory_space<semaphore_mem>>) src(%arg4 : memref<80x8xf32, #tpu.memory_space<hbm>>) dst(%arg7 : memref<80x8xf32, #tpu.memory_space<vmem>>)
      tpu.yield
    }) : () -> ()
    %mul3A = arith.constant 632 : i32
    %mul3A_0 = arith.muli %arg1, %mul3A : i32
    "tpu.region"() ({
      %run_scoped3A = tpu.sem_alloc : memref<!tpu.dma_semaphore, #tpu.memory_space<semaphore_mem>>
      %dma_start3A = arith.constant 0 : i32
      %dma_start3A_17 = tpu.memref_slice %arg9[%mul3A_0, %dma_start3A] : memref<10112x8xf32, #tpu.memory_space<vmem_shared>> -> memref<632x8xf32, #tpu.memory_space<vmem_shared>>
      tpu.enqueue_dma source(%arg3 : memref<632x8xf32, #tpu.memory_space<hbm>>) target(%dma_start3A_17 : memref<632x8xf32, #tpu.memory_space<vmem_shared>>) target_semaphore(%run_scoped3A : memref<!tpu.dma_semaphore, #tpu.memory_space<semaphore_mem>>)
      %dma_wait3A = arith.constant 0 : i32
      %dma_wait3A_18 = tpu.memref_slice %arg9[%mul3A_0, %dma_wait3A] : memref<10112x8xf32, #tpu.memory_space<vmem_shared>> -> memref<632x8xf32, #tpu.memory_space<vmem_shared>>
      tpu.wait_dma2 semaphore(%run_scoped3A : memref<!tpu.dma_semaphore, #tpu.memory_space<semaphore_mem>>) src(%arg3 : memref<632x8xf32, #tpu.memory_space<hbm>>) dst(%dma_wait3A_18 : memref<632x8xf32, #tpu.memory_space<vmem_shared>>)
      tpu.yield
    }) : () -> ()
    %mul3A_1 = arith.constant 16 : i32
    %mul3A_2 = arith.muli %arg0, %mul3A_1 : i32
    %add3A = arith.addi %mul3A_2, %arg1 : i32
    %mul3A_3 = arith.constant 125 : i32
    %mul3A_4 = arith.muli %add3A, %mul3A_3 : i32
    "tpu.region"() ({
      %run_scoped3A = tpu.sem_alloc : memref<!tpu.dma_semaphore, #tpu.memory_space<semaphore_mem>>
      %dma_start3A = arith.constant 0 : i32
      %dma_start3A_17 = tpu.memref_slice %arg2[%mul3A_4, %dma_start3A] : memref<4000x80xi32, #tpu.memory_space<hbm>> -> memref<125x80xi32, #tpu.memory_space<hbm>>
      %dma_start3A_18 = arith.constant 0 : i32
      %dma_start3A_19 = tpu.memref_slice %arg2[%mul3A_4, %dma_start3A_18] : memref<4000x80xi32, #tpu.memory_space<hbm>> -> memref<125x80xi32, #tpu.memory_space<hbm>>
      tpu.enqueue_dma source(%dma_start3A_19 : memref<125x80xi32, #tpu.memory_space<hbm>>) target(%arg6 : memref<125x80xi32, #tpu.memory_space<vmem>>) target_semaphore(%run_scoped3A : memref<!tpu.dma_semaphore, #tpu.memory_space<semaphore_mem>>)
      %dma_wait3A = arith.constant 0 : i32
      %dma_wait3A_20 = tpu.memref_slice %arg2[%mul3A_4, %dma_wait3A] : memref<4000x80xi32, #tpu.memory_space<hbm>> -> memref<125x80xi32, #tpu.memory_space<hbm>>
      %dma_wait3A_21 = arith.constant 0 : i32
      %dma_wait3A_22 = tpu.memref_slice %arg2[%mul3A_4, %dma_wait3A_21] : memref<4000x80xi32, #tpu.memory_space<hbm>> -> memref<125x80xi32, #tpu.memory_space<hbm>>
      tpu.wait_dma2 semaphore(%run_scoped3A : memref<!tpu.dma_semaphore, #tpu.memory_space<semaphore_mem>>) src(%dma_wait3A_22 : memref<125x80xi32, #tpu.memory_space<hbm>>) dst(%arg6 : memref<125x80xi32, #tpu.memory_space<vmem>>)
      tpu.yield
    }) : () -> ()
    %barrier3A = arith.constant 0 : index
    tpu.barrier barrier_id(%barrier3A)
    %scan3A = arith.constant 0 : i32
    %scan3A_5 = arith.constant 0 : i32
    %scan3A_6 = arith.constant 125 : i32
    %scan3A_7 = arith.addi %scan3A_5, %scan3A_6 : i32
    %scan3A_8 = arith.constant 1 : i32
    scf.for %scan3A_17 = %scan3A_5 to %scan3A_7 step %scan3A_8  : i32 {
      "tpu.region"() ({
        %run_scoped3A = tpu.sem_alloc : memref<!tpu.dma_semaphore, #tpu.memory_space<semaphore_mem>>
        %dma_start3A = arith.constant 0 : i32
        %dma_start3A_18 = tpu.memref_slice %arg6[%scan3A_17, %dma_start3A] : memref<125x80xi32, #tpu.memory_space<vmem>> -> memref<1x80xi32, #tpu.memory_space<vmem>>
        %dma_start3A_19 = tpu.memref_squeeze %dma_start3A_18 : memref<1x80xi32, #tpu.memory_space<vmem>> -> memref<80xi32, #tpu.memory_space<vmem>>
        %dma_start3A_20 = arith.constant 0 : i32
        %dma_start3A_21 = arith.constant 0 : i32
        %dma_start3A_22 = tpu.memref_slice %arg9[%dma_start3A_20, %dma_start3A_21] : memref<10112x8xf32, #tpu.memory_space<vmem_shared>> -> memref<10112x8xf32, #tpu.memory_space<vmem_shared>>
        tpu.enqueue_indirect_dma source(%arg7 : memref<80x8xf32, #tpu.memory_space<vmem>>) target(%dma_start3A_22 : memref<10112x8xf32, #tpu.memory_space<vmem_shared>>) offsets(%dma_start3A_19 : memref<80xi32, #tpu.memory_space<vmem>>) semaphore(%run_scoped3A : memref<!tpu.dma_semaphore, #tpu.memory_space<semaphore_mem>>) {add = true}
        %dma_wait3A = arith.constant 0 : i32
        %dma_wait3A_23 = tpu.memref_slice %arg6[%scan3A_17, %dma_wait3A] : memref<125x80xi32, #tpu.memory_space<vmem>> -> memref<1x80xi32, #tpu.memory_space<vmem>>
        %dma_wait3A_24 = tpu.memref_squeeze %dma_wait3A_23 : memref<1x80xi32, #tpu.memory_space<vmem>> -> memref<80xi32, #tpu.memory_space<vmem>>
        %dma_wait3A_25 = arith.constant 0 : i32
        %dma_wait3A_26 = arith.constant 0 : i32
        %dma_wait3A_27 = tpu.memref_slice %arg9[%dma_wait3A_25, %dma_wait3A_26] : memref<10112x8xf32, #tpu.memory_space<vmem_shared>> -> memref<10112x8xf32, #tpu.memory_space<vmem_shared>>
        tpu.wait_indirect_dma semaphore(%run_scoped3A : memref<!tpu.dma_semaphore, #tpu.memory_space<semaphore_mem>>) src(%arg7 : memref<80x8xf32, #tpu.memory_space<vmem>>) dst(%dma_wait3A_27 : memref<10112x8xf32, #tpu.memory_space<vmem_shared>>)
        tpu.yield
      }) : () -> ()
    }
    %scan3A_9 = arith.constant 125 : i32
    %barrier3A_10 = arith.constant 0 : index
    tpu.barrier barrier_id(%barrier3A_10)
    %mul3A_11 = arith.constant 632 : i32
    %mul3A_12 = arith.muli %arg1, %mul3A_11 : i32
    "tpu.region"() ({
      %run_scoped3A = tpu.sem_alloc : memref<!tpu.dma_semaphore, #tpu.memory_space<semaphore_mem>>
      %dma_start3A = arith.constant 0 : i32
      %dma_start3A_17 = tpu.memref_slice %arg9[%mul3A_12, %dma_start3A] : memref<10112x8xf32, #tpu.memory_space<vmem_shared>> -> memref<632x8xf32, #tpu.memory_space<vmem_shared>>
      %dma_start3A_18 = arith.constant 0 : i32
      %dma_start3A_19 = tpu.memref_slice %arg9[%mul3A_12, %dma_start3A_18] : memref<10112x8xf32, #tpu.memory_space<vmem_shared>> -> memref<632x8xf32, #tpu.memory_space<vmem_shared>>
      tpu.enqueue_dma source(%dma_start3A_19 : memref<632x8xf32, #tpu.memory_space<vmem_shared>>) target(%arg8 : memref<632x8xf32, #tpu.memory_space<vmem>>) target_semaphore(%run_scoped3A : memref<!tpu.dma_semaphore, #tpu.memory_space<semaphore_mem>>)
      %dma_wait3A = arith.constant 0 : i32
      %dma_wait3A_20 = tpu.memref_slice %arg9[%mul3A_12, %dma_wait3A] : memref<10112x8xf32, #tpu.memory_space<vmem_shared>> -> memref<632x8xf32, #tpu.memory_space<vmem_shared>>
      %dma_wait3A_21 = arith.constant 0 : i32
      %dma_wait3A_22 = tpu.memref_slice %arg9[%mul3A_12, %dma_wait3A_21] : memref<10112x8xf32, #tpu.memory_space<vmem_shared>> -> memref<632x8xf32, #tpu.memory_space<vmem_shared>>
      tpu.wait_dma2 semaphore(%run_scoped3A : memref<!tpu.dma_semaphore, #tpu.memory_space<semaphore_mem>>) src(%dma_wait3A_22 : memref<632x8xf32, #tpu.memory_space<vmem_shared>>) dst(%arg8 : memref<632x8xf32, #tpu.memory_space<vmem>>)
      tpu.yield
    }) : () -> ()
    %mul3A_13 = arith.constant 632 : i32
    %mul3A_14 = arith.muli %arg1, %mul3A_13 : i32
    %mul3A_15 = arith.constant 8 : i32
    %mul3A_16 = arith.muli %arg0, %mul3A_15 : i32
    "tpu.region"() ({
      %run_scoped3A = tpu.sem_alloc : memref<!tpu.dma_semaphore, #tpu.memory_space<semaphore_mem>>
      %dma_start3A = tpu.memref_slice %arg5[%mul3A_14, %mul3A_16] : memref<10112x128xf32, #tpu.memory_space<hbm>> -> memref<632x8xf32, #tpu.memory_space<hbm>>
      %dma_start3A_17 = tpu.memref_slice %arg5[%mul3A_14, %mul3A_16] : memref<10112x128xf32, #tpu.memory_space<hbm>> -> memref<632x8xf32, #tpu.memory_space<hbm>>
      tpu.enqueue_dma source(%arg8 : memref<632x8xf32, #tpu.memory_space<vmem>>) target(%dma_start3A_17 : memref<632x8xf32, #tpu.memory_space<hbm>>) target_semaphore(%run_scoped3A : memref<!tpu.dma_semaphore, #tpu.memory_space<semaphore_mem>>)
      %dma_wait3A = tpu.memref_slice %arg5[%mul3A_14, %mul3A_16] : memref<10112x128xf32, #tpu.memory_space<hbm>> -> memref<632x8xf32, #tpu.memory_space<hbm>>
      %dma_wait3A_18 = tpu.memref_slice %arg5[%mul3A_14, %mul3A_16] : memref<10112x128xf32, #tpu.memory_space<hbm>> -> memref<632x8xf32, #tpu.memory_space<hbm>>
      tpu.wait_dma2 semaphore(%run_scoped3A : memref<!tpu.dma_semaphore, #tpu.memory_space<semaphore_mem>>) src(%arg8 : memref<632x8xf32, #tpu.memory_space<vmem>>) dst(%dma_wait3A_18 : memref<632x8xf32, #tpu.memory_space<hbm>>)
      tpu.yield
    }) : () -> ()
    return
  }
}

#map = affine_map<(d0, d1) -> (0, 0)>
#map1 = affine_map<(d0, d1) -> (0, 0, 0)>
module attributes {stable_mosaic.version = 14 : i64} {
  func.func @conv_kernel(%arg0: i32, %arg1: i32, %arg2: memref<20000x80xf32, #tpu.memory_space<hbm>>, %arg3: memref<8000x80xi32, #tpu.memory_space<hbm>>, %arg4: memref<4000x80xi32, #tpu.memory_space<hbm>>, %arg5: memref<632x80xf32, #tpu.memory_space<hbm>>, %arg6: memref<2x10112x128xf32, #tpu.memory_space<hbm>>, %arg7: memref<50x80xi32, #tpu.memory_space<vmem>>, %arg8: memref<50x80xi32, #tpu.memory_space<vmem>>, %arg9: memref<80x80xf32, #tpu.memory_space<vmem>>, %arg10: memref<80x80xf32, #tpu.memory_space<vmem>>, %arg11: memref<80x80xf32, #tpu.memory_space<vmem>>, %arg12: memref<80x80xf32, #tpu.memory_space<vmem>>, %arg13: memref<80x80xf32, #tpu.memory_space<vmem>>, %arg14: memref<10112x80xf32, #tpu.memory_space<vmem_shared>>, %arg15: memref<!tpu.dma_semaphore, #tpu.memory_space<semaphore_mem>>, %arg16: memref<!tpu.dma_semaphore, #tpu.memory_space<semaphore_mem>>, %arg17: memref<!tpu.dma_semaphore, #tpu.memory_space<semaphore_mem>>, %arg18: memref<!tpu.dma_semaphore, #tpu.memory_space<semaphore_mem>>, %arg19: memref<!tpu.dma_semaphore, #tpu.memory_space<semaphore_mem>>, %arg20: memref<!tpu.dma_semaphore, #tpu.memory_space<semaphore_mem>>, %arg21: memref<!tpu.dma_semaphore, #tpu.memory_space<semaphore_mem>>, %arg22: memref<!tpu.dma_semaphore, #tpu.memory_space<semaphore_mem>>, %arg23: memref<!tpu.dma_semaphore, #tpu.memory_space<semaphore_mem>>, %arg24: memref<!tpu.dma_semaphore, #tpu.memory_space<semaphore_mem>>) attributes {dimension_semantics = [#tpu.dimension_semantics<core_parallel>, #tpu.dimension_semantics<subcore_parallel>], iteration_bounds = array<i64: 2, 16>, scalar_prefetch = 0 : i64, scratch_operands = 18 : i64, tpu.core_type = #tpu.core_type<sc_vector_subcore>, window_params = [{transform_indices = #map}, {transform_indices = #map}, {transform_indices = #map}, {transform_indices = #map}, {transform_indices = #map1}]} {
    %mul3A = arith.constant 632 : i32
    %mul3A_0 = arith.muli %arg1, %mul3A : i32
    "tpu.region"() ({
      %run_scoped3A = tpu.sem_alloc : memref<!tpu.dma_semaphore, #tpu.memory_space<semaphore_mem>>
      %dma_start3A = arith.constant 0 : i32
      %dma_start3A_11 = tpu.memref_slice %arg14[%mul3A_0, %dma_start3A] : memref<10112x80xf32, #tpu.memory_space<vmem_shared>> -> memref<632x80xf32, #tpu.memory_space<vmem_shared>>
      tpu.enqueue_dma source(%arg5 : memref<632x80xf32, #tpu.memory_space<hbm>>) target(%dma_start3A_11 : memref<632x80xf32, #tpu.memory_space<vmem_shared>>) target_semaphore(%run_scoped3A : memref<!tpu.dma_semaphore, #tpu.memory_space<semaphore_mem>>)
      %dma_wait3A = arith.constant 0 : i32
      %dma_wait3A_12 = tpu.memref_slice %arg14[%mul3A_0, %dma_wait3A] : memref<10112x80xf32, #tpu.memory_space<vmem_shared>> -> memref<632x80xf32, #tpu.memory_space<vmem_shared>>
      tpu.wait_dma2 semaphore(%run_scoped3A : memref<!tpu.dma_semaphore, #tpu.memory_space<semaphore_mem>>) src(%arg5 : memref<632x80xf32, #tpu.memory_space<hbm>>) dst(%dma_wait3A_12 : memref<632x80xf32, #tpu.memory_space<vmem_shared>>)
      tpu.yield
    }) : () -> ()
    %barrier3A = arith.constant 0 : index
    tpu.barrier barrier_id(%barrier3A)
    %scan3A = arith.constant 0 : i32
    %scan3A_1 = arith.constant 0 : i32
    %scan3A_2 = arith.constant 5 : i32
    %scan3A_3 = arith.addi %scan3A_1, %scan3A_2 : i32
    %scan3A_4 = arith.constant 1 : i32
    scf.for %scan3A_11 = %scan3A_1 to %scan3A_3 step %scan3A_4  : i32 {
      %mul3A_12 = arith.constant 4000 : i32
      %mul3A_13 = arith.muli %arg0, %mul3A_12 : i32
      %mul3A_14 = arith.constant 250 : i32
      %mul3A_15 = arith.muli %arg1, %mul3A_14 : i32
      %add3A = arith.addi %mul3A_13, %mul3A_15 : i32
      %mul3A_16 = arith.constant 50 : i32
      %mul3A_17 = arith.muli %scan3A_11, %mul3A_16 : i32
      %add3A_18 = arith.addi %add3A, %mul3A_17 : i32
      "tpu.region"() ({
        %run_scoped3A = tpu.sem_alloc : memref<!tpu.dma_semaphore, #tpu.memory_space<semaphore_mem>>
        %dma_start3A_98 = arith.constant 0 : i32
        %dma_start3A_99 = tpu.memref_slice %arg3[%add3A_18, %dma_start3A_98] : memref<8000x80xi32, #tpu.memory_space<hbm>> -> memref<50x80xi32, #tpu.memory_space<hbm>>
        %dma_start3A_100 = arith.constant 0 : i32
        %dma_start3A_101 = tpu.memref_slice %arg3[%add3A_18, %dma_start3A_100] : memref<8000x80xi32, #tpu.memory_space<hbm>> -> memref<50x80xi32, #tpu.memory_space<hbm>>
        tpu.enqueue_dma source(%dma_start3A_101 : memref<50x80xi32, #tpu.memory_space<hbm>>) target(%arg7 : memref<50x80xi32, #tpu.memory_space<vmem>>) target_semaphore(%run_scoped3A : memref<!tpu.dma_semaphore, #tpu.memory_space<semaphore_mem>>)
        %dma_wait3A_102 = arith.constant 0 : i32
        %dma_wait3A_103 = tpu.memref_slice %arg3[%add3A_18, %dma_wait3A_102] : memref<8000x80xi32, #tpu.memory_space<hbm>> -> memref<50x80xi32, #tpu.memory_space<hbm>>
        %dma_wait3A_104 = arith.constant 0 : i32
        %dma_wait3A_105 = tpu.memref_slice %arg3[%add3A_18, %dma_wait3A_104] : memref<8000x80xi32, #tpu.memory_space<hbm>> -> memref<50x80xi32, #tpu.memory_space<hbm>>
        tpu.wait_dma2 semaphore(%run_scoped3A : memref<!tpu.dma_semaphore, #tpu.memory_space<semaphore_mem>>) src(%dma_wait3A_105 : memref<50x80xi32, #tpu.memory_space<hbm>>) dst(%arg7 : memref<50x80xi32, #tpu.memory_space<vmem>>)
        tpu.yield
      }) : () -> ()
      %mul3A_19 = arith.constant 250 : i32
      %mul3A_20 = arith.muli %arg1, %mul3A_19 : i32
      %mul3A_21 = arith.constant 50 : i32
      %mul3A_22 = arith.muli %scan3A_11, %mul3A_21 : i32
      %add3A_23 = arith.addi %mul3A_20, %mul3A_22 : i32
      "tpu.region"() ({
        %run_scoped3A = tpu.sem_alloc : memref<!tpu.dma_semaphore, #tpu.memory_space<semaphore_mem>>
        %dma_start3A_98 = arith.constant 0 : i32
        %dma_start3A_99 = tpu.memref_slice %arg4[%add3A_23, %dma_start3A_98] : memref<4000x80xi32, #tpu.memory_space<hbm>> -> memref<50x80xi32, #tpu.memory_space<hbm>>
        %dma_start3A_100 = arith.constant 0 : i32
        %dma_start3A_101 = tpu.memref_slice %arg4[%add3A_23, %dma_start3A_100] : memref<4000x80xi32, #tpu.memory_space<hbm>> -> memref<50x80xi32, #tpu.memory_space<hbm>>
        tpu.enqueue_dma source(%dma_start3A_101 : memref<50x80xi32, #tpu.memory_space<hbm>>) target(%arg8 : memref<50x80xi32, #tpu.memory_space<vmem>>) target_semaphore(%run_scoped3A : memref<!tpu.dma_semaphore, #tpu.memory_space<semaphore_mem>>)
        %dma_wait3A_102 = arith.constant 0 : i32
        %dma_wait3A_103 = tpu.memref_slice %arg4[%add3A_23, %dma_wait3A_102] : memref<4000x80xi32, #tpu.memory_space<hbm>> -> memref<50x80xi32, #tpu.memory_space<hbm>>
        %dma_wait3A_104 = arith.constant 0 : i32
        %dma_wait3A_105 = tpu.memref_slice %arg4[%add3A_23, %dma_wait3A_104] : memref<4000x80xi32, #tpu.memory_space<hbm>> -> memref<50x80xi32, #tpu.memory_space<hbm>>
        tpu.wait_dma2 semaphore(%run_scoped3A : memref<!tpu.dma_semaphore, #tpu.memory_space<semaphore_mem>>) src(%dma_wait3A_105 : memref<50x80xi32, #tpu.memory_space<hbm>>) dst(%arg8 : memref<50x80xi32, #tpu.memory_space<vmem>>)
        tpu.yield
      }) : () -> ()
      %dma_start3A = arith.constant 0 : i32
      %dma_start3A_24 = arith.constant 0 : i32
      %dma_start3A_25 = tpu.memref_slice %arg7[%dma_start3A, %dma_start3A_24] : memref<50x80xi32, #tpu.memory_space<vmem>> -> memref<1x80xi32, #tpu.memory_space<vmem>>
      %dma_start3A_26 = tpu.memref_squeeze %dma_start3A_25 : memref<1x80xi32, #tpu.memory_space<vmem>> -> memref<80xi32, #tpu.memory_space<vmem>>
      %dma_start3A_27 = arith.constant 0 : i32
      %dma_start3A_28 = arith.constant 0 : i32
      %dma_start3A_29 = tpu.memref_slice %arg2[%dma_start3A_27, %dma_start3A_28] : memref<20000x80xf32, #tpu.memory_space<hbm>> -> memref<20000x80xf32, #tpu.memory_space<hbm>>
      tpu.enqueue_indirect_dma source(%dma_start3A_29 : memref<20000x80xf32, #tpu.memory_space<hbm>>) target(%arg9 : memref<80x80xf32, #tpu.memory_space<vmem>>) offsets(%dma_start3A_26 : memref<80xi32, #tpu.memory_space<vmem>>) semaphore(%arg15 : memref<!tpu.dma_semaphore, #tpu.memory_space<semaphore_mem>>)
      %dma_start3A_30 = arith.constant 1 : i32
      %dma_start3A_31 = arith.constant 0 : i32
      %dma_start3A_32 = tpu.memref_slice %arg7[%dma_start3A_30, %dma_start3A_31] : memref<50x80xi32, #tpu.memory_space<vmem>> -> memref<1x80xi32, #tpu.memory_space<vmem>>
      %dma_start3A_33 = tpu.memref_squeeze %dma_start3A_32 : memref<1x80xi32, #tpu.memory_space<vmem>> -> memref<80xi32, #tpu.memory_space<vmem>>
      %dma_start3A_34 = arith.constant 0 : i32
      %dma_start3A_35 = arith.constant 0 : i32
      %dma_start3A_36 = tpu.memref_slice %arg2[%dma_start3A_34, %dma_start3A_35] : memref<20000x80xf32, #tpu.memory_space<hbm>> -> memref<20000x80xf32, #tpu.memory_space<hbm>>
      tpu.enqueue_indirect_dma source(%dma_start3A_36 : memref<20000x80xf32, #tpu.memory_space<hbm>>) target(%arg10 : memref<80x80xf32, #tpu.memory_space<vmem>>) offsets(%dma_start3A_33 : memref<80xi32, #tpu.memory_space<vmem>>) semaphore(%arg16 : memref<!tpu.dma_semaphore, #tpu.memory_space<semaphore_mem>>)
      %dma_start3A_37 = arith.constant 2 : i32
      %dma_start3A_38 = arith.constant 0 : i32
      %dma_start3A_39 = tpu.memref_slice %arg7[%dma_start3A_37, %dma_start3A_38] : memref<50x80xi32, #tpu.memory_space<vmem>> -> memref<1x80xi32, #tpu.memory_space<vmem>>
      %dma_start3A_40 = tpu.memref_squeeze %dma_start3A_39 : memref<1x80xi32, #tpu.memory_space<vmem>> -> memref<80xi32, #tpu.memory_space<vmem>>
      %dma_start3A_41 = arith.constant 0 : i32
      %dma_start3A_42 = arith.constant 0 : i32
      %dma_start3A_43 = tpu.memref_slice %arg2[%dma_start3A_41, %dma_start3A_42] : memref<20000x80xf32, #tpu.memory_space<hbm>> -> memref<20000x80xf32, #tpu.memory_space<hbm>>
      tpu.enqueue_indirect_dma source(%dma_start3A_43 : memref<20000x80xf32, #tpu.memory_space<hbm>>) target(%arg11 : memref<80x80xf32, #tpu.memory_space<vmem>>) offsets(%dma_start3A_40 : memref<80xi32, #tpu.memory_space<vmem>>) semaphore(%arg17 : memref<!tpu.dma_semaphore, #tpu.memory_space<semaphore_mem>>)
      %dma_start3A_44 = arith.constant 3 : i32
      %dma_start3A_45 = arith.constant 0 : i32
      %dma_start3A_46 = tpu.memref_slice %arg7[%dma_start3A_44, %dma_start3A_45] : memref<50x80xi32, #tpu.memory_space<vmem>> -> memref<1x80xi32, #tpu.memory_space<vmem>>
      %dma_start3A_47 = tpu.memref_squeeze %dma_start3A_46 : memref<1x80xi32, #tpu.memory_space<vmem>> -> memref<80xi32, #tpu.memory_space<vmem>>
      %dma_start3A_48 = arith.constant 0 : i32
      %dma_start3A_49 = arith.constant 0 : i32
      %dma_start3A_50 = tpu.memref_slice %arg2[%dma_start3A_48, %dma_start3A_49] : memref<20000x80xf32, #tpu.memory_space<hbm>> -> memref<20000x80xf32, #tpu.memory_space<hbm>>
      tpu.enqueue_indirect_dma source(%dma_start3A_50 : memref<20000x80xf32, #tpu.memory_space<hbm>>) target(%arg12 : memref<80x80xf32, #tpu.memory_space<vmem>>) offsets(%dma_start3A_47 : memref<80xi32, #tpu.memory_space<vmem>>) semaphore(%arg18 : memref<!tpu.dma_semaphore, #tpu.memory_space<semaphore_mem>>)
      %dma_start3A_51 = arith.constant 4 : i32
      %dma_start3A_52 = arith.constant 0 : i32
      %dma_start3A_53 = tpu.memref_slice %arg7[%dma_start3A_51, %dma_start3A_52] : memref<50x80xi32, #tpu.memory_space<vmem>> -> memref<1x80xi32, #tpu.memory_space<vmem>>
      %dma_start3A_54 = tpu.memref_squeeze %dma_start3A_53 : memref<1x80xi32, #tpu.memory_space<vmem>> -> memref<80xi32, #tpu.memory_space<vmem>>
      %dma_start3A_55 = arith.constant 0 : i32
      %dma_start3A_56 = arith.constant 0 : i32
      %dma_start3A_57 = tpu.memref_slice %arg2[%dma_start3A_55, %dma_start3A_56] : memref<20000x80xf32, #tpu.memory_space<hbm>> -> memref<20000x80xf32, #tpu.memory_space<hbm>>
      tpu.enqueue_indirect_dma source(%dma_start3A_57 : memref<20000x80xf32, #tpu.memory_space<hbm>>) target(%arg13 : memref<80x80xf32, #tpu.memory_space<vmem>>) offsets(%dma_start3A_54 : memref<80xi32, #tpu.memory_space<vmem>>) semaphore(%arg19 : memref<!tpu.dma_semaphore, #tpu.memory_space<semaphore_mem>>)
      %scan3A_58 = arith.constant 0 : i32
      %scan3A_59 = arith.constant 0 : i32
      %scan3A_60 = arith.constant 10 : i32
      %scan3A_61 = arith.addi %scan3A_59, %scan3A_60 : i32
      %scan3A_62 = arith.constant 1 : i32
      scf.for %scan3A_98 = %scan3A_59 to %scan3A_61 step %scan3A_62  : i32 {
        %mul3A_99 = arith.constant 5 : i32
        %mul3A_100 = arith.muli %mul3A_99, %scan3A_98 : i32
        %add3A_101 = arith.constant 0 : i32
        %add3A_102 = arith.addi %mul3A_100, %add3A_101 : i32
        %sub3A = arith.constant 1 : i32
        %sub3A_103 = arith.subi %add3A_102, %sub3A : i32
        %add3A_104 = arith.constant 5 : i32
        %add3A_105 = arith.addi %sub3A_103, %add3A_104 : i32
        %ge3A = arith.constant 1 : i32
        %ge3A_106 = arith.cmpi sge, %add3A_102, %ge3A : i32
        %lt3A = arith.constant 50 : i32
        %lt3A_107 = arith.cmpi slt, %add3A_105, %lt3A : i32
        %and3A = arith.andi %ge3A_106, %lt3A_107 : i1
        %convert_element_type3A = arith.extui %and3A : i1 to i32
        %cond3A = arith.constant 0 : i32
        %cond3A_108 = arith.cmpi ne, %convert_element_type3A, %cond3A : i32
        scf.if %cond3A_108 {
          %dma_wait3A_238 = arith.constant 0 : i32
          %dma_wait3A_239 = arith.constant 0 : i32
          %dma_wait3A_240 = tpu.memref_slice %arg8[%dma_wait3A_238, %dma_wait3A_239] : memref<50x80xi32, #tpu.memory_space<vmem>> -> memref<1x80xi32, #tpu.memory_space<vmem>>
          %dma_wait3A_241 = tpu.memref_squeeze %dma_wait3A_240 : memref<1x80xi32, #tpu.memory_space<vmem>> -> memref<80xi32, #tpu.memory_space<vmem>>
          %dma_wait3A_242 = arith.constant 0 : i32
          %dma_wait3A_243 = arith.constant 0 : i32
          %dma_wait3A_244 = tpu.memref_slice %arg14[%dma_wait3A_242, %dma_wait3A_243] : memref<10112x80xf32, #tpu.memory_space<vmem_shared>> -> memref<10112x80xf32, #tpu.memory_space<vmem_shared>>
          tpu.wait_indirect_dma semaphore(%arg24 : memref<!tpu.dma_semaphore, #tpu.memory_space<semaphore_mem>>) src(%arg13 : memref<80x80xf32, #tpu.memory_space<vmem>>) dst(%dma_wait3A_244 : memref<10112x80xf32, #tpu.memory_space<vmem_shared>>)
          %dma_start3A_245 = arith.constant 0 : i32
          %dma_start3A_246 = tpu.memref_slice %arg7[%add3A_105, %dma_start3A_245] : memref<50x80xi32, #tpu.memory_space<vmem>> -> memref<1x80xi32, #tpu.memory_space<vmem>>
          %dma_start3A_247 = tpu.memref_squeeze %dma_start3A_246 : memref<1x80xi32, #tpu.memory_space<vmem>> -> memref<80xi32, #tpu.memory_space<vmem>>
          %dma_start3A_248 = arith.constant 0 : i32
          %dma_start3A_249 = arith.constant 0 : i32
          %dma_start3A_250 = tpu.memref_slice %arg2[%dma_start3A_248, %dma_start3A_249] : memref<20000x80xf32, #tpu.memory_space<hbm>> -> memref<20000x80xf32, #tpu.memory_space<hbm>>
          tpu.enqueue_indirect_dma source(%dma_start3A_250 : memref<20000x80xf32, #tpu.memory_space<hbm>>) target(%arg13 : memref<80x80xf32, #tpu.memory_space<vmem>>) offsets(%dma_start3A_247 : memref<80xi32, #tpu.memory_space<vmem>>) semaphore(%arg19 : memref<!tpu.dma_semaphore, #tpu.memory_space<semaphore_mem>>)
        } else {
        }
        %dma_wait3A_109 = arith.constant 0 : i32
        %dma_wait3A_110 = arith.constant 0 : i32
        %dma_wait3A_111 = tpu.memref_slice %arg7[%dma_wait3A_109, %dma_wait3A_110] : memref<50x80xi32, #tpu.memory_space<vmem>> -> memref<1x80xi32, #tpu.memory_space<vmem>>
        %dma_wait3A_112 = tpu.memref_squeeze %dma_wait3A_111 : memref<1x80xi32, #tpu.memory_space<vmem>> -> memref<80xi32, #tpu.memory_space<vmem>>
        %dma_wait3A_113 = arith.constant 0 : i32
        %dma_wait3A_114 = arith.constant 0 : i32
        %dma_wait3A_115 = tpu.memref_slice %arg2[%dma_wait3A_113, %dma_wait3A_114] : memref<20000x80xf32, #tpu.memory_space<hbm>> -> memref<20000x80xf32, #tpu.memory_space<hbm>>
        tpu.wait_indirect_dma semaphore(%arg15 : memref<!tpu.dma_semaphore, #tpu.memory_space<semaphore_mem>>) src(%dma_wait3A_115 : memref<20000x80xf32, #tpu.memory_space<hbm>>) dst(%arg9 : memref<80x80xf32, #tpu.memory_space<vmem>>)
        %dma_start3A_116 = arith.constant 0 : i32
        %dma_start3A_117 = tpu.memref_slice %arg8[%add3A_102, %dma_start3A_116] : memref<50x80xi32, #tpu.memory_space<vmem>> -> memref<1x80xi32, #tpu.memory_space<vmem>>
        %dma_start3A_118 = tpu.memref_squeeze %dma_start3A_117 : memref<1x80xi32, #tpu.memory_space<vmem>> -> memref<80xi32, #tpu.memory_space<vmem>>
        %dma_start3A_119 = arith.constant 0 : i32
        %dma_start3A_120 = arith.constant 0 : i32
        %dma_start3A_121 = tpu.memref_slice %arg14[%dma_start3A_119, %dma_start3A_120] : memref<10112x80xf32, #tpu.memory_space<vmem_shared>> -> memref<10112x80xf32, #tpu.memory_space<vmem_shared>>
        tpu.enqueue_indirect_dma source(%arg9 : memref<80x80xf32, #tpu.memory_space<vmem>>) target(%dma_start3A_121 : memref<10112x80xf32, #tpu.memory_space<vmem_shared>>) offsets(%dma_start3A_118 : memref<80xi32, #tpu.memory_space<vmem>>) semaphore(%arg20 : memref<!tpu.dma_semaphore, #tpu.memory_space<semaphore_mem>>) {add = true}
        %mul3A_122 = arith.constant 5 : i32
        %mul3A_123 = arith.muli %mul3A_122, %scan3A_98 : i32
        %add3A_124 = arith.constant 1 : i32
        %add3A_125 = arith.addi %mul3A_123, %add3A_124 : i32
        %sub3A_126 = arith.constant 1 : i32
        %sub3A_127 = arith.subi %add3A_125, %sub3A_126 : i32
        %add3A_128 = arith.constant 5 : i32
        %add3A_129 = arith.addi %sub3A_127, %add3A_128 : i32
        %ge3A_130 = arith.constant 1 : i32
        %ge3A_131 = arith.cmpi sge, %add3A_125, %ge3A_130 : i32
        %lt3A_132 = arith.constant 50 : i32
        %lt3A_133 = arith.cmpi slt, %add3A_129, %lt3A_132 : i32
        %and3A_134 = arith.andi %ge3A_131, %lt3A_133 : i1
        %convert_element_type3A_135 = arith.extui %and3A_134 : i1 to i32
        %cond3A_136 = arith.constant 0 : i32
        %cond3A_137 = arith.cmpi ne, %convert_element_type3A_135, %cond3A_136 : i32
        scf.if %cond3A_137 {
          %dma_wait3A_238 = arith.constant 0 : i32
          %dma_wait3A_239 = arith.constant 0 : i32
          %dma_wait3A_240 = tpu.memref_slice %arg8[%dma_wait3A_238, %dma_wait3A_239] : memref<50x80xi32, #tpu.memory_space<vmem>> -> memref<1x80xi32, #tpu.memory_space<vmem>>
          %dma_wait3A_241 = tpu.memref_squeeze %dma_wait3A_240 : memref<1x80xi32, #tpu.memory_space<vmem>> -> memref<80xi32, #tpu.memory_space<vmem>>
          %dma_wait3A_242 = arith.constant 0 : i32
          %dma_wait3A_243 = arith.constant 0 : i32
          %dma_wait3A_244 = tpu.memref_slice %arg14[%dma_wait3A_242, %dma_wait3A_243] : memref<10112x80xf32, #tpu.memory_space<vmem_shared>> -> memref<10112x80xf32, #tpu.memory_space<vmem_shared>>
          tpu.wait_indirect_dma semaphore(%arg20 : memref<!tpu.dma_semaphore, #tpu.memory_space<semaphore_mem>>) src(%arg9 : memref<80x80xf32, #tpu.memory_space<vmem>>) dst(%dma_wait3A_244 : memref<10112x80xf32, #tpu.memory_space<vmem_shared>>)
          %dma_start3A_245 = arith.constant 0 : i32
          %dma_start3A_246 = tpu.memref_slice %arg7[%add3A_129, %dma_start3A_245] : memref<50x80xi32, #tpu.memory_space<vmem>> -> memref<1x80xi32, #tpu.memory_space<vmem>>
          %dma_start3A_247 = tpu.memref_squeeze %dma_start3A_246 : memref<1x80xi32, #tpu.memory_space<vmem>> -> memref<80xi32, #tpu.memory_space<vmem>>
          %dma_start3A_248 = arith.constant 0 : i32
          %dma_start3A_249 = arith.constant 0 : i32
          %dma_start3A_250 = tpu.memref_slice %arg2[%dma_start3A_248, %dma_start3A_249] : memref<20000x80xf32, #tpu.memory_space<hbm>> -> memref<20000x80xf32, #tpu.memory_space<hbm>>
          tpu.enqueue_indirect_dma source(%dma_start3A_250 : memref<20000x80xf32, #tpu.memory_space<hbm>>) target(%arg9 : memref<80x80xf32, #tpu.memory_space<vmem>>) offsets(%dma_start3A_247 : memref<80xi32, #tpu.memory_space<vmem>>) semaphore(%arg15 : memref<!tpu.dma_semaphore, #tpu.memory_space<semaphore_mem>>)
        } else {
        }
        %dma_wait3A_138 = arith.constant 0 : i32
        %dma_wait3A_139 = arith.constant 0 : i32
        %dma_wait3A_140 = tpu.memref_slice %arg7[%dma_wait3A_138, %dma_wait3A_139] : memref<50x80xi32, #tpu.memory_space<vmem>> -> memref<1x80xi32, #tpu.memory_space<vmem>>
        %dma_wait3A_141 = tpu.memref_squeeze %dma_wait3A_140 : memref<1x80xi32, #tpu.memory_space<vmem>> -> memref<80xi32, #tpu.memory_space<vmem>>
        %dma_wait3A_142 = arith.constant 0 : i32
        %dma_wait3A_143 = arith.constant 0 : i32
        %dma_wait3A_144 = tpu.memref_slice %arg2[%dma_wait3A_142, %dma_wait3A_143] : memref<20000x80xf32, #tpu.memory_space<hbm>> -> memref<20000x80xf32, #tpu.memory_space<hbm>>
        tpu.wait_indirect_dma semaphore(%arg16 : memref<!tpu.dma_semaphore, #tpu.memory_space<semaphore_mem>>) src(%dma_wait3A_144 : memref<20000x80xf32, #tpu.memory_space<hbm>>) dst(%arg10 : memref<80x80xf32, #tpu.memory_space<vmem>>)
        %dma_start3A_145 = arith.constant 0 : i32
        %dma_start3A_146 = tpu.memref_slice %arg8[%add3A_125, %dma_start3A_145] : memref<50x80xi32, #tpu.memory_space<vmem>> -> memref<1x80xi32, #tpu.memory_space<vmem>>
        %dma_start3A_147 = tpu.memref_squeeze %dma_start3A_146 : memref<1x80xi32, #tpu.memory_space<vmem>> -> memref<80xi32, #tpu.memory_space<vmem>>
        %dma_start3A_148 = arith.constant 0 : i32
        %dma_start3A_149 = arith.constant 0 : i32
        %dma_start3A_150 = tpu.memref_slice %arg14[%dma_start3A_148, %dma_start3A_149] : memref<10112x80xf32, #tpu.memory_space<vmem_shared>> -> memref<10112x80xf32, #tpu.memory_space<vmem_shared>>
        tpu.enqueue_indirect_dma source(%arg10 : memref<80x80xf32, #tpu.memory_space<vmem>>) target(%dma_start3A_150 : memref<10112x80xf32, #tpu.memory_space<vmem_shared>>) offsets(%dma_start3A_147 : memref<80xi32, #tpu.memory_space<vmem>>) semaphore(%arg21 : memref<!tpu.dma_semaphore, #tpu.memory_space<semaphore_mem>>) {add = true}
        %mul3A_151 = arith.constant 5 : i32
        %mul3A_152 = arith.muli %mul3A_151, %scan3A_98 : i32
        %add3A_153 = arith.constant 2 : i32
        %add3A_154 = arith.addi %mul3A_152, %add3A_153 : i32
        %sub3A_155 = arith.constant 1 : i32
        %sub3A_156 = arith.subi %add3A_154, %sub3A_155 : i32
        %add3A_157 = arith.constant 5 : i32
        %add3A_158 = arith.addi %sub3A_156, %add3A_157 : i32
        %ge3A_159 = arith.constant 1 : i32
        %ge3A_160 = arith.cmpi sge, %add3A_154, %ge3A_159 : i32
        %lt3A_161 = arith.constant 50 : i32
        %lt3A_162 = arith.cmpi slt, %add3A_158, %lt3A_161 : i32
        %and3A_163 = arith.andi %ge3A_160, %lt3A_162 : i1
        %convert_element_type3A_164 = arith.extui %and3A_163 : i1 to i32
        %cond3A_165 = arith.constant 0 : i32
        %cond3A_166 = arith.cmpi ne, %convert_element_type3A_164, %cond3A_165 : i32
        scf.if %cond3A_166 {
          %dma_wait3A_238 = arith.constant 0 : i32
          %dma_wait3A_239 = arith.constant 0 : i32
          %dma_wait3A_240 = tpu.memref_slice %arg8[%dma_wait3A_238, %dma_wait3A_239] : memref<50x80xi32, #tpu.memory_space<vmem>> -> memref<1x80xi32, #tpu.memory_space<vmem>>
          %dma_wait3A_241 = tpu.memref_squeeze %dma_wait3A_240 : memref<1x80xi32, #tpu.memory_space<vmem>> -> memref<80xi32, #tpu.memory_space<vmem>>
          %dma_wait3A_242 = arith.constant 0 : i32
          %dma_wait3A_243 = arith.constant 0 : i32
          %dma_wait3A_244 = tpu.memref_slice %arg14[%dma_wait3A_242, %dma_wait3A_243] : memref<10112x80xf32, #tpu.memory_space<vmem_shared>> -> memref<10112x80xf32, #tpu.memory_space<vmem_shared>>
          tpu.wait_indirect_dma semaphore(%arg21 : memref<!tpu.dma_semaphore, #tpu.memory_space<semaphore_mem>>) src(%arg10 : memref<80x80xf32, #tpu.memory_space<vmem>>) dst(%dma_wait3A_244 : memref<10112x80xf32, #tpu.memory_space<vmem_shared>>)
          %dma_start3A_245 = arith.constant 0 : i32
          %dma_start3A_246 = tpu.memref_slice %arg7[%add3A_158, %dma_start3A_245] : memref<50x80xi32, #tpu.memory_space<vmem>> -> memref<1x80xi32, #tpu.memory_space<vmem>>
          %dma_start3A_247 = tpu.memref_squeeze %dma_start3A_246 : memref<1x80xi32, #tpu.memory_space<vmem>> -> memref<80xi32, #tpu.memory_space<vmem>>
          %dma_start3A_248 = arith.constant 0 : i32
          %dma_start3A_249 = arith.constant 0 : i32
          %dma_start3A_250 = tpu.memref_slice %arg2[%dma_start3A_248, %dma_start3A_249] : memref<20000x80xf32, #tpu.memory_space<hbm>> -> memref<20000x80xf32, #tpu.memory_space<hbm>>
          tpu.enqueue_indirect_dma source(%dma_start3A_250 : memref<20000x80xf32, #tpu.memory_space<hbm>>) target(%arg10 : memref<80x80xf32, #tpu.memory_space<vmem>>) offsets(%dma_start3A_247 : memref<80xi32, #tpu.memory_space<vmem>>) semaphore(%arg16 : memref<!tpu.dma_semaphore, #tpu.memory_space<semaphore_mem>>)
        } else {
        }
        %dma_wait3A_167 = arith.constant 0 : i32
        %dma_wait3A_168 = arith.constant 0 : i32
        %dma_wait3A_169 = tpu.memref_slice %arg7[%dma_wait3A_167, %dma_wait3A_168] : memref<50x80xi32, #tpu.memory_space<vmem>> -> memref<1x80xi32, #tpu.memory_space<vmem>>
        %dma_wait3A_170 = tpu.memref_squeeze %dma_wait3A_169 : memref<1x80xi32, #tpu.memory_space<vmem>> -> memref<80xi32, #tpu.memory_space<vmem>>
        %dma_wait3A_171 = arith.constant 0 : i32
        %dma_wait3A_172 = arith.constant 0 : i32
        %dma_wait3A_173 = tpu.memref_slice %arg2[%dma_wait3A_171, %dma_wait3A_172] : memref<20000x80xf32, #tpu.memory_space<hbm>> -> memref<20000x80xf32, #tpu.memory_space<hbm>>
        tpu.wait_indirect_dma semaphore(%arg17 : memref<!tpu.dma_semaphore, #tpu.memory_space<semaphore_mem>>) src(%dma_wait3A_173 : memref<20000x80xf32, #tpu.memory_space<hbm>>) dst(%arg11 : memref<80x80xf32, #tpu.memory_space<vmem>>)
        %dma_start3A_174 = arith.constant 0 : i32
        %dma_start3A_175 = tpu.memref_slice %arg8[%add3A_154, %dma_start3A_174] : memref<50x80xi32, #tpu.memory_space<vmem>> -> memref<1x80xi32, #tpu.memory_space<vmem>>
        %dma_start3A_176 = tpu.memref_squeeze %dma_start3A_175 : memref<1x80xi32, #tpu.memory_space<vmem>> -> memref<80xi32, #tpu.memory_space<vmem>>
        %dma_start3A_177 = arith.constant 0 : i32
        %dma_start3A_178 = arith.constant 0 : i32
        %dma_start3A_179 = tpu.memref_slice %arg14[%dma_start3A_177, %dma_start3A_178] : memref<10112x80xf32, #tpu.memory_space<vmem_shared>> -> memref<10112x80xf32, #tpu.memory_space<vmem_shared>>
        tpu.enqueue_indirect_dma source(%arg11 : memref<80x80xf32, #tpu.memory_space<vmem>>) target(%dma_start3A_179 : memref<10112x80xf32, #tpu.memory_space<vmem_shared>>) offsets(%dma_start3A_176 : memref<80xi32, #tpu.memory_space<vmem>>) semaphore(%arg22 : memref<!tpu.dma_semaphore, #tpu.memory_space<semaphore_mem>>) {add = true}
        %mul3A_180 = arith.constant 5 : i32
        %mul3A_181 = arith.muli %mul3A_180, %scan3A_98 : i32
        %add3A_182 = arith.constant 3 : i32
        %add3A_183 = arith.addi %mul3A_181, %add3A_182 : i32
        %sub3A_184 = arith.constant 1 : i32
        %sub3A_185 = arith.subi %add3A_183, %sub3A_184 : i32
        %add3A_186 = arith.constant 5 : i32
        %add3A_187 = arith.addi %sub3A_185, %add3A_186 : i32
        %ge3A_188 = arith.constant 1 : i32
        %ge3A_189 = arith.cmpi sge, %add3A_183, %ge3A_188 : i32
        %lt3A_190 = arith.constant 50 : i32
        %lt3A_191 = arith.cmpi slt, %add3A_187, %lt3A_190 : i32
        %and3A_192 = arith.andi %ge3A_189, %lt3A_191 : i1
        %convert_element_type3A_193 = arith.extui %and3A_192 : i1 to i32
        %cond3A_194 = arith.constant 0 : i32
        %cond3A_195 = arith.cmpi ne, %convert_element_type3A_193, %cond3A_194 : i32
        scf.if %cond3A_195 {
          %dma_wait3A_238 = arith.constant 0 : i32
          %dma_wait3A_239 = arith.constant 0 : i32
          %dma_wait3A_240 = tpu.memref_slice %arg8[%dma_wait3A_238, %dma_wait3A_239] : memref<50x80xi32, #tpu.memory_space<vmem>> -> memref<1x80xi32, #tpu.memory_space<vmem>>
          %dma_wait3A_241 = tpu.memref_squeeze %dma_wait3A_240 : memref<1x80xi32, #tpu.memory_space<vmem>> -> memref<80xi32, #tpu.memory_space<vmem>>
          %dma_wait3A_242 = arith.constant 0 : i32
          %dma_wait3A_243 = arith.constant 0 : i32
          %dma_wait3A_244 = tpu.memref_slice %arg14[%dma_wait3A_242, %dma_wait3A_243] : memref<10112x80xf32, #tpu.memory_space<vmem_shared>> -> memref<10112x80xf32, #tpu.memory_space<vmem_shared>>
          tpu.wait_indirect_dma semaphore(%arg22 : memref<!tpu.dma_semaphore, #tpu.memory_space<semaphore_mem>>) src(%arg11 : memref<80x80xf32, #tpu.memory_space<vmem>>) dst(%dma_wait3A_244 : memref<10112x80xf32, #tpu.memory_space<vmem_shared>>)
          %dma_start3A_245 = arith.constant 0 : i32
          %dma_start3A_246 = tpu.memref_slice %arg7[%add3A_187, %dma_start3A_245] : memref<50x80xi32, #tpu.memory_space<vmem>> -> memref<1x80xi32, #tpu.memory_space<vmem>>
          %dma_start3A_247 = tpu.memref_squeeze %dma_start3A_246 : memref<1x80xi32, #tpu.memory_space<vmem>> -> memref<80xi32, #tpu.memory_space<vmem>>
          %dma_start3A_248 = arith.constant 0 : i32
          %dma_start3A_249 = arith.constant 0 : i32
          %dma_start3A_250 = tpu.memref_slice %arg2[%dma_start3A_248, %dma_start3A_249] : memref<20000x80xf32, #tpu.memory_space<hbm>> -> memref<20000x80xf32, #tpu.memory_space<hbm>>
          tpu.enqueue_indirect_dma source(%dma_start3A_250 : memref<20000x80xf32, #tpu.memory_space<hbm>>) target(%arg11 : memref<80x80xf32, #tpu.memory_space<vmem>>) offsets(%dma_start3A_247 : memref<80xi32, #tpu.memory_space<vmem>>) semaphore(%arg17 : memref<!tpu.dma_semaphore, #tpu.memory_space<semaphore_mem>>)
        } else {
        }
        %dma_wait3A_196 = arith.constant 0 : i32
        %dma_wait3A_197 = arith.constant 0 : i32
        %dma_wait3A_198 = tpu.memref_slice %arg7[%dma_wait3A_196, %dma_wait3A_197] : memref<50x80xi32, #tpu.memory_space<vmem>> -> memref<1x80xi32, #tpu.memory_space<vmem>>
        %dma_wait3A_199 = tpu.memref_squeeze %dma_wait3A_198 : memref<1x80xi32, #tpu.memory_space<vmem>> -> memref<80xi32, #tpu.memory_space<vmem>>
        %dma_wait3A_200 = arith.constant 0 : i32
        %dma_wait3A_201 = arith.constant 0 : i32
        %dma_wait3A_202 = tpu.memref_slice %arg2[%dma_wait3A_200, %dma_wait3A_201] : memref<20000x80xf32, #tpu.memory_space<hbm>> -> memref<20000x80xf32, #tpu.memory_space<hbm>>
        tpu.wait_indirect_dma semaphore(%arg18 : memref<!tpu.dma_semaphore, #tpu.memory_space<semaphore_mem>>) src(%dma_wait3A_202 : memref<20000x80xf32, #tpu.memory_space<hbm>>) dst(%arg12 : memref<80x80xf32, #tpu.memory_space<vmem>>)
        %dma_start3A_203 = arith.constant 0 : i32
        %dma_start3A_204 = tpu.memref_slice %arg8[%add3A_183, %dma_start3A_203] : memref<50x80xi32, #tpu.memory_space<vmem>> -> memref<1x80xi32, #tpu.memory_space<vmem>>
        %dma_start3A_205 = tpu.memref_squeeze %dma_start3A_204 : memref<1x80xi32, #tpu.memory_space<vmem>> -> memref<80xi32, #tpu.memory_space<vmem>>
        %dma_start3A_206 = arith.constant 0 : i32
        %dma_start3A_207 = arith.constant 0 : i32
        %dma_start3A_208 = tpu.memref_slice %arg14[%dma_start3A_206, %dma_start3A_207] : memref<10112x80xf32, #tpu.memory_space<vmem_shared>> -> memref<10112x80xf32, #tpu.memory_space<vmem_shared>>
        tpu.enqueue_indirect_dma source(%arg12 : memref<80x80xf32, #tpu.memory_space<vmem>>) target(%dma_start3A_208 : memref<10112x80xf32, #tpu.memory_space<vmem_shared>>) offsets(%dma_start3A_205 : memref<80xi32, #tpu.memory_space<vmem>>) semaphore(%arg23 : memref<!tpu.dma_semaphore, #tpu.memory_space<semaphore_mem>>) {add = true}
        %mul3A_209 = arith.constant 5 : i32
        %mul3A_210 = arith.muli %mul3A_209, %scan3A_98 : i32
        %add3A_211 = arith.constant 4 : i32
        %add3A_212 = arith.addi %mul3A_210, %add3A_211 : i32
        %sub3A_213 = arith.constant 1 : i32
        %sub3A_214 = arith.subi %add3A_212, %sub3A_213 : i32
        %add3A_215 = arith.constant 5 : i32
        %add3A_216 = arith.addi %sub3A_214, %add3A_215 : i32
        %ge3A_217 = arith.constant 1 : i32
        %ge3A_218 = arith.cmpi sge, %add3A_212, %ge3A_217 : i32
        %lt3A_219 = arith.constant 50 : i32
        %lt3A_220 = arith.cmpi slt, %add3A_216, %lt3A_219 : i32
        %and3A_221 = arith.andi %ge3A_218, %lt3A_220 : i1
        %convert_element_type3A_222 = arith.extui %and3A_221 : i1 to i32
        %cond3A_223 = arith.constant 0 : i32
        %cond3A_224 = arith.cmpi ne, %convert_element_type3A_222, %cond3A_223 : i32
        scf.if %cond3A_224 {
          %dma_wait3A_238 = arith.constant 0 : i32
          %dma_wait3A_239 = arith.constant 0 : i32
          %dma_wait3A_240 = tpu.memref_slice %arg8[%dma_wait3A_238, %dma_wait3A_239] : memref<50x80xi32, #tpu.memory_space<vmem>> -> memref<1x80xi32, #tpu.memory_space<vmem>>
          %dma_wait3A_241 = tpu.memref_squeeze %dma_wait3A_240 : memref<1x80xi32, #tpu.memory_space<vmem>> -> memref<80xi32, #tpu.memory_space<vmem>>
          %dma_wait3A_242 = arith.constant 0 : i32
          %dma_wait3A_243 = arith.constant 0 : i32
          %dma_wait3A_244 = tpu.memref_slice %arg14[%dma_wait3A_242, %dma_wait3A_243] : memref<10112x80xf32, #tpu.memory_space<vmem_shared>> -> memref<10112x80xf32, #tpu.memory_space<vmem_shared>>
          tpu.wait_indirect_dma semaphore(%arg23 : memref<!tpu.dma_semaphore, #tpu.memory_space<semaphore_mem>>) src(%arg12 : memref<80x80xf32, #tpu.memory_space<vmem>>) dst(%dma_wait3A_244 : memref<10112x80xf32, #tpu.memory_space<vmem_shared>>)
          %dma_start3A_245 = arith.constant 0 : i32
          %dma_start3A_246 = tpu.memref_slice %arg7[%add3A_216, %dma_start3A_245] : memref<50x80xi32, #tpu.memory_space<vmem>> -> memref<1x80xi32, #tpu.memory_space<vmem>>
          %dma_start3A_247 = tpu.memref_squeeze %dma_start3A_246 : memref<1x80xi32, #tpu.memory_space<vmem>> -> memref<80xi32, #tpu.memory_space<vmem>>
          %dma_start3A_248 = arith.constant 0 : i32
          %dma_start3A_249 = arith.constant 0 : i32
          %dma_start3A_250 = tpu.memref_slice %arg2[%dma_start3A_248, %dma_start3A_249] : memref<20000x80xf32, #tpu.memory_space<hbm>> -> memref<20000x80xf32, #tpu.memory_space<hbm>>
          tpu.enqueue_indirect_dma source(%dma_start3A_250 : memref<20000x80xf32, #tpu.memory_space<hbm>>) target(%arg12 : memref<80x80xf32, #tpu.memory_space<vmem>>) offsets(%dma_start3A_247 : memref<80xi32, #tpu.memory_space<vmem>>) semaphore(%arg18 : memref<!tpu.dma_semaphore, #tpu.memory_space<semaphore_mem>>)
        } else {
        }
        %dma_wait3A_225 = arith.constant 0 : i32
        %dma_wait3A_226 = arith.constant 0 : i32
        %dma_wait3A_227 = tpu.memref_slice %arg7[%dma_wait3A_225, %dma_wait3A_226] : memref<50x80xi32, #tpu.memory_space<vmem>> -> memref<1x80xi32, #tpu.memory_space<vmem>>
        %dma_wait3A_228 = tpu.memref_squeeze %dma_wait3A_227 : memref<1x80xi32, #tpu.memory_space<vmem>> -> memref<80xi32, #tpu.memory_space<vmem>>
        %dma_wait3A_229 = arith.constant 0 : i32
        %dma_wait3A_230 = arith.constant 0 : i32
        %dma_wait3A_231 = tpu.memref_slice %arg2[%dma_wait3A_229, %dma_wait3A_230] : memref<20000x80xf32, #tpu.memory_space<hbm>> -> memref<20000x80xf32, #tpu.memory_space<hbm>>
        tpu.wait_indirect_dma semaphore(%arg19 : memref<!tpu.dma_semaphore, #tpu.memory_space<semaphore_mem>>) src(%dma_wait3A_231 : memref<20000x80xf32, #tpu.memory_space<hbm>>) dst(%arg13 : memref<80x80xf32, #tpu.memory_space<vmem>>)
        %dma_start3A_232 = arith.constant 0 : i32
        %dma_start3A_233 = tpu.memref_slice %arg8[%add3A_212, %dma_start3A_232] : memref<50x80xi32, #tpu.memory_space<vmem>> -> memref<1x80xi32, #tpu.memory_space<vmem>>
        %dma_start3A_234 = tpu.memref_squeeze %dma_start3A_233 : memref<1x80xi32, #tpu.memory_space<vmem>> -> memref<80xi32, #tpu.memory_space<vmem>>
        %dma_start3A_235 = arith.constant 0 : i32
        %dma_start3A_236 = arith.constant 0 : i32
        %dma_start3A_237 = tpu.memref_slice %arg14[%dma_start3A_235, %dma_start3A_236] : memref<10112x80xf32, #tpu.memory_space<vmem_shared>> -> memref<10112x80xf32, #tpu.memory_space<vmem_shared>>
        tpu.enqueue_indirect_dma source(%arg13 : memref<80x80xf32, #tpu.memory_space<vmem>>) target(%dma_start3A_237 : memref<10112x80xf32, #tpu.memory_space<vmem_shared>>) offsets(%dma_start3A_234 : memref<80xi32, #tpu.memory_space<vmem>>) semaphore(%arg24 : memref<!tpu.dma_semaphore, #tpu.memory_space<semaphore_mem>>) {add = true}
      }
      %scan3A_63 = arith.constant 10 : i32
      %dma_wait3A = arith.constant 0 : i32
      %dma_wait3A_64 = arith.constant 0 : i32
      %dma_wait3A_65 = tpu.memref_slice %arg8[%dma_wait3A, %dma_wait3A_64] : memref<50x80xi32, #tpu.memory_space<vmem>> -> memref<1x80xi32, #tpu.memory_space<vmem>>
      %dma_wait3A_66 = tpu.memref_squeeze %dma_wait3A_65 : memref<1x80xi32, #tpu.memory_space<vmem>> -> memref<80xi32, #tpu.memory_space<vmem>>
      %dma_wait3A_67 = arith.constant 0 : i32
      %dma_wait3A_68 = arith.constant 0 : i32
      %dma_wait3A_69 = tpu.memref_slice %arg14[%dma_wait3A_67, %dma_wait3A_68] : memref<10112x80xf32, #tpu.memory_space<vmem_shared>> -> memref<10112x80xf32, #tpu.memory_space<vmem_shared>>
      tpu.wait_indirect_dma semaphore(%arg20 : memref<!tpu.dma_semaphore, #tpu.memory_space<semaphore_mem>>) src(%arg9 : memref<80x80xf32, #tpu.memory_space<vmem>>) dst(%dma_wait3A_69 : memref<10112x80xf32, #tpu.memory_space<vmem_shared>>)
      %dma_wait3A_70 = arith.constant 0 : i32
      %dma_wait3A_71 = arith.constant 0 : i32
      %dma_wait3A_72 = tpu.memref_slice %arg8[%dma_wait3A_70, %dma_wait3A_71] : memref<50x80xi32, #tpu.memory_space<vmem>> -> memref<1x80xi32, #tpu.memory_space<vmem>>
      %dma_wait3A_73 = tpu.memref_squeeze %dma_wait3A_72 : memref<1x80xi32, #tpu.memory_space<vmem>> -> memref<80xi32, #tpu.memory_space<vmem>>
      %dma_wait3A_74 = arith.constant 0 : i32
      %dma_wait3A_75 = arith.constant 0 : i32
      %dma_wait3A_76 = tpu.memref_slice %arg14[%dma_wait3A_74, %dma_wait3A_75] : memref<10112x80xf32, #tpu.memory_space<vmem_shared>> -> memref<10112x80xf32, #tpu.memory_space<vmem_shared>>
      tpu.wait_indirect_dma semaphore(%arg21 : memref<!tpu.dma_semaphore, #tpu.memory_space<semaphore_mem>>) src(%arg10 : memref<80x80xf32, #tpu.memory_space<vmem>>) dst(%dma_wait3A_76 : memref<10112x80xf32, #tpu.memory_space<vmem_shared>>)
      %dma_wait3A_77 = arith.constant 0 : i32
      %dma_wait3A_78 = arith.constant 0 : i32
      %dma_wait3A_79 = tpu.memref_slice %arg8[%dma_wait3A_77, %dma_wait3A_78] : memref<50x80xi32, #tpu.memory_space<vmem>> -> memref<1x80xi32, #tpu.memory_space<vmem>>
      %dma_wait3A_80 = tpu.memref_squeeze %dma_wait3A_79 : memref<1x80xi32, #tpu.memory_space<vmem>> -> memref<80xi32, #tpu.memory_space<vmem>>
      %dma_wait3A_81 = arith.constant 0 : i32
      %dma_wait3A_82 = arith.constant 0 : i32
      %dma_wait3A_83 = tpu.memref_slice %arg14[%dma_wait3A_81, %dma_wait3A_82] : memref<10112x80xf32, #tpu.memory_space<vmem_shared>> -> memref<10112x80xf32, #tpu.memory_space<vmem_shared>>
      tpu.wait_indirect_dma semaphore(%arg22 : memref<!tpu.dma_semaphore, #tpu.memory_space<semaphore_mem>>) src(%arg11 : memref<80x80xf32, #tpu.memory_space<vmem>>) dst(%dma_wait3A_83 : memref<10112x80xf32, #tpu.memory_space<vmem_shared>>)
      %dma_wait3A_84 = arith.constant 0 : i32
      %dma_wait3A_85 = arith.constant 0 : i32
      %dma_wait3A_86 = tpu.memref_slice %arg8[%dma_wait3A_84, %dma_wait3A_85] : memref<50x80xi32, #tpu.memory_space<vmem>> -> memref<1x80xi32, #tpu.memory_space<vmem>>
      %dma_wait3A_87 = tpu.memref_squeeze %dma_wait3A_86 : memref<1x80xi32, #tpu.memory_space<vmem>> -> memref<80xi32, #tpu.memory_space<vmem>>
      %dma_wait3A_88 = arith.constant 0 : i32
      %dma_wait3A_89 = arith.constant 0 : i32
      %dma_wait3A_90 = tpu.memref_slice %arg14[%dma_wait3A_88, %dma_wait3A_89] : memref<10112x80xf32, #tpu.memory_space<vmem_shared>> -> memref<10112x80xf32, #tpu.memory_space<vmem_shared>>
      tpu.wait_indirect_dma semaphore(%arg23 : memref<!tpu.dma_semaphore, #tpu.memory_space<semaphore_mem>>) src(%arg12 : memref<80x80xf32, #tpu.memory_space<vmem>>) dst(%dma_wait3A_90 : memref<10112x80xf32, #tpu.memory_space<vmem_shared>>)
      %dma_wait3A_91 = arith.constant 0 : i32
      %dma_wait3A_92 = arith.constant 0 : i32
      %dma_wait3A_93 = tpu.memref_slice %arg8[%dma_wait3A_91, %dma_wait3A_92] : memref<50x80xi32, #tpu.memory_space<vmem>> -> memref<1x80xi32, #tpu.memory_space<vmem>>
      %dma_wait3A_94 = tpu.memref_squeeze %dma_wait3A_93 : memref<1x80xi32, #tpu.memory_space<vmem>> -> memref<80xi32, #tpu.memory_space<vmem>>
      %dma_wait3A_95 = arith.constant 0 : i32
      %dma_wait3A_96 = arith.constant 0 : i32
      %dma_wait3A_97 = tpu.memref_slice %arg14[%dma_wait3A_95, %dma_wait3A_96] : memref<10112x80xf32, #tpu.memory_space<vmem_shared>> -> memref<10112x80xf32, #tpu.memory_space<vmem_shared>>
      tpu.wait_indirect_dma semaphore(%arg24 : memref<!tpu.dma_semaphore, #tpu.memory_space<semaphore_mem>>) src(%arg13 : memref<80x80xf32, #tpu.memory_space<vmem>>) dst(%dma_wait3A_97 : memref<10112x80xf32, #tpu.memory_space<vmem_shared>>)
    }
    %scan3A_5 = arith.constant 5 : i32
    %barrier3A_6 = arith.constant 0 : index
    tpu.barrier barrier_id(%barrier3A_6)
    %mul3A_7 = arith.constant 632 : i32
    %mul3A_8 = arith.muli %arg1, %mul3A_7 : i32
    %mul3A_9 = arith.constant 632 : i32
    %mul3A_10 = arith.muli %arg1, %mul3A_9 : i32
    "tpu.region"() ({
      %run_scoped3A = tpu.sem_alloc : memref<!tpu.dma_semaphore, #tpu.memory_space<semaphore_mem>>
      %dma_start3A = arith.constant 0 : i32
      %dma_start3A_11 = tpu.memref_slice %arg6[%arg0, %mul3A_10, %dma_start3A] : memref<2x10112x128xf32, #tpu.memory_space<hbm>> -> memref<1x632x80xf32, #tpu.memory_space<hbm>>
      %dma_start3A_12 = tpu.memref_squeeze %dma_start3A_11 : memref<1x632x80xf32, #tpu.memory_space<hbm>> -> memref<632x80xf32, #tpu.memory_space<hbm>>
      %dma_start3A_13 = arith.constant 0 : i32
      %dma_start3A_14 = tpu.memref_slice %arg14[%mul3A_8, %dma_start3A_13] : memref<10112x80xf32, #tpu.memory_space<vmem_shared>> -> memref<632x80xf32, #tpu.memory_space<vmem_shared>>
      tpu.enqueue_dma source(%dma_start3A_14 : memref<632x80xf32, #tpu.memory_space<vmem_shared>>) target(%dma_start3A_12 : memref<632x80xf32, #tpu.memory_space<hbm>>) target_semaphore(%run_scoped3A : memref<!tpu.dma_semaphore, #tpu.memory_space<semaphore_mem>>)
      %dma_wait3A = arith.constant 0 : i32
      %dma_wait3A_15 = tpu.memref_slice %arg6[%arg0, %mul3A_10, %dma_wait3A] : memref<2x10112x128xf32, #tpu.memory_space<hbm>> -> memref<1x632x80xf32, #tpu.memory_space<hbm>>
      %dma_wait3A_16 = tpu.memref_squeeze %dma_wait3A_15 : memref<1x632x80xf32, #tpu.memory_space<hbm>> -> memref<632x80xf32, #tpu.memory_space<hbm>>
      %dma_wait3A_17 = arith.constant 0 : i32
      %dma_wait3A_18 = tpu.memref_slice %arg14[%mul3A_8, %dma_wait3A_17] : memref<10112x80xf32, #tpu.memory_space<vmem_shared>> -> memref<632x80xf32, #tpu.memory_space<vmem_shared>>
      tpu.wait_dma2 semaphore(%run_scoped3A : memref<!tpu.dma_semaphore, #tpu.memory_space<semaphore_mem>>) src(%dma_wait3A_18 : memref<632x80xf32, #tpu.memory_space<vmem_shared>>) dst(%dma_wait3A_16 : memref<632x80xf32, #tpu.memory_space<hbm>>)
      tpu.yield
    }) : () -> ()
    return
  }
}

module attributes {stable_mosaic.version = 14 : i64} {
  func.func @body(%arg0: memref<2500x128xi32, #tpu.memory_space<vmem>>, %arg1: memref<2500x128xi32, #tpu.memory_space<vmem>>, %arg2: memref<2x2500x128xi32, #tpu.memory_space<vmem>>, %arg3: memref<2x2500x128xi32, #tpu.memory_space<vmem>>) attributes {dimension_semantics = [], scalar_prefetch = 0 : i64, scratch_operands = 0 : i64, tpu.core_type = #tpu.core_type<tc>} {
    %get3A = arith.constant 0 : index
    %get3A_0 = arith.constant 0 : index
    %get3A_1 = vector.load %arg0[%get3A, %get3A_0] : memref<2500x128xi32, #tpu.memory_space<vmem>>, vector<2500x128xi32>
    %get3A_2 = arith.constant 0 : index
    %get3A_3 = arith.constant 0 : index
    %get3A_4 = vector.load %arg1[%get3A_2, %get3A_3] : memref<2500x128xi32, #tpu.memory_space<vmem>>, vector<2500x128xi32>
    %swap3A = arith.constant 0 : index
    %swap3A_5 = arith.constant 0 : index
    %swap3A_6 = arith.constant 0 : index
    %swap3A_7 = vector.load %arg2[%swap3A, %swap3A_5, %swap3A_6] : memref<2x2500x128xi32, #tpu.memory_space<vmem>>, vector<1x2500x128xi32>
    %swap3A_8 = vector.shape_cast %swap3A_7 : vector<1x2500x128xi32> to vector<2500x128xi32>
    %swap3A_9 = vector.shape_cast %get3A_1 : vector<2500x128xi32> to vector<1x2500x128xi32>
    tpu.vector_store %arg2[%swap3A, %swap3A_5, %swap3A_6], %swap3A_9 {strides = array<i32>} : memref<2x2500x128xi32, #tpu.memory_space<vmem>>, vector<1x2500x128xi32>,
    %add3A = arith.constant 10000 : i32
    %add3A_10 = vector.broadcast %add3A : i32 to vector<2500x128xi32>
    %add3A_11 = arith.addi %get3A_1, %add3A_10 : vector<2500x128xi32>
    %swap3A_12 = arith.constant 1 : index
    %swap3A_13 = arith.constant 0 : index
    %swap3A_14 = arith.constant 0 : index
    %swap3A_15 = vector.load %arg2[%swap3A_12, %swap3A_13, %swap3A_14] : memref<2x2500x128xi32, #tpu.memory_space<vmem>>, vector<1x2500x128xi32>
    %swap3A_16 = vector.shape_cast %swap3A_15 : vector<1x2500x128xi32> to vector<2500x128xi32>
    %swap3A_17 = vector.shape_cast %add3A_11 : vector<2500x128xi32> to vector<1x2500x128xi32>
    tpu.vector_store %arg2[%swap3A_12, %swap3A_13, %swap3A_14], %swap3A_17 {strides = array<i32>} : memref<2x2500x128xi32, #tpu.memory_space<vmem>>, vector<1x2500x128xi32>,
    %swap3A_18 = arith.constant 0 : index
    %swap3A_19 = arith.constant 0 : index
    %swap3A_20 = arith.constant 0 : index
    %swap3A_21 = vector.load %arg3[%swap3A_18, %swap3A_19, %swap3A_20] : memref<2x2500x128xi32, #tpu.memory_space<vmem>>, vector<1x2500x128xi32>
    %swap3A_22 = vector.shape_cast %swap3A_21 : vector<1x2500x128xi32> to vector<2500x128xi32>
    %swap3A_23 = vector.shape_cast %get3A_4 : vector<2500x128xi32> to vector<1x2500x128xi32>
    tpu.vector_store %arg3[%swap3A_18, %swap3A_19, %swap3A_20], %swap3A_23 {strides = array<i32>} : memref<2x2500x128xi32, #tpu.memory_space<vmem>>, vector<1x2500x128xi32>,
    %add3A_24 = arith.constant 10000 : i32
    %add3A_25 = vector.broadcast %add3A_24 : i32 to vector<2500x128xi32>
    %add3A_26 = arith.addi %get3A_4, %add3A_25 : vector<2500x128xi32>
    %swap3A_27 = arith.constant 1 : index
    %swap3A_28 = arith.constant 0 : index
    %swap3A_29 = arith.constant 0 : index
    %swap3A_30 = vector.load %arg3[%swap3A_27, %swap3A_28, %swap3A_29] : memref<2x2500x128xi32, #tpu.memory_space<vmem>>, vector<1x2500x128xi32>
    %swap3A_31 = vector.shape_cast %swap3A_30 : vector<1x2500x128xi32> to vector<2500x128xi32>
    %swap3A_32 = vector.shape_cast %add3A_26 : vector<2500x128xi32> to vector<1x2500x128xi32>
    tpu.vector_store %arg3[%swap3A_27, %swap3A_28, %swap3A_29], %swap3A_32 {strides = array<i32>} : memref<2x2500x128xi32, #tpu.memory_space<vmem>>, vector<1x2500x128xi32>,
    return
  }
}

module attributes {stable_mosaic.version = 14 : i64} {
  func.func @body(%arg0: i32, %arg1: memref<2000x128xf32, #tpu.memory_space<vmem>>, %arg2: memref<2000x1xi32, #tpu.memory_space<vmem>>, %arg3: memref<2000x128xf32, #tpu.memory_space<vmem>>, %arg4: memref<2x2000x80xf32, #tpu.memory_space<vmem>>) attributes {dimension_semantics = [#tpu.dimension_semantics<arbitrary>], iteration_bounds = array<i64: 5>, scalar_prefetch = 0 : i64, scratch_operands = 0 : i64, tpu.core_type = #tpu.core_type<tc>, window_params = [{transform_indices = @transform_0, window_bounds = array<i64: 2000, 128>}, {transform_indices = @transform_1, window_bounds = array<i64: 2000, 1>}, {transform_indices = @transform_2, window_bounds = array<i64: 2000, 128>}, {transform_indices = @transform_3, window_bounds = array<i64: 2, 2000, 80>}]} {
    %get3A = arith.constant 0 : index
    %get3A_0 = arith.constant 0 : index
    %get3A_1 = vector.load %arg3[%get3A, %get3A_0] : memref<2000x128xf32, #tpu.memory_space<vmem>>, vector<2000x1xf32>
    %get3A_2 = arith.constant 0 : index
    %get3A_3 = arith.constant 8 : index
    %get3A_4 = vector.load %arg3[%get3A_2, %get3A_3] : memref<2000x128xf32, #tpu.memory_space<vmem>>, vector<2000x1xf32>
    %add3A = arith.addf %get3A_1, %get3A_4 : vector<2000x1xf32>
    %add3A_5 = arith.constant 1.000000e+00 : f32
    %add3A_6 = vector.broadcast %add3A_5 : f32 to vector<2000x1xf32>
    %add3A_7 = arith.addf %add3A, %add3A_6 : vector<2000x1xf32>
    %rsqrt3A = math.rsqrt %add3A_7 : vector<2000x1xf32>
    %get3A_8 = arith.constant 0 : index
    %get3A_9 = arith.constant 0 : index
    %get3A_10 = vector.load %arg2[%get3A_8, %get3A_9] : memref<2000x1xi32, #tpu.memory_space<vmem>>, vector<2000x1xi32>
    %iota3A = tpu.iota {dimensions = array<i32: 1>} : vector<2000x16xi32>
    %eq3A = vector.broadcast %get3A_10 : vector<2000x1xi32> to vector<2000x16xi32>
    %eq3A_11 = arith.cmpi eq, %eq3A, %iota3A : vector<2000x16xi32>
    %convert_element_type3A = arith.extui %eq3A_11 : vector<2000x16xi1> to vector<2000x16xi32>
    %convert_element_type3A_12 = arith.sitofp %convert_element_type3A : vector<2000x16xi32> to vector<2000x16xf32>
    %mul3A = vector.broadcast %rsqrt3A : vector<2000x1xf32> to vector<2000x16xf32>
    %mul3A_13 = arith.mulf %convert_element_type3A_12, %mul3A : vector<2000x16xf32>
    %get3A_14 = arith.constant 0 : index
    %get3A_15 = arith.constant 0 : index
    %get3A_16 = vector.load %arg1[%get3A_14, %get3A_15] : memref<2000x128xf32, #tpu.memory_space<vmem>>, vector<2000x128xf32>
    %mul3A_17 = vector.broadcast %rsqrt3A : vector<2000x1xf32> to vector<2000x128xf32>
    %mul3A_18 = arith.mulf %get3A_16, %mul3A_17 : vector<2000x128xf32>
    %broadcast_in_dim3A = arith.constant 0.000000e+00 : f32
    %broadcast_in_dim3A_19 = vector.broadcast %broadcast_in_dim3A : f32 to vector<2000x16xf32>
    %concatenate3A = tpu.concatenate %mul3A_18, %mul3A_13, %broadcast_in_dim3A_19 in 1 : vector<2000x128xf32>, vector<2000x16xf32>, vector<2000x16xf32> -> vector<2000x160xf32>
    %slice3A = vector.extract_strided_slice %concatenate3A {offsets = [0, 0], sizes = [2000, 80], strides = [1, 1]} : vector<2000x160xf32> to vector<2000x80xf32>
    %swap3A = arith.constant 0 : index
    %swap3A_20 = arith.constant 0 : index
    %swap3A_21 = arith.constant 0 : index
    %swap3A_22 = vector.load %arg4[%swap3A, %swap3A_20, %swap3A_21] : memref<2x2000x80xf32, #tpu.memory_space<vmem>>, vector<1x2000x80xf32>
    %swap3A_23 = vector.shape_cast %swap3A_22 : vector<1x2000x80xf32> to vector<2000x80xf32>
    %swap3A_24 = vector.shape_cast %slice3A : vector<2000x80xf32> to vector<1x2000x80xf32>
    tpu.vector_store %arg4[%swap3A, %swap3A_20, %swap3A_21], %swap3A_24 {strides = array<i32>} : memref<2x2000x80xf32, #tpu.memory_space<vmem>>, vector<1x2000x80xf32>,
    %slice3A_25 = vector.extract_strided_slice %concatenate3A {offsets = [0, 80], sizes = [2000, 80], strides = [1, 1]} : vector<2000x160xf32> to vector<2000x80xf32>
    %swap3A_26 = arith.constant 1 : index
    %swap3A_27 = arith.constant 0 : index
    %swap3A_28 = arith.constant 0 : index
    %swap3A_29 = vector.load %arg4[%swap3A_26, %swap3A_27, %swap3A_28] : memref<2x2000x80xf32, #tpu.memory_space<vmem>>, vector<1x2000x80xf32>
    %swap3A_30 = vector.shape_cast %swap3A_29 : vector<1x2000x80xf32> to vector<2000x80xf32>
    %swap3A_31 = vector.shape_cast %slice3A_25 : vector<2000x80xf32> to vector<1x2000x80xf32>
    tpu.vector_store %arg4[%swap3A_26, %swap3A_27, %swap3A_28], %swap3A_31 {strides = array<i32>} : memref<2x2000x80xf32, #tpu.memory_space<vmem>>, vector<1x2000x80xf32>,
    return
  }
  func.func @transform_0(%arg0: i32) -> (i32, i32) {
    %c0_i32 = arith.constant 0 : i32
    %c0_i32_0 = arith.constant 0 : i32
    return %arg0, %c0_i32 : i32, i32
  }
  func.func @transform_1(%arg0: i32) -> (i32, i32) {
    %c0_i32 = arith.constant 0 : i32
    %c0_i32_0 = arith.constant 0 : i32
    return %arg0, %c0_i32 : i32, i32
  }
  func.func @transform_2(%arg0: i32) -> (i32, i32) {
    %c0_i32 = arith.constant 0 : i32
    %c0_i32_0 = arith.constant 0 : i32
    return %arg0, %c0_i32 : i32, i32
  }
  func.func @transform_3(%arg0: i32) -> (i32, i32, i32) {
    %c0_i32 = arith.constant 0 : i32
    %c0_i32_0 = arith.constant 0 : i32
    %c0_i32_1 = arith.constant 0 : i32
    return %c0_i32, %arg0, %c0_i32_0 : i32, i32, i32
  }
}

module attributes {stable_mosaic.version = 14 : i64} {
  func.func @body(%arg0: i32, %arg1: memref<2000x128xf32, #tpu.memory_space<vmem>>, %arg2: memref<2000x1xi32, #tpu.memory_space<vmem>>, %arg3: memref<16x128xf32, #tpu.memory_space<vmem>>, %arg4: memref<16x128xf32, #tpu.memory_space<vmem>>) attributes {dimension_semantics = [#tpu.dimension_semantics<arbitrary>], iteration_bounds = array<i64: 5>, scalar_prefetch = 0 : i64, scratch_operands = 0 : i64, tpu.core_type = #tpu.core_type<tc>, window_params = [{transform_indices = @transform_0, window_bounds = array<i64: 2000, 128>}, {transform_indices = @transform_1, window_bounds = array<i64: 2000, 1>}, {pipeline_mode = #tpu.pipeline_mode<synchronous>, transform_indices = @transform_2, window_bounds = array<i64: 16, 128>}, {pipeline_mode = #tpu.pipeline_mode<synchronous>, transform_indices = @transform_3, window_bounds = array<i64: 16, 128>}]} {
    %get3A = arith.constant 0 : index
    %get3A_0 = arith.constant 0 : index
    %get3A_1 = vector.load %arg2[%get3A, %get3A_0] : memref<2000x1xi32, #tpu.memory_space<vmem>>, vector<2000x1xi32>
    %iota3A = tpu.iota {dimensions = array<i32: 1>} : vector<2000x16xi32>
    %eq3A = vector.broadcast %get3A_1 : vector<2000x1xi32> to vector<2000x16xi32>
    %eq3A_2 = arith.cmpi eq, %eq3A, %iota3A : vector<2000x16xi32>
    %convert_element_type3A = arith.extui %eq3A_2 : vector<2000x16xi1> to vector<2000x16xi32>
    %convert_element_type3A_3 = arith.sitofp %convert_element_type3A : vector<2000x16xi32> to vector<2000x16xf32>
    %get3A_4 = arith.constant 0 : index
    %get3A_5 = arith.constant 0 : index
    %get3A_6 = vector.load %arg1[%get3A_4, %get3A_5] : memref<2000x128xf32, #tpu.memory_space<vmem>>, vector<2000x128xf32>
    %dot_general3A = arith.constant dense<0.000000e+00> : vector<16x128xf32>
    %dot_general3A_7 = tpu.matmul %convert_element_type3A_3, %get3A_6, %dot_general3A {dimension_numbers = #tpu.dot_dimension_numbers<[0], [0], [1], [1], [0, 1, 1, 1], [], []>, transpose_lhs_hint = false} : vector<2000x16xf32>, vector<2000x128xf32>, vector<16x128xf32> -> vector<16x128xf32>
    %broadcast_in_dim3A = arith.constant 1.000000e+00 : f32
    %broadcast_in_dim3A_8 = vector.broadcast %broadcast_in_dim3A : f32 to vector<2000x128xf32>
    %dot_general3A_9 = arith.constant dense<0.000000e+00> : vector<16x128xf32>
    %dot_general3A_10 = tpu.matmul %convert_element_type3A_3, %broadcast_in_dim3A_8, %dot_general3A_9 {dimension_numbers = #tpu.dot_dimension_numbers<[0], [0], [1], [1], [0, 1, 1, 1], [], []>, transpose_lhs_hint = false} : vector<2000x16xf32>, vector<2000x128xf32>, vector<16x128xf32> -> vector<16x128xf32>
    %eq3A_11 = arith.constant 0 : i32
    %eq3A_12 = arith.cmpi eq, %arg0, %eq3A_11 : i32
    %convert_element_type3A_13 = arith.extui %eq3A_12 : i1 to i32
    %cond3A = arith.constant 0 : i32
    %cond3A_14 = arith.cmpi ne, %convert_element_type3A_13, %cond3A : i32
    scf.if %cond3A_14 {
      %broadcast_in_dim3A_27 = arith.constant 0.000000e+00 : f32
      %broadcast_in_dim3A_28 = vector.broadcast %broadcast_in_dim3A_27 : f32 to vector<16x128xf32>
      %swap3A_29 = arith.constant 0 : index
      %swap3A_30 = arith.constant 0 : index
      %swap3A_31 = vector.load %arg3[%swap3A_29, %swap3A_30] : memref<16x128xf32, #tpu.memory_space<vmem>>, vector<16x128xf32>
      tpu.vector_store %arg3[%swap3A_29, %swap3A_30], %broadcast_in_dim3A_28 {strides = array<i32>} : memref<16x128xf32, #tpu.memory_space<vmem>>, vector<16x128xf32>,
      %broadcast_in_dim3A_32 = arith.constant 0.000000e+00 : f32
      %broadcast_in_dim3A_33 = vector.broadcast %broadcast_in_dim3A_32 : f32 to vector<16x128xf32>
      %swap3A_34 = arith.constant 0 : index
      %swap3A_35 = arith.constant 0 : index
      %swap3A_36 = vector.load %arg4[%swap3A_34, %swap3A_35] : memref<16x128xf32, #tpu.memory_space<vmem>>, vector<16x128xf32>
      tpu.vector_store %arg4[%swap3A_34, %swap3A_35], %broadcast_in_dim3A_33 {strides = array<i32>} : memref<16x128xf32, #tpu.memory_space<vmem>>, vector<16x128xf32>,
    } else {
    }
    %get3A_15 = arith.constant 0 : index
    %get3A_16 = arith.constant 0 : index
    %get3A_17 = vector.load %arg3[%get3A_15, %get3A_16] : memref<16x128xf32, #tpu.memory_space<vmem>>, vector<16x128xf32>
    %add3A = arith.addf %get3A_17, %dot_general3A_7 : vector<16x128xf32>
    %swap3A = arith.constant 0 : index
    %swap3A_18 = arith.constant 0 : index
    %swap3A_19 = vector.load %arg3[%swap3A, %swap3A_18] : memref<16x128xf32, #tpu.memory_space<vmem>>, vector<16x128xf32>
    tpu.vector_store %arg3[%swap3A, %swap3A_18], %add3A {strides = array<i32>} : memref<16x128xf32, #tpu.memory_space<vmem>>, vector<16x128xf32>,
    %get3A_20 = arith.constant 0 : index
    %get3A_21 = arith.constant 0 : index
    %get3A_22 = vector.load %arg4[%get3A_20, %get3A_21] : memref<16x128xf32, #tpu.memory_space<vmem>>, vector<16x128xf32>
    %add3A_23 = arith.addf %get3A_22, %dot_general3A_10 : vector<16x128xf32>
    %swap3A_24 = arith.constant 0 : index
    %swap3A_25 = arith.constant 0 : index
    %swap3A_26 = vector.load %arg4[%swap3A_24, %swap3A_25] : memref<16x128xf32, #tpu.memory_space<vmem>>, vector<16x128xf32>
    tpu.vector_store %arg4[%swap3A_24, %swap3A_25], %add3A_23 {strides = array<i32>} : memref<16x128xf32, #tpu.memory_space<vmem>>, vector<16x128xf32>,
    return
  }
  func.func @transform_0(%arg0: i32) -> (i32, i32) {
    %c0_i32 = arith.constant 0 : i32
    %c0_i32_0 = arith.constant 0 : i32
    return %arg0, %c0_i32 : i32, i32
  }
  func.func @transform_1(%arg0: i32) -> (i32, i32) {
    %c0_i32 = arith.constant 0 : i32
    %c0_i32_0 = arith.constant 0 : i32
    return %arg0, %c0_i32 : i32, i32
  }
  func.func @transform_2(%arg0: i32) -> (i32, i32) {
    %c0_i32 = arith.constant 0 : i32
    %c0_i32_0 = arith.constant 0 : i32
    %c0_i32_1 = arith.constant 0 : i32
    return %c0_i32, %c0_i32_0 : i32, i32
  }
  func.func @transform_3(%arg0: i32) -> (i32, i32) {
    %c0_i32 = arith.constant 0 : i32
    %c0_i32_0 = arith.constant 0 : i32
    %c0_i32_1 = arith.constant 0 : i32
    return %c0_i32, %c0_i32_0 : i32, i32
  }
}

module attributes {stable_mosaic.version = 14 : i64} {
  func.func @body(%arg0: i32, %arg1: memref<2x2000x128xf32, #tpu.memory_space<vmem>>, %arg2: memref<2x2000x80xf32, #tpu.memory_space<vmem>>, %arg3: memref<2000x128xf32, #tpu.memory_space<vmem>>, %arg4: memref<16x128xf32, #tpu.memory_space<vmem>>, %arg5: memref<16x128xf32, #tpu.memory_space<vmem>>, %arg6: memref<128x256xf32, #tpu.memory_space<vmem>>, %arg7: memref<128x256xf32, #tpu.memory_space<vmem>>, %arg8: memref<1x256xf32, #tpu.memory_space<vmem>>, %arg9: memref<2000x1xi32, #tpu.memory_space<vmem>>, %arg10: memref<2000x256xf32, #tpu.memory_space<vmem>>, %arg11: memref<16x256xf32, #tpu.memory_space<vmem>>) attributes {dimension_semantics = [#tpu.dimension_semantics<arbitrary>], iteration_bounds = array<i64: 5>, scalar_prefetch = 0 : i64, scratch_operands = 0 : i64, tpu.core_type = #tpu.core_type<tc>, window_params = [{transform_indices = @transform_0, window_bounds = array<i64: 2, 2000, 128>}, {transform_indices = @transform_1, window_bounds = array<i64: 2, 2000, 80>}, {transform_indices = @transform_2, window_bounds = array<i64: 2000, 128>}, {pipeline_mode = #tpu.pipeline_mode<synchronous>, transform_indices = @transform_3, window_bounds = array<i64: 16, 128>}, {pipeline_mode = #tpu.pipeline_mode<synchronous>, transform_indices = @transform_4, window_bounds = array<i64: 16, 128>}, {pipeline_mode = #tpu.pipeline_mode<synchronous>, transform_indices = @transform_5, window_bounds = array<i64: 128, 256>}, {pipeline_mode = #tpu.pipeline_mode<synchronous>, transform_indices = @transform_6, window_bounds = array<i64: 128, 256>}, {pipeline_mode = #tpu.pipeline_mode<synchronous>, transform_indices = @transform_7, window_bounds = array<i64: 1, 256>}, {transform_indices = @transform_8, window_bounds = array<i64: 2000, 1>}, {transform_indices = @transform_9, window_bounds = array<i64: 2000, 256>}, {pipeline_mode = #tpu.pipeline_mode<synchronous>, transform_indices = @transform_10, window_bounds = array<i64: 16, 256>}]} {
    %get3A = arith.constant 0 : index
    %get3A_0 = arith.constant 0 : index
    %get3A_1 = vector.load %arg3[%get3A, %get3A_0] : memref<2000x128xf32, #tpu.memory_space<vmem>>, vector<2000x1xf32>
    %get3A_2 = arith.constant 0 : index
    %get3A_3 = arith.constant 8 : index
    %get3A_4 = vector.load %arg3[%get3A_2, %get3A_3] : memref<2000x128xf32, #tpu.memory_space<vmem>>, vector<2000x1xf32>
    %add3A = arith.addf %get3A_1, %get3A_4 : vector<2000x1xf32>
    %add3A_5 = arith.constant 1.000000e+00 : f32
    %add3A_6 = vector.broadcast %add3A_5 : f32 to vector<2000x1xf32>
    %add3A_7 = arith.addf %add3A, %add3A_6 : vector<2000x1xf32>
    %rsqrt3A = math.rsqrt %add3A_7 : vector<2000x1xf32>
    %get3A_8 = arith.constant 0 : index
    %get3A_9 = arith.constant 0 : index
    %get3A_10 = vector.load %arg4[%get3A_8, %get3A_9] : memref<16x128xf32, #tpu.memory_space<vmem>>, vector<16x128xf32>
    %get3A_11 = arith.constant 0 : index
    %get3A_12 = arith.constant 0 : index
    %get3A_13 = vector.load %arg5[%get3A_11, %get3A_12] : memref<16x128xf32, #tpu.memory_space<vmem>>, vector<16x1xf32>
    %max3A = arith.constant 1.000000e+00 : f32
    %max3A_14 = vector.broadcast %max3A : f32 to vector<16x1xf32>
    %max3A_15 = arith.maximumf %get3A_13, %max3A_14 : vector<16x1xf32>
    %div3A = vector.broadcast %max3A_15 : vector<16x1xf32> to vector<16x128xf32>
    %div3A_16 = arith.divf %get3A_10, %div3A : vector<16x128xf32>
    %get3A_17 = arith.constant 0 : index
    %get3A_18 = arith.constant 0 : index
    %get3A_19 = vector.load %arg7[%get3A_17, %get3A_18] : memref<128x256xf32, #tpu.memory_space<vmem>>, vector<128x256xf32>
    %dot_general3A = arith.constant dense<0.000000e+00> : vector<16x256xf32>
    %dot_general3A_20 = tpu.matmul %div3A_16, %get3A_19, %dot_general3A {dimension_numbers = #tpu.dot_dimension_numbers<[1], [0], [0], [1], [0, 0, 1, 1], [], []>, transpose_lhs_hint = false} : vector<16x128xf32>, vector<128x256xf32>, vector<16x256xf32> -> vector<16x256xf32>
    %get3A_21 = arith.constant 0 : index
    %get3A_22 = arith.constant 0 : index
    %get3A_23 = vector.load %arg6[%get3A_21, %get3A_22] : memref<128x256xf32, #tpu.memory_space<vmem>>, vector<128x256xf32>
    %broadcast_in_dim3A = arith.constant 0.000000e+00 : f32
    %broadcast_in_dim3A_24 = vector.broadcast %broadcast_in_dim3A : f32 to vector<16x256xf32>
    %concatenate3A = tpu.concatenate %get3A_23, %dot_general3A_20, %broadcast_in_dim3A_24 in 0 : vector<128x256xf32>, vector<16x256xf32>, vector<16x256xf32> -> vector<160x256xf32>
    %get3A_25 = arith.constant 0 : index
    %get3A_26 = arith.constant 0 : index
    %get3A_27 = arith.constant 0 : index
    %get3A_28 = vector.load %arg1[%get3A_25, %get3A_26, %get3A_27] : memref<2x2000x128xf32, #tpu.memory_space<vmem>>, vector<1x2000x128xf32>
    %get3A_29 = vector.shape_cast %get3A_28 : vector<1x2000x128xf32> to vector<2000x128xf32>
    %slice3A = vector.extract_strided_slice %get3A_29 {offsets = [0, 0], sizes = [2000, 80], strides = [1, 1]} : vector<2000x128xf32> to vector<2000x80xf32>
    %get3A_30 = arith.constant 1 : index
    %get3A_31 = arith.constant 0 : index
    %get3A_32 = arith.constant 0 : index
    %get3A_33 = vector.load %arg1[%get3A_30, %get3A_31, %get3A_32] : memref<2x2000x128xf32, #tpu.memory_space<vmem>>, vector<1x2000x128xf32>
    %get3A_34 = vector.shape_cast %get3A_33 : vector<1x2000x128xf32> to vector<2000x128xf32>
    %slice3A_35 = vector.extract_strided_slice %get3A_34 {offsets = [0, 0], sizes = [2000, 80], strides = [1, 1]} : vector<2000x128xf32> to vector<2000x80xf32>
    %concatenate3A_36 = tpu.concatenate %slice3A, %slice3A_35 in 1 : vector<2000x80xf32>, vector<2000x80xf32> -> vector<2000x160xf32>
    %get3A_37 = arith.constant 0 : index
    %get3A_38 = arith.constant 0 : index
    %get3A_39 = arith.constant 0 : index
    %get3A_40 = vector.load %arg2[%get3A_37, %get3A_38, %get3A_39] : memref<2x2000x80xf32, #tpu.memory_space<vmem>>, vector<1x2000x80xf32>
    %get3A_41 = vector.shape_cast %get3A_40 : vector<1x2000x80xf32> to vector<2000x80xf32>
    %get3A_42 = arith.constant 1 : index
    %get3A_43 = arith.constant 0 : index
    %get3A_44 = arith.constant 0 : index
    %get3A_45 = vector.load %arg2[%get3A_42, %get3A_43, %get3A_44] : memref<2x2000x80xf32, #tpu.memory_space<vmem>>, vector<1x2000x80xf32>
    %get3A_46 = vector.shape_cast %get3A_45 : vector<1x2000x80xf32> to vector<2000x80xf32>
    %concatenate3A_47 = tpu.concatenate %get3A_41, %get3A_46 in 1 : vector<2000x80xf32>, vector<2000x80xf32> -> vector<2000x160xf32>
    %add3A_48 = arith.addf %concatenate3A_36, %concatenate3A_47 : vector<2000x160xf32>
    %dot_general3A_49 = arith.constant dense<0.000000e+00> : vector<2000x256xf32>
    %dot_general3A_50 = tpu.matmul %add3A_48, %concatenate3A, %dot_general3A_49 {dimension_numbers = #tpu.dot_dimension_numbers<[1], [0], [0], [1], [0, 0, 1, 1], [], []>, transpose_lhs_hint = false} : vector<2000x160xf32>, vector<160x256xf32>, vector<2000x256xf32> -> vector<2000x256xf32>
    %mul3A = vector.broadcast %rsqrt3A : vector<2000x1xf32> to vector<2000x256xf32>
    %mul3A_51 = arith.mulf %mul3A, %dot_general3A_50 : vector<2000x256xf32>
    %get3A_52 = arith.constant 0 : index
    %get3A_53 = arith.constant 0 : index
    %get3A_54 = vector.load %arg8[%get3A_52, %get3A_53] : memref<1x256xf32, #tpu.memory_space<vmem>>, vector<1x256xf32>
    %add3A_55 = vector.broadcast %get3A_54 : vector<1x256xf32> to vector<2000x256xf32>
    %add3A_56 = arith.addf %mul3A_51, %add3A_55 : vector<2000x256xf32>
    %max3A_57 = arith.constant 0.000000e+00 : f32
    %max3A_58 = vector.broadcast %max3A_57 : f32 to vector<2000x256xf32>
    %max3A_59 = arith.maximumf %add3A_56, %max3A_58 : vector<2000x256xf32>
    %swap3A = arith.constant 0 : index
    %swap3A_60 = arith.constant 0 : index
    %swap3A_61 = vector.load %arg10[%swap3A, %swap3A_60] : memref<2000x256xf32, #tpu.memory_space<vmem>>, vector<2000x256xf32>
    tpu.vector_store %arg10[%swap3A, %swap3A_60], %max3A_59 {strides = array<i32>} : memref<2000x256xf32, #tpu.memory_space<vmem>>, vector<2000x256xf32>,
    %get3A_62 = arith.constant 0 : index
    %get3A_63 = arith.constant 0 : index
    %get3A_64 = vector.load %arg9[%get3A_62, %get3A_63] : memref<2000x1xi32, #tpu.memory_space<vmem>>, vector<2000x1xi32>
    %iota3A = tpu.iota {dimensions = array<i32: 1>} : vector<2000x16xi32>
    %eq3A = vector.broadcast %get3A_64 : vector<2000x1xi32> to vector<2000x16xi32>
    %eq3A_65 = arith.cmpi eq, %eq3A, %iota3A : vector<2000x16xi32>
    %convert_element_type3A = arith.extui %eq3A_65 : vector<2000x16xi1> to vector<2000x16xi32>
    %convert_element_type3A_66 = arith.sitofp %convert_element_type3A : vector<2000x16xi32> to vector<2000x16xf32>
    %eq3A_67 = arith.constant 0 : i32
    %eq3A_68 = arith.cmpi eq, %arg0, %eq3A_67 : i32
    %convert_element_type3A_69 = arith.extui %eq3A_68 : i1 to i32
    %cond3A = arith.constant 0 : i32
    %cond3A_70 = arith.cmpi ne, %convert_element_type3A_69, %cond3A : i32
    scf.if %cond3A_70 {
      %broadcast_in_dim3A_80 = arith.constant 0.000000e+00 : f32
      %broadcast_in_dim3A_81 = vector.broadcast %broadcast_in_dim3A_80 : f32 to vector<16x256xf32>
      %swap3A_82 = arith.constant 0 : index
      %swap3A_83 = arith.constant 0 : index
      %swap3A_84 = vector.load %arg11[%swap3A_82, %swap3A_83] : memref<16x256xf32, #tpu.memory_space<vmem>>, vector<16x256xf32>
      tpu.vector_store %arg11[%swap3A_82, %swap3A_83], %broadcast_in_dim3A_81 {strides = array<i32>} : memref<16x256xf32, #tpu.memory_space<vmem>>, vector<16x256xf32>,
    } else {
    }
    %get3A_71 = arith.constant 0 : index
    %get3A_72 = arith.constant 0 : index
    %get3A_73 = vector.load %arg11[%get3A_71, %get3A_72] : memref<16x256xf32, #tpu.memory_space<vmem>>, vector<16x256xf32>
    %dot_general3A_74 = arith.constant dense<0.000000e+00> : vector<16x256xf32>
    %dot_general3A_75 = tpu.matmul %convert_element_type3A_66, %max3A_59, %dot_general3A_74 {dimension_numbers = #tpu.dot_dimension_numbers<[0], [0], [1], [1], [0, 1, 1, 1], [], []>, transpose_lhs_hint = false} : vector<2000x16xf32>, vector<2000x256xf32>, vector<16x256xf32> -> vector<16x256xf32>
    %add3A_76 = arith.addf %get3A_73, %dot_general3A_75 : vector<16x256xf32>
    %swap3A_77 = arith.constant 0 : index
    %swap3A_78 = arith.constant 0 : index
    %swap3A_79 = vector.load %arg11[%swap3A_77, %swap3A_78] : memref<16x256xf32, #tpu.memory_space<vmem>>, vector<16x256xf32>
    tpu.vector_store %arg11[%swap3A_77, %swap3A_78], %add3A_76 {strides = array<i32>} : memref<16x256xf32, #tpu.memory_space<vmem>>, vector<16x256xf32>,
    return
  }
  func.func @transform_0(%arg0: i32) -> (i32, i32, i32) {
    %c0_i32 = arith.constant 0 : i32
    %c0_i32_0 = arith.constant 0 : i32
    %c0_i32_1 = arith.constant 0 : i32
    return %c0_i32, %arg0, %c0_i32_0 : i32, i32, i32
  }
  func.func @transform_1(%arg0: i32) -> (i32, i32, i32) {
    %c0_i32 = arith.constant 0 : i32
    %c0_i32_0 = arith.constant 0 : i32
    %c0_i32_1 = arith.constant 0 : i32
    return %c0_i32, %arg0, %c0_i32_0 : i32, i32, i32
  }
  func.func @transform_2(%arg0: i32) -> (i32, i32) {
    %c0_i32 = arith.constant 0 : i32
    %c0_i32_0 = arith.constant 0 : i32
    return %arg0, %c0_i32 : i32, i32
  }
  func.func @transform_3(%arg0: i32) -> (i32, i32) {
    %c0_i32 = arith.constant 0 : i32
    %c0_i32_0 = arith.constant 0 : i32
    %c0_i32_1 = arith.constant 0 : i32
    return %c0_i32, %c0_i32_0 : i32, i32
  }
  func.func @transform_4(%arg0: i32) -> (i32, i32) {
    %c0_i32 = arith.constant 0 : i32
    %c0_i32_0 = arith.constant 0 : i32
    %c0_i32_1 = arith.constant 0 : i32
    return %c0_i32, %c0_i32_0 : i32, i32
  }
  func.func @transform_5(%arg0: i32) -> (i32, i32) {
    %c0_i32 = arith.constant 0 : i32
    %c0_i32_0 = arith.constant 0 : i32
    %c0_i32_1 = arith.constant 0 : i32
    return %c0_i32, %c0_i32_0 : i32, i32
  }
  func.func @transform_6(%arg0: i32) -> (i32, i32) {
    %c0_i32 = arith.constant 0 : i32
    %c0_i32_0 = arith.constant 0 : i32
    %c0_i32_1 = arith.constant 0 : i32
    return %c0_i32, %c0_i32_0 : i32, i32
  }
  func.func @transform_7(%arg0: i32) -> (i32, i32) {
    %c0_i32 = arith.constant 0 : i32
    %c0_i32_0 = arith.constant 0 : i32
    %c0_i32_1 = arith.constant 0 : i32
    return %c0_i32, %c0_i32_0 : i32, i32
  }
  func.func @transform_8(%arg0: i32) -> (i32, i32) {
    %c0_i32 = arith.constant 0 : i32
    %c0_i32_0 = arith.constant 0 : i32
    return %arg0, %c0_i32 : i32, i32
  }
  func.func @transform_9(%arg0: i32) -> (i32, i32) {
    %c0_i32 = arith.constant 0 : i32
    %c0_i32_0 = arith.constant 0 : i32
    return %arg0, %c0_i32 : i32, i32
  }
  func.func @transform_10(%arg0: i32) -> (i32, i32) {
    %c0_i32 = arith.constant 0 : i32
    %c0_i32_0 = arith.constant 0 : i32
    %c0_i32_1 = arith.constant 0 : i32
    return %c0_i32, %c0_i32_0 : i32, i32
  }
}

module attributes {stable_mosaic.version = 14 : i64} {
  func.func @body(%arg0: i32, %arg1: memref<2000x256xf32, #tpu.memory_space<vmem>>, %arg2: memref<2000x1xi32, #tpu.memory_space<vmem>>, %arg3: memref<2000x128xf32, #tpu.memory_space<vmem>>, %arg4: memref<16x256xf32, #tpu.memory_space<vmem>>, %arg5: memref<16x128xf32, #tpu.memory_space<vmem>>, %arg6: memref<256x128xf32, #tpu.memory_space<vmem>>, %arg7: memref<256x128xf32, #tpu.memory_space<vmem>>, %arg8: memref<2x2000x64xf32, #tpu.memory_space<vmem>>) attributes {dimension_semantics = [#tpu.dimension_semantics<arbitrary>], iteration_bounds = array<i64: 5>, scalar_prefetch = 0 : i64, scratch_operands = 0 : i64, tpu.core_type = #tpu.core_type<tc>, window_params = [{transform_indices = @transform_0, window_bounds = array<i64: 2000, 256>}, {transform_indices = @transform_1, window_bounds = array<i64: 2000, 1>}, {transform_indices = @transform_2, window_bounds = array<i64: 2000, 128>}, {pipeline_mode = #tpu.pipeline_mode<synchronous>, transform_indices = @transform_3, window_bounds = array<i64: 16, 256>}, {pipeline_mode = #tpu.pipeline_mode<synchronous>, transform_indices = @transform_4, window_bounds = array<i64: 16, 128>}, {pipeline_mode = #tpu.pipeline_mode<synchronous>, transform_indices = @transform_5, window_bounds = array<i64: 256, 128>}, {pipeline_mode = #tpu.pipeline_mode<synchronous>, transform_indices = @transform_6, window_bounds = array<i64: 256, 128>}, {transform_indices = @transform_7, window_bounds = array<i64: 2, 2000, 64>}]} {
    %get3A = arith.constant 0 : index
    %get3A_0 = arith.constant 0 : index
    %get3A_1 = vector.load %arg3[%get3A, %get3A_0] : memref<2000x128xf32, #tpu.memory_space<vmem>>, vector<2000x1xf32>
    %get3A_2 = arith.constant 0 : index
    %get3A_3 = arith.constant 8 : index
    %get3A_4 = vector.load %arg3[%get3A_2, %get3A_3] : memref<2000x128xf32, #tpu.memory_space<vmem>>, vector<2000x1xf32>
    %add3A = arith.addf %get3A_1, %get3A_4 : vector<2000x1xf32>
    %add3A_5 = arith.constant 1.000000e+00 : f32
    %add3A_6 = vector.broadcast %add3A_5 : f32 to vector<2000x1xf32>
    %add3A_7 = arith.addf %add3A, %add3A_6 : vector<2000x1xf32>
    %rsqrt3A = math.rsqrt %add3A_7 : vector<2000x1xf32>
    %get3A_8 = arith.constant 0 : index
    %get3A_9 = arith.constant 0 : index
    %get3A_10 = vector.load %arg4[%get3A_8, %get3A_9] : memref<16x256xf32, #tpu.memory_space<vmem>>, vector<16x256xf32>
    %get3A_11 = arith.constant 0 : index
    %get3A_12 = arith.constant 0 : index
    %get3A_13 = vector.load %arg5[%get3A_11, %get3A_12] : memref<16x128xf32, #tpu.memory_space<vmem>>, vector<16x1xf32>
    %max3A = arith.constant 1.000000e+00 : f32
    %max3A_14 = vector.broadcast %max3A : f32 to vector<16x1xf32>
    %max3A_15 = arith.maximumf %get3A_13, %max3A_14 : vector<16x1xf32>
    %div3A = vector.broadcast %max3A_15 : vector<16x1xf32> to vector<16x256xf32>
    %div3A_16 = arith.divf %get3A_10, %div3A : vector<16x256xf32>
    %get3A_17 = arith.constant 0 : index
    %get3A_18 = arith.constant 0 : index
    %get3A_19 = vector.load %arg7[%get3A_17, %get3A_18] : memref<256x128xf32, #tpu.memory_space<vmem>>, vector<256x128xf32>
    %dot_general3A = arith.constant dense<0.000000e+00> : vector<16x128xf32>
    %dot_general3A_20 = tpu.matmul %div3A_16, %get3A_19, %dot_general3A {dimension_numbers = #tpu.dot_dimension_numbers<[1], [0], [0], [1], [0, 0, 1, 1], [], []>, transpose_lhs_hint = false} : vector<16x256xf32>, vector<256x128xf32>, vector<16x128xf32> -> vector<16x128xf32>
    %get3A_21 = arith.constant 0 : index
    %get3A_22 = arith.constant 0 : index
    %get3A_23 = vector.load %arg2[%get3A_21, %get3A_22] : memref<2000x1xi32, #tpu.memory_space<vmem>>, vector<2000x1xi32>
    %iota3A = tpu.iota {dimensions = array<i32: 1>} : vector<2000x16xi32>
    %eq3A = vector.broadcast %get3A_23 : vector<2000x1xi32> to vector<2000x16xi32>
    %eq3A_24 = arith.cmpi eq, %eq3A, %iota3A : vector<2000x16xi32>
    %convert_element_type3A = arith.extui %eq3A_24 : vector<2000x16xi1> to vector<2000x16xi32>
    %convert_element_type3A_25 = arith.sitofp %convert_element_type3A : vector<2000x16xi32> to vector<2000x16xf32>
    %get3A_26 = arith.constant 0 : index
    %get3A_27 = arith.constant 0 : index
    %get3A_28 = vector.load %arg1[%get3A_26, %get3A_27] : memref<2000x256xf32, #tpu.memory_space<vmem>>, vector<2000x256xf32>
    %get3A_29 = arith.constant 0 : index
    %get3A_30 = arith.constant 0 : index
    %get3A_31 = vector.load %arg6[%get3A_29, %get3A_30] : memref<256x128xf32, #tpu.memory_space<vmem>>, vector<256x128xf32>
    %dot_general3A_32 = arith.constant dense<0.000000e+00> : vector<2000x128xf32>
    %dot_general3A_33 = tpu.matmul %get3A_28, %get3A_31, %dot_general3A_32 {dimension_numbers = #tpu.dot_dimension_numbers<[1], [0], [0], [1], [0, 0, 1, 1], [], []>, transpose_lhs_hint = false} : vector<2000x256xf32>, vector<256x128xf32>, vector<2000x128xf32> -> vector<2000x128xf32>
    %dot_general3A_34 = arith.constant dense<0.000000e+00> : vector<2000x128xf32>
    %dot_general3A_35 = tpu.matmul %convert_element_type3A_25, %dot_general3A_20, %dot_general3A_34 {dimension_numbers = #tpu.dot_dimension_numbers<[1], [0], [0], [1], [0, 0, 1, 1], [], []>, transpose_lhs_hint = false} : vector<2000x16xf32>, vector<16x128xf32>, vector<2000x128xf32> -> vector<2000x128xf32>
    %add3A_36 = arith.addf %dot_general3A_33, %dot_general3A_35 : vector<2000x128xf32>
    %mul3A = vector.broadcast %rsqrt3A : vector<2000x1xf32> to vector<2000x128xf32>
    %mul3A_37 = arith.mulf %add3A_36, %mul3A : vector<2000x128xf32>
    %slice3A = vector.extract_strided_slice %mul3A_37 {offsets = [0, 0], sizes = [2000, 64], strides = [1, 1]} : vector<2000x128xf32> to vector<2000x64xf32>
    %swap3A = arith.constant 0 : index
    %swap3A_38 = arith.constant 0 : index
    %swap3A_39 = arith.constant 0 : index
    %swap3A_40 = vector.load %arg8[%swap3A, %swap3A_38, %swap3A_39] : memref<2x2000x64xf32, #tpu.memory_space<vmem>>, vector<1x2000x64xf32>
    %swap3A_41 = vector.shape_cast %swap3A_40 : vector<1x2000x64xf32> to vector<2000x64xf32>
    %swap3A_42 = vector.shape_cast %slice3A : vector<2000x64xf32> to vector<1x2000x64xf32>
    tpu.vector_store %arg8[%swap3A, %swap3A_38, %swap3A_39], %swap3A_42 {strides = array<i32>} : memref<2x2000x64xf32, #tpu.memory_space<vmem>>, vector<1x2000x64xf32>,
    %slice3A_43 = vector.extract_strided_slice %mul3A_37 {offsets = [0, 64], sizes = [2000, 64], strides = [1, 1]} : vector<2000x128xf32> to vector<2000x64xf32>
    %swap3A_44 = arith.constant 1 : index
    %swap3A_45 = arith.constant 0 : index
    %swap3A_46 = arith.constant 0 : index
    %swap3A_47 = vector.load %arg8[%swap3A_44, %swap3A_45, %swap3A_46] : memref<2x2000x64xf32, #tpu.memory_space<vmem>>, vector<1x2000x64xf32>
    %swap3A_48 = vector.shape_cast %swap3A_47 : vector<1x2000x64xf32> to vector<2000x64xf32>
    %swap3A_49 = vector.shape_cast %slice3A_43 : vector<2000x64xf32> to vector<1x2000x64xf32>
    tpu.vector_store %arg8[%swap3A_44, %swap3A_45, %swap3A_46], %swap3A_49 {strides = array<i32>} : memref<2x2000x64xf32, #tpu.memory_space<vmem>>, vector<1x2000x64xf32>,
    return
  }
  func.func @transform_0(%arg0: i32) -> (i32, i32) {
    %c0_i32 = arith.constant 0 : i32
    %c0_i32_0 = arith.constant 0 : i32
    return %arg0, %c0_i32 : i32, i32
  }
  func.func @transform_1(%arg0: i32) -> (i32, i32) {
    %c0_i32 = arith.constant 0 : i32
    %c0_i32_0 = arith.constant 0 : i32
    return %arg0, %c0_i32 : i32, i32
  }
  func.func @transform_2(%arg0: i32) -> (i32, i32) {
    %c0_i32 = arith.constant 0 : i32
    %c0_i32_0 = arith.constant 0 : i32
    return %arg0, %c0_i32 : i32, i32
  }
  func.func @transform_3(%arg0: i32) -> (i32, i32) {
    %c0_i32 = arith.constant 0 : i32
    %c0_i32_0 = arith.constant 0 : i32
    %c0_i32_1 = arith.constant 0 : i32
    return %c0_i32, %c0_i32_0 : i32, i32
  }
  func.func @transform_4(%arg0: i32) -> (i32, i32) {
    %c0_i32 = arith.constant 0 : i32
    %c0_i32_0 = arith.constant 0 : i32
    %c0_i32_1 = arith.constant 0 : i32
    return %c0_i32, %c0_i32_0 : i32, i32
  }
  func.func @transform_5(%arg0: i32) -> (i32, i32) {
    %c0_i32 = arith.constant 0 : i32
    %c0_i32_0 = arith.constant 0 : i32
    %c0_i32_1 = arith.constant 0 : i32
    return %c0_i32, %c0_i32_0 : i32, i32
  }
  func.func @transform_6(%arg0: i32) -> (i32, i32) {
    %c0_i32 = arith.constant 0 : i32
    %c0_i32_0 = arith.constant 0 : i32
    %c0_i32_1 = arith.constant 0 : i32
    return %c0_i32, %c0_i32_0 : i32, i32
  }
  func.func @transform_7(%arg0: i32) -> (i32, i32, i32) {
    %c0_i32 = arith.constant 0 : i32
    %c0_i32_0 = arith.constant 0 : i32
    %c0_i32_1 = arith.constant 0 : i32
    return %c0_i32, %arg0, %c0_i32_0 : i32, i32, i32
  }
}

module attributes {stable_mosaic.version = 14 : i64} {
  func.func @body(%arg0: i32, %arg1: memref<2000x128xf32, #tpu.memory_space<vmem>>, %arg2: memref<2x2000x64xf32, #tpu.memory_space<vmem>>, %arg3: memref<2000x128xf32, #tpu.memory_space<vmem>>, %arg4: memref<1x128xf32, #tpu.memory_space<vmem>>, %arg5: memref<128x256xf32, #tpu.memory_space<vmem>>, %arg6: memref<2x2000x64xf32, #tpu.memory_space<vmem>>, %arg7: memref<2x2000x64xf32, #tpu.memory_space<vmem>>) attributes {dimension_semantics = [#tpu.dimension_semantics<arbitrary>], iteration_bounds = array<i64: 5>, scalar_prefetch = 0 : i64, scratch_operands = 0 : i64, tpu.core_type = #tpu.core_type<tc>, window_params = [{transform_indices = @transform_0, window_bounds = array<i64: 2000, 128>}, {transform_indices = @transform_1, window_bounds = array<i64: 2, 2000, 64>}, {transform_indices = @transform_2, window_bounds = array<i64: 2000, 128>}, {pipeline_mode = #tpu.pipeline_mode<synchronous>, transform_indices = @transform_3, window_bounds = array<i64: 1, 128>}, {pipeline_mode = #tpu.pipeline_mode<synchronous>, transform_indices = @transform_4, window_bounds = array<i64: 128, 256>}, {transform_indices = @transform_5, window_bounds = array<i64: 2, 2000, 64>}, {transform_indices = @transform_6, window_bounds = array<i64: 2, 2000, 64>}]} {
    %get3A = arith.constant 0 : index
    %get3A_0 = arith.constant 0 : index
    %get3A_1 = vector.load %arg3[%get3A, %get3A_0] : memref<2000x128xf32, #tpu.memory_space<vmem>>, vector<2000x1xf32>
    %get3A_2 = arith.constant 0 : index
    %get3A_3 = arith.constant 8 : index
    %get3A_4 = vector.load %arg3[%get3A_2, %get3A_3] : memref<2000x128xf32, #tpu.memory_space<vmem>>, vector<2000x1xf32>
    %add3A = arith.addf %get3A_1, %get3A_4 : vector<2000x1xf32>
    %add3A_5 = arith.constant 1.000000e+00 : f32
    %add3A_6 = vector.broadcast %add3A_5 : f32 to vector<2000x1xf32>
    %add3A_7 = arith.addf %add3A, %add3A_6 : vector<2000x1xf32>
    %rsqrt3A = math.rsqrt %add3A_7 : vector<2000x1xf32>
    %get3A_8 = arith.constant 0 : index
    %get3A_9 = arith.constant 0 : index
    %get3A_10 = vector.load %arg1[%get3A_8, %get3A_9] : memref<2000x128xf32, #tpu.memory_space<vmem>>, vector<2000x128xf32>
    %get3A_11 = arith.constant 0 : index
    %get3A_12 = arith.constant 0 : index
    %get3A_13 = arith.constant 0 : index
    %get3A_14 = vector.load %arg2[%get3A_11, %get3A_12, %get3A_13] : memref<2x2000x64xf32, #tpu.memory_space<vmem>>, vector<1x2000x64xf32>
    %get3A_15 = vector.shape_cast %get3A_14 : vector<1x2000x64xf32> to vector<2000x64xf32>
    %get3A_16 = arith.constant 1 : index
    %get3A_17 = arith.constant 0 : index
    %get3A_18 = arith.constant 0 : index
    %get3A_19 = vector.load %arg2[%get3A_16, %get3A_17, %get3A_18] : memref<2x2000x64xf32, #tpu.memory_space<vmem>>, vector<1x2000x64xf32>
    %get3A_20 = vector.shape_cast %get3A_19 : vector<1x2000x64xf32> to vector<2000x64xf32>
    %concatenate3A = tpu.concatenate %get3A_15, %get3A_20 in 1 : vector<2000x64xf32>, vector<2000x64xf32> -> vector<2000x128xf32>
    %add3A_21 = arith.addf %get3A_10, %concatenate3A : vector<2000x128xf32>
    %mul3A = vector.broadcast %rsqrt3A : vector<2000x1xf32> to vector<2000x128xf32>
    %mul3A_22 = arith.mulf %mul3A, %add3A_21 : vector<2000x128xf32>
    %get3A_23 = arith.constant 0 : index
    %get3A_24 = arith.constant 0 : index
    %get3A_25 = vector.load %arg4[%get3A_23, %get3A_24] : memref<1x128xf32, #tpu.memory_space<vmem>>, vector<1x128xf32>
    %add3A_26 = vector.broadcast %get3A_25 : vector<1x128xf32> to vector<2000x128xf32>
    %add3A_27 = arith.addf %mul3A_22, %add3A_26 : vector<2000x128xf32>
    %max3A = arith.constant 0.000000e+00 : f32
    %max3A_28 = vector.broadcast %max3A : f32 to vector<2000x128xf32>
    %max3A_29 = arith.maximumf %add3A_27, %max3A_28 : vector<2000x128xf32>
    %get3A_30 = arith.constant 0 : index
    %get3A_31 = arith.constant 0 : index
    %get3A_32 = vector.load %arg5[%get3A_30, %get3A_31] : memref<128x256xf32, #tpu.memory_space<vmem>>, vector<128x256xf32>
    %dot_general3A = arith.constant dense<0.000000e+00> : vector<2000x256xf32>
    %dot_general3A_33 = tpu.matmul %max3A_29, %get3A_32, %dot_general3A {dimension_numbers = #tpu.dot_dimension_numbers<[1], [0], [0], [1], [0, 0, 1, 1], [], []>, transpose_lhs_hint = false} : vector<2000x128xf32>, vector<128x256xf32>, vector<2000x256xf32> -> vector<2000x256xf32>
    %slice3A = vector.extract_strided_slice %dot_general3A_33 {offsets = [0, 0], sizes = [2000, 64], strides = [1, 1]} : vector<2000x256xf32> to vector<2000x64xf32>
    %swap3A = arith.constant 0 : index
    %swap3A_34 = arith.constant 0 : index
    %swap3A_35 = arith.constant 0 : index
    %swap3A_36 = vector.load %arg6[%swap3A, %swap3A_34, %swap3A_35] : memref<2x2000x64xf32, #tpu.memory_space<vmem>>, vector<1x2000x64xf32>
    %swap3A_37 = vector.shape_cast %swap3A_36 : vector<1x2000x64xf32> to vector<2000x64xf32>
    %swap3A_38 = vector.shape_cast %slice3A : vector<2000x64xf32> to vector<1x2000x64xf32>
    tpu.vector_store %arg6[%swap3A, %swap3A_34, %swap3A_35], %swap3A_38 {strides = array<i32>} : memref<2x2000x64xf32, #tpu.memory_space<vmem>>, vector<1x2000x64xf32>,
    %slice3A_39 = vector.extract_strided_slice %dot_general3A_33 {offsets = [0, 64], sizes = [2000, 64], strides = [1, 1]} : vector<2000x256xf32> to vector<2000x64xf32>
    %swap3A_40 = arith.constant 1 : index
    %swap3A_41 = arith.constant 0 : index
    %swap3A_42 = arith.constant 0 : index
    %swap3A_43 = vector.load %arg6[%swap3A_40, %swap3A_41, %swap3A_42] : memref<2x2000x64xf32, #tpu.memory_space<vmem>>, vector<1x2000x64xf32>
    %swap3A_44 = vector.shape_cast %swap3A_43 : vector<1x2000x64xf32> to vector<2000x64xf32>
    %swap3A_45 = vector.shape_cast %slice3A_39 : vector<2000x64xf32> to vector<1x2000x64xf32>
    tpu.vector_store %arg6[%swap3A_40, %swap3A_41, %swap3A_42], %swap3A_45 {strides = array<i32>} : memref<2x2000x64xf32, #tpu.memory_space<vmem>>, vector<1x2000x64xf32>,
    %slice3A_46 = vector.extract_strided_slice %dot_general3A_33 {offsets = [0, 128], sizes = [2000, 64], strides = [1, 1]} : vector<2000x256xf32> to vector<2000x64xf32>
    %swap3A_47 = arith.constant 0 : index
    %swap3A_48 = arith.constant 0 : index
    %swap3A_49 = arith.constant 0 : index
    %swap3A_50 = vector.load %arg7[%swap3A_47, %swap3A_48, %swap3A_49] : memref<2x2000x64xf32, #tpu.memory_space<vmem>>, vector<1x2000x64xf32>
    %swap3A_51 = vector.shape_cast %swap3A_50 : vector<1x2000x64xf32> to vector<2000x64xf32>
    %swap3A_52 = vector.shape_cast %slice3A_46 : vector<2000x64xf32> to vector<1x2000x64xf32>
    tpu.vector_store %arg7[%swap3A_47, %swap3A_48, %swap3A_49], %swap3A_52 {strides = array<i32>} : memref<2x2000x64xf32, #tpu.memory_space<vmem>>, vector<1x2000x64xf32>,
    %slice3A_53 = vector.extract_strided_slice %dot_general3A_33 {offsets = [0, 192], sizes = [2000, 64], strides = [1, 1]} : vector<2000x256xf32> to vector<2000x64xf32>
    %swap3A_54 = arith.constant 1 : index
    %swap3A_55 = arith.constant 0 : index
    %swap3A_56 = arith.constant 0 : index
    %swap3A_57 = vector.load %arg7[%swap3A_54, %swap3A_55, %swap3A_56] : memref<2x2000x64xf32, #tpu.memory_space<vmem>>, vector<1x2000x64xf32>
    %swap3A_58 = vector.shape_cast %swap3A_57 : vector<1x2000x64xf32> to vector<2000x64xf32>
    %swap3A_59 = vector.shape_cast %slice3A_53 : vector<2000x64xf32> to vector<1x2000x64xf32>
    tpu.vector_store %arg7[%swap3A_54, %swap3A_55, %swap3A_56], %swap3A_59 {strides = array<i32>} : memref<2x2000x64xf32, #tpu.memory_space<vmem>>, vector<1x2000x64xf32>,
    return
  }
  func.func @transform_0(%arg0: i32) -> (i32, i32) {
    %c0_i32 = arith.constant 0 : i32
    %c0_i32_0 = arith.constant 0 : i32
    return %arg0, %c0_i32 : i32, i32
  }
  func.func @transform_1(%arg0: i32) -> (i32, i32, i32) {
    %c0_i32 = arith.constant 0 : i32
    %c0_i32_0 = arith.constant 0 : i32
    %c0_i32_1 = arith.constant 0 : i32
    return %c0_i32, %arg0, %c0_i32_0 : i32, i32, i32
  }
  func.func @transform_2(%arg0: i32) -> (i32, i32) {
    %c0_i32 = arith.constant 0 : i32
    %c0_i32_0 = arith.constant 0 : i32
    return %arg0, %c0_i32 : i32, i32
  }
  func.func @transform_3(%arg0: i32) -> (i32, i32) {
    %c0_i32 = arith.constant 0 : i32
    %c0_i32_0 = arith.constant 0 : i32
    %c0_i32_1 = arith.constant 0 : i32
    return %c0_i32, %c0_i32_0 : i32, i32
  }
  func.func @transform_4(%arg0: i32) -> (i32, i32) {
    %c0_i32 = arith.constant 0 : i32
    %c0_i32_0 = arith.constant 0 : i32
    %c0_i32_1 = arith.constant 0 : i32
    return %c0_i32, %c0_i32_0 : i32, i32
  }
  func.func @transform_5(%arg0: i32) -> (i32, i32, i32) {
    %c0_i32 = arith.constant 0 : i32
    %c0_i32_0 = arith.constant 0 : i32
    %c0_i32_1 = arith.constant 0 : i32
    return %c0_i32, %arg0, %c0_i32_0 : i32, i32, i32
  }
  func.func @transform_6(%arg0: i32) -> (i32, i32, i32) {
    %c0_i32 = arith.constant 0 : i32
    %c0_i32_0 = arith.constant 0 : i32
    %c0_i32_1 = arith.constant 0 : i32
    return %c0_i32, %arg0, %c0_i32_0 : i32, i32, i32
  }
}

module attributes {stable_mosaic.version = 14 : i64} {
  func.func @body(%arg0: i32, %arg1: memref<6400x128xf32, #tpu.memory_space<vmem>>, %arg2: memref<6400x16xf32, #tpu.memory_space<vmem>>, %arg3: memref<16x64xf32, #tpu.memory_space<vmem>>, %arg4: memref<1x64xf32, #tpu.memory_space<vmem>>, %arg5: memref<64x128xf32, #tpu.memory_space<vmem>>, %arg6: memref<1x128xf32, #tpu.memory_space<vmem>>, %arg7: memref<128x4xf32, #tpu.memory_space<vmem>>, %arg8: memref<1x4xf32, #tpu.memory_space<vmem>>, %arg9: memref<4x6400xf32, #tpu.memory_space<vmem>>) attributes {dimension_semantics = [#tpu.dimension_semantics<arbitrary>], iteration_bounds = array<i64: 50>, scalar_prefetch = 0 : i64, scratch_operands = 0 : i64, tpu.core_type = #tpu.core_type<tc>, window_params = [{transform_indices = @transform_0, window_bounds = array<i64: 6400, 128>}, {transform_indices = @transform_1, window_bounds = array<i64: 6400, 16>}, {pipeline_mode = #tpu.pipeline_mode<synchronous>, transform_indices = @transform_2, window_bounds = array<i64: 16, 64>}, {pipeline_mode = #tpu.pipeline_mode<synchronous>, transform_indices = @transform_3, window_bounds = array<i64: 1, 64>}, {pipeline_mode = #tpu.pipeline_mode<synchronous>, transform_indices = @transform_4, window_bounds = array<i64: 64, 128>}, {pipeline_mode = #tpu.pipeline_mode<synchronous>, transform_indices = @transform_5, window_bounds = array<i64: 1, 128>}, {pipeline_mode = #tpu.pipeline_mode<synchronous>, transform_indices = @transform_6, window_bounds = array<i64: 128, 4>}, {pipeline_mode = #tpu.pipeline_mode<synchronous>, transform_indices = @transform_7, window_bounds = array<i64: 1, 4>}, {transform_indices = @transform_8, window_bounds = array<i64: 4, 6400>}]} {
    %get3A = arith.constant 0 : index
    %get3A_0 = arith.constant 0 : index
    %get3A_1 = vector.load %arg2[%get3A, %get3A_0] : memref<6400x16xf32, #tpu.memory_space<vmem>>, vector<6400x16xf32>
    %get3A_2 = arith.constant 0 : index
    %get3A_3 = arith.constant 0 : index
    %get3A_4 = vector.load %arg3[%get3A_2, %get3A_3] : memref<16x64xf32, #tpu.memory_space<vmem>>, vector<16x64xf32>
    %dot_general3A = arith.constant dense<0.000000e+00> : vector<6400x64xf32>
    %dot_general3A_5 = tpu.matmul %get3A_1, %get3A_4, %dot_general3A {dimension_numbers = #tpu.dot_dimension_numbers<[1], [0], [0], [1], [0, 0, 1, 1], [], []>, transpose_lhs_hint = false} : vector<6400x16xf32>, vector<16x64xf32>, vector<6400x64xf32> -> vector<6400x64xf32>
    %get3A_6 = arith.constant 0 : index
    %get3A_7 = arith.constant 0 : index
    %get3A_8 = vector.load %arg4[%get3A_6, %get3A_7] : memref<1x64xf32, #tpu.memory_space<vmem>>, vector<1x64xf32>
    %add3A = vector.broadcast %get3A_8 : vector<1x64xf32> to vector<6400x64xf32>
    %add3A_9 = arith.addf %dot_general3A_5, %add3A : vector<6400x64xf32>
    %max3A = arith.constant 0.000000e+00 : f32
    %max3A_10 = vector.broadcast %max3A : f32 to vector<6400x64xf32>
    %max3A_11 = arith.maximumf %add3A_9, %max3A_10 : vector<6400x64xf32>
    %get3A_12 = arith.constant 0 : index
    %get3A_13 = arith.constant 0 : index
    %get3A_14 = vector.load %arg5[%get3A_12, %get3A_13] : memref<64x128xf32, #tpu.memory_space<vmem>>, vector<64x128xf32>
    %dot_general3A_15 = arith.constant dense<0.000000e+00> : vector<6400x128xf32>
    %dot_general3A_16 = tpu.matmul %max3A_11, %get3A_14, %dot_general3A_15 {dimension_numbers = #tpu.dot_dimension_numbers<[1], [0], [0], [1], [0, 0, 1, 1], [], []>, transpose_lhs_hint = false} : vector<6400x64xf32>, vector<64x128xf32>, vector<6400x128xf32> -> vector<6400x128xf32>
    %get3A_17 = arith.constant 0 : index
    %get3A_18 = arith.constant 0 : index
    %get3A_19 = vector.load %arg1[%get3A_17, %get3A_18] : memref<6400x128xf32, #tpu.memory_space<vmem>>, vector<6400x128xf32>
    %add3A_20 = arith.addf %get3A_19, %dot_general3A_16 : vector<6400x128xf32>
    %get3A_21 = arith.constant 0 : index
    %get3A_22 = arith.constant 0 : index
    %get3A_23 = vector.load %arg6[%get3A_21, %get3A_22] : memref<1x128xf32, #tpu.memory_space<vmem>>, vector<1x128xf32>
    %add3A_24 = vector.broadcast %get3A_23 : vector<1x128xf32> to vector<6400x128xf32>
    %add3A_25 = arith.addf %add3A_20, %add3A_24 : vector<6400x128xf32>
    %max3A_26 = arith.constant 0.000000e+00 : f32
    %max3A_27 = vector.broadcast %max3A_26 : f32 to vector<6400x128xf32>
    %max3A_28 = arith.maximumf %add3A_25, %max3A_27 : vector<6400x128xf32>
    %get3A_29 = arith.constant 0 : index
    %get3A_30 = arith.constant 0 : index
    %get3A_31 = vector.load %arg7[%get3A_29, %get3A_30] : memref<128x4xf32, #tpu.memory_space<vmem>>, vector<128x4xf32>
    %dot_general3A_32 = arith.constant dense<0.000000e+00> : vector<6400x4xf32>
    %dot_general3A_33 = tpu.matmul %max3A_28, %get3A_31, %dot_general3A_32 {dimension_numbers = #tpu.dot_dimension_numbers<[1], [0], [0], [1], [0, 0, 1, 1], [], []>, transpose_lhs_hint = false} : vector<6400x128xf32>, vector<128x4xf32>, vector<6400x4xf32> -> vector<6400x4xf32>
    %get3A_34 = arith.constant 0 : index
    %get3A_35 = arith.constant 0 : index
    %get3A_36 = vector.load %arg8[%get3A_34, %get3A_35] : memref<1x4xf32, #tpu.memory_space<vmem>>, vector<1x4xf32>
    %add3A_37 = vector.broadcast %get3A_36 : vector<1x4xf32> to vector<6400x4xf32>
    %add3A_38 = arith.addf %dot_general3A_33, %add3A_37 : vector<6400x4xf32>
    %transpose3A = tpu.transpose %add3A_38, [1, 0] : vector<6400x4xf32> -> vector<4x6400xf32>
    %swap3A = arith.constant 0 : index
    %swap3A_39 = arith.constant 0 : index
    %swap3A_40 = vector.load %arg9[%swap3A, %swap3A_39] : memref<4x6400xf32, #tpu.memory_space<vmem>>, vector<4x6400xf32>
    tpu.vector_store %arg9[%swap3A, %swap3A_39], %transpose3A {strides = array<i32>} : memref<4x6400xf32, #tpu.memory_space<vmem>>, vector<4x6400xf32>,
    return
  }
  func.func @transform_0(%arg0: i32) -> (i32, i32) {
    %c0_i32 = arith.constant 0 : i32
    %c0_i32_0 = arith.constant 0 : i32
    return %arg0, %c0_i32 : i32, i32
  }
  func.func @transform_1(%arg0: i32) -> (i32, i32) {
    %c0_i32 = arith.constant 0 : i32
    %c0_i32_0 = arith.constant 0 : i32
    return %arg0, %c0_i32 : i32, i32
  }
  func.func @transform_2(%arg0: i32) -> (i32, i32) {
    %c0_i32 = arith.constant 0 : i32
    %c0_i32_0 = arith.constant 0 : i32
    %c0_i32_1 = arith.constant 0 : i32
    return %c0_i32, %c0_i32_0 : i32, i32
  }
  func.func @transform_3(%arg0: i32) -> (i32, i32) {
    %c0_i32 = arith.constant 0 : i32
    %c0_i32_0 = arith.constant 0 : i32
    %c0_i32_1 = arith.constant 0 : i32
    return %c0_i32, %c0_i32_0 : i32, i32
  }
  func.func @transform_4(%arg0: i32) -> (i32, i32) {
    %c0_i32 = arith.constant 0 : i32
    %c0_i32_0 = arith.constant 0 : i32
    %c0_i32_1 = arith.constant 0 : i32
    return %c0_i32, %c0_i32_0 : i32, i32
  }
  func.func @transform_5(%arg0: i32) -> (i32, i32) {
    %c0_i32 = arith.constant 0 : i32
    %c0_i32_0 = arith.constant 0 : i32
    %c0_i32_1 = arith.constant 0 : i32
    return %c0_i32, %c0_i32_0 : i32, i32
  }
  func.func @transform_6(%arg0: i32) -> (i32, i32) {
    %c0_i32 = arith.constant 0 : i32
    %c0_i32_0 = arith.constant 0 : i32
    %c0_i32_1 = arith.constant 0 : i32
    return %c0_i32, %c0_i32_0 : i32, i32
  }
  func.func @transform_7(%arg0: i32) -> (i32, i32) {
    %c0_i32 = arith.constant 0 : i32
    %c0_i32_0 = arith.constant 0 : i32
    %c0_i32_1 = arith.constant 0 : i32
    return %c0_i32, %c0_i32_0 : i32, i32
  }
  func.func @transform_8(%arg0: i32) -> (i32, i32) {
    %c0_i32 = arith.constant 0 : i32
    %c0_i32_0 = arith.constant 0 : i32
    return %c0_i32, %arg0 : i32, i32
  }
}

</mosaic_0001>

<sc_bundles>
// kernel: kernel.13.cloned.1.call-start
scs
__scs_entry_jumppad:
0x0: {  	(pc) =	sbr.rel $0x88, $3  }
0x1: {  	(tag) =	ssettag $0x0;
	lr =	simm.s32 $0x1  }
0x2: {  	[smem:$0x3F93] =	sst lr;
	_ =	strace $0xD0000000  }
0x3: {  	_ = 	snop  }
0x4: {  	_ = 	snop  }
0x5: {  	_ = 	snop  }
0x6: {  	_ = 	snop  }
0x7: {  	_ = 	snop  }
__scs_overlays_trampoline_lowered:
0x8: {  	[smem:$0x3FA2] =	sst s0  }
0x9: {  	[smem:$0x3FA3] =	sst s1  }
0xa: {  	[smem:$0x3FA4] =	sst s2  }
0xb: {  	[smem:$0x3FA5] =	sst s3  }
0xc: {  	[smem:$0x3FA6] =	sst s4  }
0xd: {  	[smem:$0x3FA7] =	sst s5  }
0xe: {  	[smem:$0x3FA8] =	sst s6  }
0xf: {  	[smem:$0x3FA9] =	sst s7  }
0x10: {  	[smem:$0x3FAA] =	sst s8  }
0x11: {  	[smem:$0x3FAB] =	sst s9;
	s0 =	simm.s32 @!p0 $0x0  }
0x12: {  	s1 =	sld [smem:$0x3F91];
	s0 =	simm.s32 @p0 $0x1  }
0x13: {  	[smem:$0x3FAC] =	sst s0;
	s0 =	simm.s32 @!p1 $0x0  }
0x14: {  	s2 =	sld [smem:$0x3F90];
	s0 =	simm.s32 @p1 $0x1  }
0x15: {  	[smem:$0x3FAD] =	sst s0;
	s0 =	simm.s32 @!p2 $0x0  }
0x16: {  	s3 =	sld [smem:$0x3FDB];
	s0 =	simm.s32 @p2 $0x1  }
0x17: {  	s4 =	simm.s32 $0x1BF5;
	[smem:$0x3FAF] =	sst s0  }
0x18: {  	s0 =	sld [smem:$0x3F92];
	_ =	swait.ge [sflag:s4], $0x0  }
0x19: {  	s7 =	sld [smem:$0x3F93]  }
0x1a: {  	s8 =	sadd.s32 $0xFFFFE003, lr  }
0x1b: {  	s9 =	sadd.s32 $0xFFFFFEF7, lr;
	s5 =	simm.s32 $0xFFFFFFFF;
	p2 =	slt.u32 s8, $0xFFFFF086  }
0x1c: {  	p1 =	slt.u32 s9, $0xF7A;
	s5 =	simm.s32 @!p2 $0x0  }
0x1d: {  	s5 =	simm.s32 @p1 $0x1;
	p0 =	seq.s32 s7, s2  }
0x1e: {  	s7 =	smul.u32 @!p0 $0xF7A, s2;
	p2 =	seq.s32 @!p0 s5, $0x0  }
0x1f: {  	s9 =	smul.u32 $0xF7A, s1;
	s8 =	simm.s32 @!p0 $0x1BF5;
	p2 =	por !p2, p0  }
0x20: {  	[sflag:s8] =	ssyncset.s32 @!p0 $0xFFFFF086;
	s6 =	sadd.s32 @!p0 s3, s7;
	s7 =	simm.s32 @!p0 $0x108  }
0x21: {  	s3 =	sadd.s32 s3, s9;
	s6 =	sadd.s32 @!p0 $0x88, s6;
	s7 =	simm.s32 @p2 $0x1082  }
0x22: {  	[simem:s7], [sflag:s8] =	dma.local @!p0 [hbm:s6], $0xF7A  }
0x23: {  	s9 =	sor.u32 $0xD0000000, s2;
	s6 =	simm.s32 $0x108;
	_ =	swait.ge @!p0 [sflag:s8], $0x0  }
0x24: {  	s3 =	sadd.s32 $0x88, s3;
	s6 =	simm.s32 @!p1 $0x1082;
	[sflag:s4] =	ssyncset.s32 $0xFFFFF086  }
0x25: {  	[simem:s6], [sflag:s4] =	dma.local [hbm:s3], $0xF7A  }
0x26: {  	[smem:$0x3F93] =	sst s1;
	(tag) =	ssettag s2;
	_ =	strace s9  }
0x27: {  	s1 =	sld [smem:$0x3FA3]  }
0x28: {  	s2 =	sld [smem:$0x3FA4]  }
0x29: {  	s4 =	sld [smem:$0x3FA6]  }
0x2a: {  	p0 =	seq.s32 s5, $0x0;
	s5 =	sld [smem:$0x3FA7]  }
0x2b: {  	s6 =	sld [smem:$0x3FA8]  }
0x2c: {  	s7 =	sld [smem:$0x3FA9]  }
0x2d: {  	s3 =	simm.s32 $0x108;
	s8 =	sld [smem:$0x3FAA]  }
0x2e: {  	s3 =	simm.s32 @!p0 $0x1082;
	s9 =	sld [smem:$0x3FAB]  }
0x2f: {  	lr =	sadd.s32 s0, s3;
	s0 =	sld [smem:$0x3FA2]  }
0x30: {  	s3 =	sld [smem:$0x3FA5]  }
0x31: {  	[smem:$0x3FAE] =	sst s10  }
0x32: {  	s10 =	sld [smem:$0x3FAC];
	_ =	sdelay $0x3  }
0x33: {  	p0 =	seq.s32 s10, $0x1;
	s10 =	sld [smem:$0x3FAE];
	_ =	sdelay $0x3  }
0x34: {  	[smem:$0x3FAE] =	sst s10  }
0x35: {  	s10 =	sld [smem:$0x3FAD];
	_ =	sdelay $0x3  }
0x36: {  	p1 =	seq.s32 s10, $0x1;
	s10 =	sld [smem:$0x3FAE];
	_ =	sdelay $0x3  }
0x37: {  	[smem:$0x3FAE] =	sst s10  }
0x38: {  	s10 =	sld [smem:$0x3FAF]  }
0x39: {  	_ = 	snop;
	(pc) =	sbr.ind lr, $3  }
0x3a: {  	_ = 	snop  }
0x3b: {  	_ = 	snop  }
0x3c: {  	p2 =	seq.s32 s10, $0x1;
	s10 =	sld [smem:$0x3FAE]  }
0x3d: {  	_ =	shalt  }
0x3e: {  	_ =	shalt  }
0x3f: {  	_ =	shalt  }
0x40: {  	_ =	shalt  }
0x41: {  	_ =	shalt  }
0x42: {  	_ =	shalt  }
0x43: {  	_ =	shalt  }
0x44: {  	_ =	shalt  }
0x45: {  	_ =	shalt  }
0x46: {  	_ =	shalt  }
0x47: {  	_ =	shalt  }
0x48: {  	_ =	shalt  }
0x49: {  	_ =	shalt  }
0x4a: {  	_ =	shalt  }
0x4b: {  	_ =	shalt  }
0x4c: {  	_ =	shalt  }
0x4d: {  	_ =	shalt  }
0x4e: {  	_ =	shalt  }
0x4f: {  	_ =	shalt  }
0x50: {  	_ =	shalt  }
0x51: {  	_ =	shalt  }
0x52: {  	_ =	shalt  }
0x53: {  	_ =	shalt  }
0x54: {  	_ =	shalt  }
0x55: {  	_ =	shalt  }
0x56: {  	_ =	shalt  }
0x57: {  	_ =	shalt  }
0x58: {  	_ =	shalt  }
0x59: {  	_ =	shalt  }
0x5a: {  	_ =	shalt  }
0x5b: {  	_ =	shalt  }
0x5c: {  	_ =	shalt  }
0x5d: {  	_ =	shalt  }
0x5e: {  	_ =	shalt  }
0x5f: {  	_ =	shalt  }
0x60: {  	_ =	shalt  }
0x61: {  	_ =	shalt  }
0x62: {  	_ =	shalt  }
0x63: {  	_ =	shalt  }
0x64: {  	_ =	shalt  }
0x65: {  	_ =	shalt  }
0x66: {  	_ =	shalt  }
0x67: {  	_ =	shalt  }
0x68: {  	_ =	shalt  }
0x69: {  	_ =	shalt  }
0x6a: {  	_ =	shalt  }
0x6b: {  	_ =	shalt  }
0x6c: {  	_ =	shalt  }
0x6d: {  	_ =	shalt  }
0x6e: {  	_ =	shalt  }
0x6f: {  	_ =	shalt  }
0x70: {  	_ =	shalt  }
0x71: {  	_ =	shalt  }
0x72: {  	_ =	shalt  }
0x73: {  	_ =	shalt  }
0x74: {  	_ =	shalt  }
0x75: {  	_ =	shalt  }
0x76: {  	_ =	shalt  }
0x77: {  	_ =	shalt  }
0x78: {  	_ =	shalt  }
0x79: {  	_ =	shalt  }
0x7a: {  	_ =	shalt  }
0x7b: {  	_ =	shalt  }
0x7c: {  	_ =	shalt  }
0x7d: {  	_ =	shalt  }
0x7e: {  	_ =	shalt  }
0x7f: {  	_ =	shalt  }
0x80: {  	_ =	shalt  }
0x81: {  	_ =	shalt  }
0x82: {  	_ =	shalt  }
0x83: {  	_ =	shalt  }
0x84: {  	_ =	shalt  }
0x85: {  	_ =	shalt  }
0x86: {  	_ =	shalt  }
0x87: {  	_ =	shalt  }
.Lfunc_end0:
.L_simem_size_0:
called_computation_lowered:
.L_overlay_start_0:
0x88: {  	s2 =	sld [smem:$0x3FD9]  }
0x89: {  	s3 =	sld [smem:$0x3FFE];
	_ =	sdelay $0x1  }
0x8a: {  	s1 =	srdreg.scid  }
0x8b: {  	s0 =	sand.u32 $0x1, s1  }
0x8c: {  	s17 =	sshll.u32 s0, $0xA;
	s2 =	sadd.s32 s3, s2  }
0x8d: {  	s2 =	sadd.s32 s2, s17  }
0x8e: {  	[smem:$0x3FBA] =	sst s2  }
0x8f: {  	_ = 	snop  }
0x90: {  	s2 =	sld [smem:$0x3FD0];
	(tm) =	ssettm $0x1  }
0x91: {  	s18 =	sld [smem:$0x3FFB];
	_ =	sdelay $0x3  }
0x92: {  	_ =	strace s18  }
0x93: {  	s3 =	sld [smem:$0x3FFC];
	_ =	sdelay $0x3  }
0x94: {  	_ =	strace s3  }
0x95: {  	s3 =	sld [smem:$0x3FFD];
	_ =	sdelay $0x3  }
0x96: {  	_ =	strace s3  }
0x97: {  	_ =	strace $0x8FFFFFFF  }
0x98: {  	s19 =	sld [smem:$0x3FDB];
	_ =	sdelay $0x1  }
0x99: {  	s4 =	simm.s32 $_scs_section_size  }
0x9a: {  	s5 =	simm.s32 $_size__tile_overlayer_lowered;
	s6 =	simm.s32 $_tile_overlayer_lowered  }
0x9b: {  	s22 =	simm.s32 $0x1BFF;
	s21 =	sshll.u32 s6, $0x1;
	s3 =	sadd.s32 s4, s19  }
0x9c: {  	s7 =	simm.s32 $0x0;
	s20 =	sshll.u32 s5, $0x1;
	s5 =	sadd.s32 s21, s3  }
0x9d: {  	[timem:s7], [sflag:s22] =	dma.local [hbm:s5], s20  }
0x9e: {  	_ =	swait.ge [sflag:s22], s20  }
0x9f: {  	s4 =	ssub.s32 $0x0, s20;
	[sflag:s22] =	ssyncset.done $0x0  }
0xa0: {  	[sflag:s22] =	ssyncadd.s32 s4;
	_ =	sdelay $0x1  }
0xa1: {  	s23 =	simm.s32 $0x1B8B  }
0xa2: {  	_ =	swait.ge [sflag:s23], $0x1  }
0xa3: {  	[sflag:s23] =	ssyncset.done $0x0  }
0xa4: {  	s25 =	simm.s32 $0x1B8E;
	s24 =	sld [smem:$0x3FFE];
	[sflag:s23] =	ssyncadd.s32 $0xFFFFFFFF  }
0xa5: {  	s26 =	simm.s32 $execute0_lowered;
	[smem:$0x3FD2] =	sst s25  }
0xa6: {  	s5 =	sshll.u32 s26, $0x1;
	_ =	strace $0x80000046;
	[dreg:$0x1] =	wrdreg $0xFFFFFFFF  }
0xa7: {  	s28 =	simm.s32 $_size_execute0_lowered;
	s3 =	sadd.s32 s3, s5;
	[dreg:$0x0] =	wrdreg $0x0  }
0xa8: {  	s5 =	sshll.u32 s28, $0x1;
	[dreg:$0x2] =	wrdreg s3  }
0xa9: {  	[dreg:$0x3] =	wrdreg s5  }
0xaa: {  	[dreg:$0x4] =	wrdreg $0xC0  }
0xab: {  	_ =	task [dreg:s7], $0x5FFFF  }
0xac: {  	[dreg:$0x1] =	wrdreg $0xFFFFFFFF  }
0xad: {  	[dreg:$0x0] =	wrdreg $0x60  }
0xae: {  	[dreg:$0x2] =	wrdreg s24  }
0xaf: {  	[dreg:$0x3] =	wrdreg s2  }
0xb0: {  	[dreg:$0x4] =	wrdreg $0x3D500  }
0xb1: {  	[dreg:$0x5] =	wrdreg $0x9  }
0xb2: {  	_ =	task.clear_ibuf [dreg:s7], $0x6FFFF;
	_ =	strace $0x90000046  }
0xb3: {  	s29 =	simm.s32 $0x9;
	_ =	strace $0x80000048  }
0xb4: {  	_ =	swait.ge [sflag:s29], $0x1  }
0xb5: {  	[sflag:s29] =	ssyncadd.s32 $0xFFFFFFFF  }
0xb6: {  	_ =	strace $0x90000048  }
0xb7: {  	_ =	sfence  }
0xb8: {  	s30 =	sld [smem:$0x0];
	_ =	sdelay $0x2  }
0xb9: {  	s31 =	sshll.u32 s1, $0xD;
	s1 =	sshrl.u32 s1, $0x2  }
0xba: {  	s3 =	sand.u32 $0x4000, s31;
	s1 =	sadd.s32 s1, s30  }
0xbb: {  	s0 =	sor.u32 s3, s0;
	s1 =	sshll.u32 s1, $0x11  }
0xbc: {  	s0 =	sor.u32 s1, s0  }
0xbd: {  	s0 =	sadd.s32 $0x8F2B, s0  }
0xbe: {  	[sflag:s0] =	ssyncadd.remote.s32 $0x1  }
0xbf: {  	_ =	sfence.sel $0xFFFF  }
0xc0: {  	[dreg:$0x0] =	wrdreg $0xFFFFFFFF;
	(pc) =	sbr.abs _section_cstart, $3  }
0xc1: {  	[dreg:$0x1] =	wrdreg $0xFFFFFFFF  }
0xc2: {  	_ =	task.clear_ibuf [dreg:s7], $0x2FFFF;
	_ =	strace $0x9FFFFFFF  }
0xc3: {  	(tm) =	ssettm $0x7FFFFFFF  }
tec
execute0_lowered:
.L_overlay_start_1:
0x0: {  	(tag) =	ssettag $0x1  }
0x1: {  	s6 =	rddreg [dreg:$0x0]  }
0x2: {  	s2 =	rddreg [dreg:$0x1]  }
0x3: {  	s0 =	srdreg.scid;
	s3 =	rddreg [dreg:$0x2]  }
0x4: {  	s1 =	stileid.u32;
	s4 =	simm.s32 $0x0;
	s14 =	simm.s32 $0x50  }
0x5: {  	s15 =	simm.s32 $0x2990;
	s16 =	simm.s32 $0x8;
	s17 =	simm.s32 $0x80  }
0x6: {  	s7 =	sand.u32 $0x1, s0;
	s0 =	rddreg [dreg:$0x3];
	s10 =	smul.u32 $0x4F00, s1  }
0x7: {  	s18 =	simm.s32 $0x0;
	[smem:$0x7FF] =	sst s4;
	s12 =	smul.u32 $0x2780, s1  }
0x8: {  	s31 =	sshll.u32 s1, $0x6;
	s5 =	sshll.u32 s7, $0x4;
	_ =	strace $0x80000047  }
0x9: {  	s9 =	ssub.s32 $0x2, s7;
	s13 =	sadd.s32 s7, s6;
	s5 =	sor.u32 s1, s5  }
0xa: {  	s11 =	sshrl.u32 s9, $0x1;
	s29 =	sshrl.u32 s10, $0x2;
	s30 =	sadd.s32 s12, s13  }
0xb: {  	s10 =	simm.s32 $0x2710;
	s5 =	smul.u32 $0x4E2, s5;
	s9 =	ssub.s32 s9, s11  }
0xc: {  	s12 =	sor.u32 $0x1C01, s31;
	s11 =	simm.s32 $0x1;
	s9 =	smax.u32 s9, $0x1  }
0xd: {  	s8 =	sadd.s32 s5, s6;
	s5 =	sadd.s32 $0xDE00, s6;
	s6 =	sadd.s32 s29, s3  }
0xe: {  	s7 =	sadd.s32 $0x4000, s8;
	s8 =	sadd.s32 $0xE000, s30;
	s13 =	sshrl.u32 s6, $0x3  }
.LBB2_1:
0xf: {  	[tilespmem:s10], [sflag:$0x1] =	stream.linear.gather [hbm4b:s5+s4], $0x280, $0x38;
	[tilespmem:$0x5110] =	vst v63  }
0x10: {  	_ =	swait.ge [sflag:s11], $0x280  }
0x11: {  	[sflag:s11] =	ssyncset.done $0x0  }
0x12: {  	[sflag:s11] =	ssyncadd.s32 $0xFFFFFD80  }
0x13: {  	[spmem:s13], [sflag:s12] =	dma.local [hbm:s2], $0x278  }
0x14: {  	_ =	swait.ge [sflag:s11], $0x278  }
0x15: {  	[sflag:s11] =	ssyncset.done $0x0  }
0x16: {  	[sflag:s11] =	ssyncadd.s32 $0xFFFFFD88  }
0x17: {  	[tilespmem:s4], [sflag:$0x1] =	stream.linear.gather [hbm4b:s7+s4], $0x2710, $0x38;
	[tilespmem:$0x5110] =	vst v63  }
0x18: {  	_ =	swait.ge [sflag:s11], $0x2710  }
0x19: {  	[sflag:s11] =	ssyncset.done $0x0  }
0x1a: {  	[sflag:s11] =	ssyncadd.s32 $0xFFFFD8F0  }
0x1b: {  	s19 =	simm.s32 $0x0;
	[bflag:$0x0] =	sbarrier.arrive $0xFFFF  }
0x1c: {  	[spmem:s3] =	stream.indirect.scatter.add.f32 [tilespmem:s10], [sflag:$0x1], $0x8, s19, s14, $0xb8;
	[tilespmem:$0x5110] =	vst v63  }
0x1d: {  	_ =	swait.ge [sflag:s11], $0x280  }
0x1e: {  	s19 =	simm.s32 $0x140;
	[sflag:s11] =	ssyncset.done $0x0  }
.LBB2_2:
0x1f: {  	s20 =	sshra.s32 s19, $0x2;
	[sflag:s11] =	ssyncadd.s32 $0xFFFFFD80;
	p0 =	sne.s32 s19, $0x9B00  }
0x20: {  	[spmem:s3] =	stream.indirect.scatter.add.f32 [tilespmem:s10], [sflag:$0x1], $0x8, s20, s14, $0xb8;
	[tilespmem:$0x5110] =	vst v63  }
.Ltmp0:
0x21: {  	_ = 	snop;
	(pc) =	sbr.rel @p0 .LBB2_2-.Ltmp0, $4  }
0x22: {  	_ = 	snop  }
0x23: {  	s19 =	sadd.s32 $0x140, s19  }
0x24: {  	_ =	swait.ge [sflag:s11], $0x280  }
0x25: {  	[sflag:s11] =	ssyncset.done $0x0  }
0x26: {  	[sflag:s11] =	ssyncadd.s32 $0xFFFFFD80  }
0x27: {  	[bflag:$0x0] =	sbarrier.arrive $0xFFFF  }
0x28: {  	[tilespmem:s15], [sflag:$0x1] =	stream.linear.gather [spmem:s6], $0x13C0, $0x38;
	[tilespmem:$0x5110] =	vst v63  }
0x29: {  	s18 =	sadd.s32 $0x1, s18;
	_ =	swait.ge [sflag:s11], $0x13C0  }
0x2a: {  	p0 =	sne.s32 s18, s9;
	[sflag:s11] =	ssyncset.done $0x0  }
.Ltmp1:
0x2b: {  	[sflag:s11] =	ssyncadd.s32 $0xFFFFEC40;
	(pc) =	sbr.rel @p0 .LBB2_1-.Ltmp1, $4  }
0x2c: {  	[hbm4b:s8+s16] =	stream.strided.scatter [tilespmem:s15], [sflag:$0x1], $0x13C0, s17, s16, $0x38;
	[tilespmem:$0x5110] =	vst v63  }
0x2d: {  	_ =	swait.ge [sflag:s11], $0x13C0  }
0x2e: {  	[sflag:s11] =	ssyncset.done $0x0  }
0x2f: {  	[sflag:s11] =	ssyncadd.s32 $0xFFFFEC40  }
0x30: {  	_ =	sfence.sel $0x180000  }
0x31: {  	[bflag:$0x0] =	sbarrier.arrive $0xFFFF  }
0x32: {  	p0 =	sne.s32 s1, $0x0;
	_ =	strace $0x90000047  }
0x33: {  	s0 =	sadd.s32 @!p0 $0x100000, s0;
	[bflag:$0x2] =	sbarrier.arrive $0xFFFF  }
0x34: {  	[sflag:s0] =	ssyncadd.tile.s32 @!p0 $0x1;
	_ =	shalt  }
.Lfunc_end2:
_tile_overlayer_lowered:
.L_overlay_start_2:
0x35: {  	(tag) =	ssettag $0x2  }
0x36: {  	s0 =	rddreg [dreg:$0x0];
	s2 =	stileid.u32  }
0x37: {  	s1 =	rddreg [dreg:$0x1];
	p0 =	sne.s32 s2, $0x0  }
0x38: {  	s3 =	rddreg [dreg:$0x2];
	[bflag:$0x3] =	sbarrier.arrive $0xFFFF;
	s2 =	simm.s32 @!p0 $0x1C01  }
0x39: {  	[timem:s3], [sflag:s2] =	dma.local @!p0 [hbm:s0], s1  }
0x3a: {  	s0 =	simm.s32 @!p0 $0x1  }
0x3b: {  	_ =	swait.ge @!p0 [sflag:s0], s1  }
0x3c: {  	s1 =	ssub.s32 @!p0 $0x0, s1;
	[sflag:s0] =	ssyncset.done @!p0 $0x0  }
0x3d: {  	[sflag:s0] =	ssyncadd.s32 @!p0 s1  }
0x3e: {  	[bflag:$0x3] =	sbarrier.arrive $0xFFFF  }
0x3f: {  	_ =	shalt  }

// kernel: kernel.16.cloned.1.call-start
scs
__scs_entry_jumppad:
0x0: {  	(pc) =	sbr.rel $0x88, $3  }
0x1: {  	(tag) =	ssettag $0x0;
	lr =	simm.s32 $0x1  }
0x2: {  	[smem:$0x3F93] =	sst lr;
	_ =	strace $0xD0000000  }
0x3: {  	_ = 	snop  }
0x4: {  	_ = 	snop  }
0x5: {  	_ = 	snop  }
0x6: {  	_ = 	snop  }
0x7: {  	_ = 	snop  }
__scs_overlays_trampoline_lowered:
0x8: {  	[smem:$0x3FA2] =	sst s0  }
0x9: {  	[smem:$0x3FA3] =	sst s1  }
0xa: {  	[smem:$0x3FA4] =	sst s2  }
0xb: {  	[smem:$0x3FA5] =	sst s3  }
0xc: {  	[smem:$0x3FA6] =	sst s4  }
0xd: {  	[smem:$0x3FA7] =	sst s5  }
0xe: {  	[smem:$0x3FA8] =	sst s6  }
0xf: {  	[smem:$0x3FA9] =	sst s7  }
0x10: {  	[smem:$0x3FAA] =	sst s8  }
0x11: {  	[smem:$0x3FAB] =	sst s9;
	s0 =	simm.s32 @!p0 $0x0  }
0x12: {  	s1 =	sld [smem:$0x3F91];
	s0 =	simm.s32 @p0 $0x1  }
0x13: {  	[smem:$0x3FAC] =	sst s0;
	s0 =	simm.s32 @!p1 $0x0  }
0x14: {  	s2 =	sld [smem:$0x3F90];
	s0 =	simm.s32 @p1 $0x1  }
0x15: {  	[smem:$0x3FAD] =	sst s0;
	s0 =	simm.s32 @!p2 $0x0  }
0x16: {  	s3 =	sld [smem:$0x3FDB];
	s0 =	simm.s32 @p2 $0x1  }
0x17: {  	s4 =	simm.s32 $0x1BF5;
	[smem:$0x3FAF] =	sst s0  }
0x18: {  	s0 =	sld [smem:$0x3F92];
	_ =	swait.ge [sflag:s4], $0x0  }
0x19: {  	s7 =	sld [smem:$0x3F93]  }
0x1a: {  	s8 =	sadd.s32 $0xFFFFE003, lr  }
0x1b: {  	s9 =	sadd.s32 $0xFFFFFEF7, lr;
	s5 =	simm.s32 $0xFFFFFFFF;
	p2 =	slt.u32 s8, $0xFFFFF086  }
0x1c: {  	p1 =	slt.u32 s9, $0xF7A;
	s5 =	simm.s32 @!p2 $0x0  }
0x1d: {  	s5 =	simm.s32 @p1 $0x1;
	p0 =	seq.s32 s7, s2  }
0x1e: {  	s7 =	smul.u32 @!p0 $0xF7A, s2;
	p2 =	seq.s32 @!p0 s5, $0x0  }
0x1f: {  	s9 =	smul.u32 $0xF7A, s1;
	s8 =	simm.s32 @!p0 $0x1BF5;
	p2 =	por !p2, p0  }
0x20: {  	[sflag:s8] =	ssyncset.s32 @!p0 $0xFFFFF086;
	s6 =	sadd.s32 @!p0 s3, s7;
	s7 =	simm.s32 @!p0 $0x108  }
0x21: {  	s3 =	sadd.s32 s3, s9;
	s6 =	sadd.s32 @!p0 $0x88, s6;
	s7 =	simm.s32 @p2 $0x1082  }
0x22: {  	[simem:s7], [sflag:s8] =	dma.local @!p0 [hbm:s6], $0xF7A  }
0x23: {  	s9 =	sor.u32 $0xD0000000, s2;
	s6 =	simm.s32 $0x108;
	_ =	swait.ge @!p0 [sflag:s8], $0x0  }
0x24: {  	s3 =	sadd.s32 $0x88, s3;
	s6 =	simm.s32 @!p1 $0x1082;
	[sflag:s4] =	ssyncset.s32 $0xFFFFF086  }
0x25: {  	[simem:s6], [sflag:s4] =	dma.local [hbm:s3], $0xF7A  }
0x26: {  	[smem:$0x3F93] =	sst s1;
	(tag) =	ssettag s2;
	_ =	strace s9  }
0x27: {  	s1 =	sld [smem:$0x3FA3]  }
0x28: {  	s2 =	sld [smem:$0x3FA4]  }
0x29: {  	s4 =	sld [smem:$0x3FA6]  }
0x2a: {  	p0 =	seq.s32 s5, $0x0;
	s5 =	sld [smem:$0x3FA7]  }
0x2b: {  	s6 =	sld [smem:$0x3FA8]  }
0x2c: {  	s7 =	sld [smem:$0x3FA9]  }
0x2d: {  	s3 =	simm.s32 $0x108;
	s8 =	sld [smem:$0x3FAA]  }
0x2e: {  	s3 =	simm.s32 @!p0 $0x1082;
	s9 =	sld [smem:$0x3FAB]  }
0x2f: {  	lr =	sadd.s32 s0, s3;
	s0 =	sld [smem:$0x3FA2]  }
0x30: {  	s3 =	sld [smem:$0x3FA5]  }
0x31: {  	[smem:$0x3FAE] =	sst s10  }
0x32: {  	s10 =	sld [smem:$0x3FAC];
	_ =	sdelay $0x3  }
0x33: {  	p0 =	seq.s32 s10, $0x1;
	s10 =	sld [smem:$0x3FAE];
	_ =	sdelay $0x3  }
0x34: {  	[smem:$0x3FAE] =	sst s10  }
0x35: {  	s10 =	sld [smem:$0x3FAD];
	_ =	sdelay $0x3  }
0x36: {  	p1 =	seq.s32 s10, $0x1;
	s10 =	sld [smem:$0x3FAE];
	_ =	sdelay $0x3  }
0x37: {  	[smem:$0x3FAE] =	sst s10  }
0x38: {  	s10 =	sld [smem:$0x3FAF]  }
0x39: {  	_ = 	snop;
	(pc) =	sbr.ind lr, $3  }
0x3a: {  	_ = 	snop  }
0x3b: {  	_ = 	snop  }
0x3c: {  	p2 =	seq.s32 s10, $0x1;
	s10 =	sld [smem:$0x3FAE]  }
0x3d: {  	_ =	shalt  }
0x3e: {  	_ =	shalt  }
0x3f: {  	_ =	shalt  }
0x40: {  	_ =	shalt  }
0x41: {  	_ =	shalt  }
0x42: {  	_ =	shalt  }
0x43: {  	_ =	shalt  }
0x44: {  	_ =	shalt  }
0x45: {  	_ =	shalt  }
0x46: {  	_ =	shalt  }
0x47: {  	_ =	shalt  }
0x48: {  	_ =	shalt  }
0x49: {  	_ =	shalt  }
0x4a: {  	_ =	shalt  }
0x4b: {  	_ =	shalt  }
0x4c: {  	_ =	shalt  }
0x4d: {  	_ =	shalt  }
0x4e: {  	_ =	shalt  }
0x4f: {  	_ =	shalt  }
0x50: {  	_ =	shalt  }
0x51: {  	_ =	shalt  }
0x52: {  	_ =	shalt  }
0x53: {  	_ =	shalt  }
0x54: {  	_ =	shalt  }
0x55: {  	_ =	shalt  }
0x56: {  	_ =	shalt  }
0x57: {  	_ =	shalt  }
0x58: {  	_ =	shalt  }
0x59: {  	_ =	shalt  }
0x5a: {  	_ =	shalt  }
0x5b: {  	_ =	shalt  }
0x5c: {  	_ =	shalt  }
0x5d: {  	_ =	shalt  }
0x5e: {  	_ =	shalt  }
0x5f: {  	_ =	shalt  }
0x60: {  	_ =	shalt  }
0x61: {  	_ =	shalt  }
0x62: {  	_ =	shalt  }
0x63: {  	_ =	shalt  }
0x64: {  	_ =	shalt  }
0x65: {  	_ =	shalt  }
0x66: {  	_ =	shalt  }
0x67: {  	_ =	shalt  }
0x68: {  	_ =	shalt  }
0x69: {  	_ =	shalt  }
0x6a: {  	_ =	shalt  }
0x6b: {  	_ =	shalt  }
0x6c: {  	_ =	shalt  }
0x6d: {  	_ =	shalt  }
0x6e: {  	_ =	shalt  }
0x6f: {  	_ =	shalt  }
0x70: {  	_ =	shalt  }
0x71: {  	_ =	shalt  }
0x72: {  	_ =	shalt  }
0x73: {  	_ =	shalt  }
0x74: {  	_ =	shalt  }
0x75: {  	_ =	shalt  }
0x76: {  	_ =	shalt  }
0x77: {  	_ =	shalt  }
0x78: {  	_ =	shalt  }
0x79: {  	_ =	shalt  }
0x7a: {  	_ =	shalt  }
0x7b: {  	_ =	shalt  }
0x7c: {  	_ =	shalt  }
0x7d: {  	_ =	shalt  }
0x7e: {  	_ =	shalt  }
0x7f: {  	_ =	shalt  }
0x80: {  	_ =	shalt  }
0x81: {  	_ =	shalt  }
0x82: {  	_ =	shalt  }
0x83: {  	_ =	shalt  }
0x84: {  	_ =	shalt  }
0x85: {  	_ =	shalt  }
0x86: {  	_ =	shalt  }
0x87: {  	_ =	shalt  }
.Lfunc_end0:
.L_simem_size_0:
called_computation.1_lowered:
.L_overlay_start_0:
0x88: {  	s2 =	sld [smem:$0x3FD9]  }
0x89: {  	s3 =	sld [smem:$0x3FFE];
	_ =	sdelay $0x1  }
0x8a: {  	s1 =	srdreg.scid  }
0x8b: {  	s0 =	sand.u32 $0x1, s1  }
0x8c: {  	s17 =	sshll.u32 s0, $0xA;
	s2 =	sadd.s32 s3, s2  }
0x8d: {  	s2 =	sadd.s32 s2, s17  }
0x8e: {  	[smem:$0x3FBA] =	sst s2  }
0x8f: {  	_ = 	snop  }
0x90: {  	s2 =	sld [smem:$0x3FD0];
	(tm) =	ssettm $0x1  }
0x91: {  	s18 =	sld [smem:$0x3FFB];
	_ =	sdelay $0x3  }
0x92: {  	_ =	strace s18  }
0x93: {  	s3 =	sld [smem:$0x3FFC];
	_ =	sdelay $0x3  }
0x94: {  	_ =	strace s3  }
0x95: {  	s3 =	sld [smem:$0x3FFD];
	_ =	sdelay $0x3  }
0x96: {  	_ =	strace s3  }
0x97: {  	_ =	strace $0x8FFFFFFF  }
0x98: {  	s19 =	sld [smem:$0x3FDB];
	_ =	sdelay $0x1  }
0x99: {  	s4 =	simm.s32 $_scs_section_size  }
0x9a: {  	s5 =	simm.s32 $_size__tile_overlayer_lowered;
	s6 =	simm.s32 $_tile_overlayer_lowered  }
0x9b: {  	s22 =	simm.s32 $0x1BFF;
	s21 =	sshll.u32 s6, $0x1;
	s3 =	sadd.s32 s4, s19  }
0x9c: {  	s7 =	simm.s32 $0x0;
	s20 =	sshll.u32 s5, $0x1;
	s5 =	sadd.s32 s21, s3  }
0x9d: {  	[timem:s7], [sflag:s22] =	dma.local [hbm:s5], s20  }
0x9e: {  	_ =	swait.ge [sflag:s22], s20  }
0x9f: {  	s4 =	ssub.s32 $0x0, s20;
	[sflag:s22] =	ssyncset.done $0x0  }
0xa0: {  	[sflag:s22] =	ssyncadd.s32 s4;
	_ =	sdelay $0x1  }
0xa1: {  	s23 =	simm.s32 $0x1B8B  }
0xa2: {  	_ =	swait.ge [sflag:s23], $0x1  }
0xa3: {  	[sflag:s23] =	ssyncset.done $0x0  }
0xa4: {  	s25 =	simm.s32 $0x1B8E;
	s24 =	sld [smem:$0x3FFE];
	[sflag:s23] =	ssyncadd.s32 $0xFFFFFFFF  }
0xa5: {  	s26 =	simm.s32 $execute0_lowered;
	[smem:$0x3FD2] =	sst s25  }
0xa6: {  	s5 =	sshll.u32 s26, $0x1;
	_ =	strace $0x80000049;
	[dreg:$0x1] =	wrdreg $0xFFFFFFFF  }
0xa7: {  	s28 =	simm.s32 $_size_execute0_lowered;
	s3 =	sadd.s32 s3, s5;
	[dreg:$0x0] =	wrdreg $0x0  }
0xa8: {  	s5 =	sshll.u32 s28, $0x1;
	[dreg:$0x2] =	wrdreg s3  }
0xa9: {  	[dreg:$0x3] =	wrdreg s5  }
0xaa: {  	[dreg:$0x4] =	wrdreg $0xC0  }
0xab: {  	_ =	task [dreg:s7], $0x5FFFF  }
0xac: {  	[dreg:$0x1] =	wrdreg $0xFFFFFFFF  }
0xad: {  	[dreg:$0x0] =	wrdreg $0x60  }
0xae: {  	[dreg:$0x2] =	wrdreg s24  }
0xaf: {  	[dreg:$0x3] =	wrdreg s2  }
0xb0: {  	[dreg:$0x4] =	wrdreg $0x9C400  }
0xb1: {  	[dreg:$0x5] =	wrdreg $0x9  }
0xb2: {  	_ =	task.clear_ibuf [dreg:s7], $0x6FFFF;
	_ =	strace $0x90000049  }
0xb3: {  	s29 =	simm.s32 $0x9;
	_ =	strace $0x8000004B  }
0xb4: {  	_ =	swait.ge [sflag:s29], $0x1  }
0xb5: {  	[sflag:s29] =	ssyncadd.s32 $0xFFFFFFFF  }
0xb6: {  	_ =	strace $0x9000004B  }
0xb7: {  	_ =	sfence  }
0xb8: {  	s30 =	sld [smem:$0x0];
	_ =	sdelay $0x2  }
0xb9: {  	s31 =	sshll.u32 s1, $0xD;
	s1 =	sshrl.u32 s1, $0x2  }
0xba: {  	s3 =	sand.u32 $0x4000, s31;
	s1 =	sadd.s32 s1, s30  }
0xbb: {  	s0 =	sor.u32 s3, s0;
	s1 =	sshll.u32 s1, $0x11  }
0xbc: {  	s0 =	sor.u32 s1, s0  }
0xbd: {  	s0 =	sadd.s32 $0x8F2B, s0  }
0xbe: {  	[sflag:s0] =	ssyncadd.remote.s32 $0x1  }
0xbf: {  	_ =	sfence.sel $0xFFFF  }
0xc0: {  	[dreg:$0x0] =	wrdreg $0xFFFFFFFF;
	(pc) =	sbr.abs _section_cstart, $3  }
0xc1: {  	[dreg:$0x1] =	wrdreg $0xFFFFFFFF  }
0xc2: {  	_ =	task.clear_ibuf [dreg:s7], $0x2FFFF;
	_ =	strace $0x9FFFFFFF  }
0xc3: {  	(tm) =	ssettm $0x7FFFFFFF  }
tec
execute0_lowered:
.L_overlay_start_1:
0x0: {  	(tag) =	ssettag $0x1  }
0x1: {  	s0 =	rddreg [dreg:$0x0]  }
0x2: {  	s2 =	rddreg [dreg:$0x2];
	s1 =	srdreg.scid;
	s12 =	simm.s32 $0x0  }
0x3: {  	s11 =	stileid.u32;
	s14 =	simm.s32 $0xB;
	s15 =	simm.s32 $0xFA0  }
0x4: {  	s16 =	simm.s32 $0x50;
	s17 =	simm.s32 $0x1F40;
	s18 =	simm.s32 $0x3840  }
0x5: {  	s20 =	simm.s32 $0x5140;
	s22 =	simm.s32 $0x6A40;
	s29 =	simm.s32 $0x2  }
0x6: {  	s31 =	simm.s32 $0x7;
	s21 =	simm.s32 $0x5;
	s28 =	simm.s32 $0xA  }
0x7: {  	s30 =	simm.s32 $0xF50;
	s1 =	sand.u32 $0x1, s1;
	[smem:$0x7FF] =	sst s12  }
0x8: {  	s4 =	smul.u32 $0x13C00, s11;
	s5 =	sadd.s32 $0x97400, s0;
	s6 =	sadd.s32 $0x35800, s0  }
0x9: {  	s7 =	sadd.s32 $0x4000, s0;
	s8 =	smul.u32 $0x31600, s11;
	s10 =	sshll.u32 s11, $0x6  }
0xa: {  	s3 =	smul.u32 $0x13C000, s1;
	_ =	strace $0x8000004A;
	s23 =	ssub.s32 $0x2, s1  }
0xb: {  	s1 =	smul.u32 $0xFA0, s1;
	s13 =	sor.u32 $0x1C0B, s10;
	s24 =	sshrl.u32 s23, $0x1  }
0xc: {  	s9 =	sshrl.u32 s8, $0x2;
	s8 =	smul.u32 $0xFA, s11;
	s11 =	simm.s32 $0x8  }
0xd: {  	[dreg:$0x5] =	wrdreg s13;
	s3 =	sadd.s32 s4, s3;
	s25 =	sadd.s32 s9, s2  }
0xe: {  	s9 =	simm.s32 $0x4;
	s4 =	simm.s32 $0x9;
	s3 =	sshrl.u32 s3, $0x3  }
0xf: {  	s10 =	sadd.s32 s1, s8;
	s19 =	sshrl.u32 s25, $0x3;
	s25 =	simm.s32 $0x1  }
0x10: {  	s0 =	sadd.s32 s3, s0;
	s3 =	ssub.s32 s23, s24;
	s24 =	simm.s32 $0x8340  }
0x11: {  	s23 =	simm.s32 $0x10E0;
	[dreg:$0x8] =	wrdreg s19;
	s0 =	sadd.s32 $0xC8200, s0  }
0x12: {  	s26 =	smax.u32 s3, $0x1;
	s3 =	simm.s32 $0x3;
	[dreg:$0x6] =	wrdreg s0  }
0x13: {  	[dreg:$0x7] =	wrdreg s26;
	s26 =	simm.s32 $0x6;
	s0 =	simm.s32 $0x1EF0  }
.LBB2_1:
0x14: {  	[dreg:$0x4] =	wrdreg s12  }
0x15: {  	s1 =	rddreg [dreg:$0x1]  }
0x16: {  	[spmem:s19], [sflag:s13] =	dma.local [hbm:s1], $0x18B0  }
0x17: {  	_ =	swait.ge [sflag:s14], $0x18B0  }
0x18: {  	[sflag:s14] =	ssyncset.done $0x0  }
0x19: {  	[sflag:s14] =	ssyncadd.s32 $0xFFFFE750  }
0x1a: {  	s1 =	simm.s32 $0x0;
	[bflag:$0x0] =	sbarrier.arrive $0xFFFF  }
.LBB2_2:
0x1b: {  	s12 =	smul.u32 $0x32, s1;
	_ =	sdelay $0x1  }
0x1c: {  	s13 =	sadd.s32 s10, s12  }
0x1d: {  	s13 =	smul.u32 $0xA, s13;
	_ =	sdelay $0x1  }
0x1e: {  	s19 =	simm.s32 $0x0;
	s12 =	sadd.s32 s8, s12;
	s13 =	sadd.s32 s6, s13  }
0x1f: {  	[tilespmem:s19], [sflag:$0xB] =	stream.linear.gather [hbm4b:s13+s19], $0xFA0, $0x38;
	[tilespmem:$0x161C0] =	vst v63  }
0x20: {  	s12 =	smul.u32 $0xA, s12;
	_ =	swait.ge [sflag:s14], $0xFA0  }
0x21: {  	[sflag:s14] =	ssyncset.done $0x0  }
0x22: {  	s12 =	sadd.s32 s7, s12;
	[sflag:s14] =	ssyncadd.s32 $0xFFFFF060  }
0x23: {  	[tilespmem:s15], [sflag:$0xB] =	stream.linear.gather [hbm4b:s12+s19], $0xFA0, $0x38;
	[tilespmem:$0x161C0] =	vst v63  }
0x24: {  	_ =	swait.ge [sflag:s14], $0xFA0  }
0x25: {  	[sflag:s14] =	ssyncset.done $0x0  }
0x26: {  	[sflag:s14] =	ssyncadd.s32 $0xFFFFF060  }
0x27: {  	[tilespmem:s17], [sflag:$0x1] =	stream.indirect.gather [hbm4b:s5+s16], $0x50, s19, s16, $0xb8;
	[tilespmem:$0x161C0] =	vst v63  }
0x28: {  	_ = 	snop  }
0x29: {  	[tilespmem:s18], [sflag:$0x2] =	stream.indirect.gather [hbm4b:s5+s16], $0x50, s16, s16, $0xb8;
	[tilespmem:$0x161C0] =	vst v63  }
0x2a: {  	s19 =	simm.s32 $0xA0  }
0x2b: {  	[tilespmem:s20], [sflag:$0x3] =	stream.indirect.gather [hbm4b:s5+s16], $0x50, s19, s16, $0xb8;
	[tilespmem:$0x161C0] =	vst v63  }
0x2c: {  	s13 =	simm.s32 $0xF0  }
0x2d: {  	[tilespmem:s22], [sflag:$0x4] =	stream.indirect.gather [hbm4b:s5+s16], $0x50, s13, s16, $0xb8;
	[tilespmem:$0x161C0] =	vst v63  }
0x2e: {  	s19 =	simm.s32 $0x140  }
0x2f: {  	[tilespmem:s24], [sflag:$0x5] =	stream.indirect.gather [hbm4b:s5+s16], $0x50, s19, s16, $0xb8;
	[tilespmem:$0x161C0] =	vst v63  }
0x30: {  	_ =	swait.ge [sflag:s25], $0x1900  }
0x31: {  	[sflag:s25] =	ssyncset.done $0x0  }
0x32: {  	[sflag:s25] =	ssyncadd.s32 $0xFFFFE700  }
0x33: {  	[spmem:s2] =	stream.indirect.scatter.add.f32 [tilespmem:s17], [sflag:$0x6], $0x50, s15, s16, $0xb8;
	[tilespmem:$0x161C0] =	vst v63  }
0x34: {  	_ =	swait.ge [sflag:s26], $0x1900  }
0x35: {  	[sflag:s26] =	ssyncset.done $0x0  }
0x36: {  	s13 =	simm.s32 $0x190;
	[sflag:s26] =	ssyncadd.s32 $0xFFFFE700  }
0x37: {  	[tilespmem:s17], [sflag:$0x1] =	stream.indirect.gather [hbm4b:s5+s16], $0x50, s13, s16, $0xb8;
	[tilespmem:$0x161C0] =	vst v63  }
0x38: {  	_ =	swait.ge [sflag:s29], $0x1900  }
0x39: {  	[sflag:s29] =	ssyncset.done $0x0  }
0x3a: {  	s19 =	simm.s32 $0xFF0;
	[sflag:s29] =	ssyncadd.s32 $0xFFFFE700  }
0x3b: {  	[spmem:s2] =	stream.indirect.scatter.add.f32 [tilespmem:s18], [sflag:$0x7], $0x50, s19, s16, $0xb8;
	[tilespmem:$0x161C0] =	vst v63  }
0x3c: {  	_ =	swait.ge [sflag:s31], $0x1900  }
0x3d: {  	[sflag:s31] =	ssyncset.done $0x0  }
0x3e: {  	s13 =	simm.s32 $0x1E0;
	[sflag:s31] =	ssyncadd.s32 $0xFFFFE700  }
0x3f: {  	[tilespmem:s18], [sflag:$0x2] =	stream.indirect.gather [hbm4b:s5+s16], $0x50, s13, s16, $0xb8;
	[tilespmem:$0x161C0] =	vst v63  }
0x40: {  	_ =	swait.ge [sflag:s3], $0x1900  }
0x41: {  	[sflag:s3] =	ssyncset.done $0x0  }
0x42: {  	s19 =	simm.s32 $0x1040;
	[sflag:s3] =	ssyncadd.s32 $0xFFFFE700  }
0x43: {  	[spmem:s2] =	stream.indirect.scatter.add.f32 [tilespmem:s20], [sflag:$0x8], $0x50, s19, s16, $0xb8;
	[tilespmem:$0x161C0] =	vst v63  }
0x44: {  	_ =	swait.ge [sflag:s11], $0x1900  }
0x45: {  	[sflag:s11] =	ssyncset.done $0x0  }
0x46: {  	s13 =	simm.s32 $0x230;
	[sflag:s11] =	ssyncadd.s32 $0xFFFFE700  }
0x47: {  	[tilespmem:s20], [sflag:$0x3] =	stream.indirect.gather [hbm4b:s5+s16], $0x50, s13, s16, $0xb8;
	[tilespmem:$0x161C0] =	vst v63  }
0x48: {  	_ =	swait.ge [sflag:s9], $0x1900  }
0x49: {  	[sflag:s9] =	ssyncset.done $0x0  }
0x4a: {  	s19 =	simm.s32 $0x1090;
	[sflag:s9] =	ssyncadd.s32 $0xFFFFE700  }
0x4b: {  	[spmem:s2] =	stream.indirect.scatter.add.f32 [tilespmem:s22], [sflag:$0x9], $0x50, s19, s16, $0xb8;
	[tilespmem:$0x161C0] =	vst v63  }
0x4c: {  	_ =	swait.ge [sflag:s4], $0x1900  }
0x4d: {  	[sflag:s4] =	ssyncset.done $0x0  }
0x4e: {  	s13 =	simm.s32 $0x280;
	[sflag:s4] =	ssyncadd.s32 $0xFFFFE700  }
0x4f: {  	[tilespmem:s22], [sflag:$0x4] =	stream.indirect.gather [hbm4b:s5+s16], $0x50, s13, s16, $0xb8;
	[tilespmem:$0x161C0] =	vst v63  }
0x50: {  	_ =	swait.ge [sflag:s21], $0x1900  }
0x51: {  	[sflag:s21] =	ssyncset.done $0x0  }
0x52: {  	[sflag:s21] =	ssyncadd.s32 $0xFFFFE700  }
0x53: {  	[spmem:s2] =	stream.indirect.scatter.add.f32 [tilespmem:s24], [sflag:$0xA], $0x50, s23, s16, $0xb8;
	[tilespmem:$0x161C0] =	vst v63  }
0x54: {  	_ =	swait.ge [sflag:s28], $0x1900  }
0x55: {  	[sflag:s28] =	ssyncset.done $0x0  }
0x56: {  	s19 =	simm.s32 $0x2D0;
	[sflag:s28] =	ssyncadd.s32 $0xFFFFE700  }
0x57: {  	[tilespmem:s24], [sflag:$0x5] =	stream.indirect.gather [hbm4b:s5+s16], $0x50, s19, s16, $0xb8;
	[tilespmem:$0x161C0] =	vst v63  }
0x58: {  	_ =	swait.ge [sflag:s25], $0x1900  }
0x59: {  	[sflag:s25] =	ssyncset.done $0x0  }
0x5a: {  	s13 =	simm.s32 $0x1130;
	[sflag:s25] =	ssyncadd.s32 $0xFFFFE700  }
0x5b: {  	[spmem:s2] =	stream.indirect.scatter.add.f32 [tilespmem:s17], [sflag:$0x6], $0x50, s13, s16, $0xb8;
	[tilespmem:$0x161C0] =	vst v63  }
0x5c: {  	_ =	swait.ge [sflag:s26], $0x1900  }
0x5d: {  	[sflag:s26] =	ssyncset.done $0x0  }
0x5e: {  	s19 =	simm.s32 $0x320;
	[sflag:s26] =	ssyncadd.s32 $0xFFFFE700  }
0x5f: {  	[tilespmem:s17], [sflag:$0x1] =	stream.indirect.gather [hbm4b:s5+s16], $0x50, s19, s16, $0xb8;
	[tilespmem:$0x161C0] =	vst v63  }
0x60: {  	_ =	swait.ge [sflag:s29], $0x1900  }
0x61: {  	[sflag:s29] =	ssyncset.done $0x0  }
0x62: {  	s13 =	simm.s32 $0x1180;
	[sflag:s29] =	ssyncadd.s32 $0xFFFFE700  }
0x63: {  	[spmem:s2] =	stream.indirect.scatter.add.f32 [tilespmem:s18], [sflag:$0x7], $0x50, s13, s16, $0xb8;
	[tilespmem:$0x161C0] =	vst v63  }
0x64: {  	_ =	swait.ge [sflag:s31], $0x1900  }
0x65: {  	[sflag:s31] =	ssyncset.done $0x0  }
0x66: {  	s19 =	simm.s32 $0x370;
	[sflag:s31] =	ssyncadd.s32 $0xFFFFE700  }
0x67: {  	[tilespmem:s18], [sflag:$0x2] =	stream.indirect.gather [hbm4b:s5+s16], $0x50, s19, s16, $0xb8;
	[tilespmem:$0x161C0] =	vst v63  }
0x68: {  	_ =	swait.ge [sflag:s3], $0x1900  }
0x69: {  	[sflag:s3] =	ssyncset.done $0x0  }
0x6a: {  	s13 =	simm.s32 $0x11D0;
	[sflag:s3] =	ssyncadd.s32 $0xFFFFE700  }
0x6b: {  	[spmem:s2] =	stream.indirect.scatter.add.f32 [tilespmem:s20], [sflag:$0x8], $0x50, s13, s16, $0xb8;
	[tilespmem:$0x161C0] =	vst v63  }
0x6c: {  	_ =	swait.ge [sflag:s11], $0x1900  }
0x6d: {  	[sflag:s11] =	ssyncset.done $0x0  }
0x6e: {  	s19 =	simm.s32 $0x3C0;
	[sflag:s11] =	ssyncadd.s32 $0xFFFFE700  }
0x6f: {  	[tilespmem:s20], [sflag:$0x3] =	stream.indirect.gather [hbm4b:s5+s16], $0x50, s19, s16, $0xb8;
	[tilespmem:$0x161C0] =	vst v63  }
0x70: {  	_ =	swait.ge [sflag:s9], $0x1900  }
0x71: {  	[sflag:s9] =	ssyncset.done $0x0  }
0x72: {  	s13 =	simm.s32 $0x1220;
	[sflag:s9] =	ssyncadd.s32 $0xFFFFE700  }
0x73: {  	[spmem:s2] =	stream.indirect.scatter.add.f32 [tilespmem:s22], [sflag:$0x9], $0x50, s13, s16, $0xb8;
	[tilespmem:$0x161C0] =	vst v63  }
0x74: {  	_ =	swait.ge [sflag:s4], $0x1900  }
0x75: {  	[sflag:s4] =	ssyncset.done $0x0  }
0x76: {  	s19 =	simm.s32 $0x410;
	[sflag:s4] =	ssyncadd.s32 $0xFFFFE700  }
0x77: {  	[tilespmem:s22], [sflag:$0x4] =	stream.indirect.gather [hbm4b:s5+s16], $0x50, s19, s16, $0xb8;
	[tilespmem:$0x161C0] =	vst v63  }
0x78: {  	_ =	swait.ge [sflag:s21], $0x1900  }
0x79: {  	[sflag:s21] =	ssyncset.done $0x0  }
0x7a: {  	s12 =	simm.s32 $0x640;
	s13 =	simm.s32 $0x1270;
	[sflag:s21] =	ssyncadd.s32 $0xFFFFE700  }
.LBB2_3:
0x7b: {  	[spmem:s2] =	stream.indirect.scatter.add.f32 [tilespmem:s24], [sflag:$0xA], $0x50, s13, s16, $0xb8;
	[tilespmem:$0x161C0] =	vst v63  }
0x7c: {  	s13 =	smov.u32 s12;
	s12 =	sadd.s32 $0x640, s12;
	_ =	swait.ge [sflag:s28], $0x1900  }
0x7d: {  	s13 =	sshra.s32 s13, $0x2;
	p0 =	sne.s32 s12, $0x3200;
	[sflag:s28] =	ssyncset.done $0x0  }
0x7e: {  	s19 =	sadd.s32 $0x2D0, s13;
	[sflag:s28] =	ssyncadd.s32 $0xFFFFE700  }
0x7f: {  	[tilespmem:s24], [sflag:$0x5] =	stream.indirect.gather [hbm4b:s5+s16], $0x50, s19, s16, $0xb8;
	[tilespmem:$0x161C0] =	vst v63  }
0x80: {  	_ =	swait.ge [sflag:s25], $0x1900  }
0x81: {  	[sflag:s25] =	ssyncset.done $0x0  }
0x82: {  	s19 =	sadd.s32 $0x1130, s13;
	[sflag:s25] =	ssyncadd.s32 $0xFFFFE700  }
0x83: {  	[spmem:s2] =	stream.indirect.scatter.add.f32 [tilespmem:s17], [sflag:$0x6], $0x50, s19, s16, $0xb8;
	[tilespmem:$0x161C0] =	vst v63  }
0x84: {  	_ =	swait.ge [sflag:s26], $0x1900  }
0x85: {  	[sflag:s26] =	ssyncset.done $0x0  }
0x86: {  	s19 =	sadd.s32 $0x320, s13;
	[sflag:s26] =	ssyncadd.s32 $0xFFFFE700  }
0x87: {  	[tilespmem:s17], [sflag:$0x1] =	stream.indirect.gather [hbm4b:s5+s16], $0x50, s19, s16, $0xb8;
	[tilespmem:$0x161C0] =	vst v63  }
0x88: {  	_ =	swait.ge [sflag:s29], $0x1900  }
0x89: {  	[sflag:s29] =	ssyncset.done $0x0  }
0x8a: {  	s19 =	sadd.s32 $0x1180, s13;
	[sflag:s29] =	ssyncadd.s32 $0xFFFFE700  }
0x8b: {  	[spmem:s2] =	stream.indirect.scatter.add.f32 [tilespmem:s18], [sflag:$0x7], $0x50, s19, s16, $0xb8;
	[tilespmem:$0x161C0] =	vst v63  }
0x8c: {  	_ =	swait.ge [sflag:s31], $0x1900  }
0x8d: {  	[sflag:s31] =	ssyncset.done $0x0  }
0x8e: {  	s19 =	sadd.s32 $0x370, s13;
	[sflag:s31] =	ssyncadd.s32 $0xFFFFE700  }
0x8f: {  	[tilespmem:s18], [sflag:$0x2] =	stream.indirect.gather [hbm4b:s5+s16], $0x50, s19, s16, $0xb8;
	[tilespmem:$0x161C0] =	vst v63  }
0x90: {  	_ =	swait.ge [sflag:s3], $0x1900  }
0x91: {  	[sflag:s3] =	ssyncset.done $0x0  }
0x92: {  	s19 =	sadd.s32 $0x11D0, s13;
	[sflag:s3] =	ssyncadd.s32 $0xFFFFE700  }
0x93: {  	[spmem:s2] =	stream.indirect.scatter.add.f32 [tilespmem:s20], [sflag:$0x8], $0x50, s19, s16, $0xb8;
	[tilespmem:$0x161C0] =	vst v63  }
0x94: {  	_ =	swait.ge [sflag:s11], $0x1900  }
0x95: {  	[sflag:s11] =	ssyncset.done $0x0  }
0x96: {  	s19 =	sadd.s32 $0x3C0, s13;
	[sflag:s11] =	ssyncadd.s32 $0xFFFFE700  }
0x97: {  	[tilespmem:s20], [sflag:$0x3] =	stream.indirect.gather [hbm4b:s5+s16], $0x50, s19, s16, $0xb8;
	[tilespmem:$0x161C0] =	vst v63  }
0x98: {  	_ =	swait.ge [sflag:s9], $0x1900  }
0x99: {  	[sflag:s9] =	ssyncset.done $0x0  }
0x9a: {  	s19 =	sadd.s32 $0x1220, s13;
	[sflag:s9] =	ssyncadd.s32 $0xFFFFE700  }
0x9b: {  	[spmem:s2] =	stream.indirect.scatter.add.f32 [tilespmem:s22], [sflag:$0x9], $0x50, s19, s16, $0xb8;
	[tilespmem:$0x161C0] =	vst v63  }
0x9c: {  	_ =	swait.ge [sflag:s4], $0x1900  }
0x9d: {  	[sflag:s4] =	ssyncset.done $0x0  }
.Ltmp0:
0x9e: {  	s19 =	sadd.s32 $0x410, s13;
	[sflag:s4] =	ssyncadd.s32 $0xFFFFE700;
	(pc) =	sbr.rel @p0 .LBB2_3-.Ltmp0, $4  }
0x9f: {  	[tilespmem:s22], [sflag:$0x4] =	stream.indirect.gather [hbm4b:s5+s16], $0x50, s19, s16, $0xb8;
	[tilespmem:$0x161C0] =	vst v63  }
0xa0: {  	_ =	swait.ge [sflag:s21], $0x1900  }
0xa1: {  	[sflag:s21] =	ssyncset.done $0x0  }
0xa2: {  	s13 =	sadd.s32 $0x1270, s13;
	[sflag:s21] =	ssyncadd.s32 $0xFFFFE700  }
0xa3: {  	[spmem:s2] =	stream.indirect.scatter.add.f32 [tilespmem:s24], [sflag:$0xA], $0x50, s13, s16, $0xb8;
	[tilespmem:$0x161C0] =	vst v63  }
0xa4: {  	_ =	swait.ge [sflag:s28], $0x1900  }
0xa5: {  	[sflag:s28] =	ssyncset.done $0x0  }
0xa6: {  	[sflag:s28] =	ssyncadd.s32 $0xFFFFE700  }
0xa7: {  	[tilespmem:s24], [sflag:$0x5] =	stream.indirect.gather [hbm4b:s5+s16], $0x50, s30, s16, $0xb8;
	[tilespmem:$0x161C0] =	vst v63  }
0xa8: {  	_ =	swait.ge [sflag:s25], $0x1900  }
0xa9: {  	s12 =	sshra.s32 s12, $0x2;
	[sflag:s25] =	ssyncset.done $0x0  }
0xaa: {  	s19 =	sadd.s32 $0x1130, s12;
	[sflag:s25] =	ssyncadd.s32 $0xFFFFE700  }
0xab: {  	[spmem:s2] =	stream.indirect.scatter.add.f32 [tilespmem:s17], [sflag:$0x6], $0x50, s19, s16, $0xb8;
	[tilespmem:$0x161C0] =	vst v63  }
0xac: {  	_ =	swait.ge [sflag:s29], $0x1900  }
0xad: {  	[sflag:s29] =	ssyncset.done $0x0  }
0xae: {  	s19 =	sadd.s32 $0x1180, s12;
	[sflag:s29] =	ssyncadd.s32 $0xFFFFE700  }
0xaf: {  	[spmem:s2] =	stream.indirect.scatter.add.f32 [tilespmem:s18], [sflag:$0x7], $0x50, s19, s16, $0xb8;
	[tilespmem:$0x161C0] =	vst v63  }
0xb0: {  	_ =	swait.ge [sflag:s3], $0x1900  }
0xb1: {  	[sflag:s3] =	ssyncset.done $0x0  }
0xb2: {  	s19 =	sadd.s32 $0x11D0, s12;
	[sflag:s3] =	ssyncadd.s32 $0xFFFFE700  }
0xb3: {  	[spmem:s2] =	stream.indirect.scatter.add.f32 [tilespmem:s20], [sflag:$0x8], $0x50, s19, s16, $0xb8;
	[tilespmem:$0x161C0] =	vst v63  }
0xb4: {  	_ =	swait.ge [sflag:s9], $0x1900  }
0xb5: {  	[sflag:s9] =	ssyncset.done $0x0  }
0xb6: {  	s12 =	sadd.s32 $0x1220, s12;
	[sflag:s9] =	ssyncadd.s32 $0xFFFFE700  }
0xb7: {  	[spmem:s2] =	stream.indirect.scatter.add.f32 [tilespmem:s22], [sflag:$0x9], $0x50, s12, s16, $0xb8;
	[tilespmem:$0x161C0] =	vst v63  }
0xb8: {  	_ =	swait.ge [sflag:s21], $0x1900  }
0xb9: {  	[sflag:s21] =	ssyncset.done $0x0  }
0xba: {  	[sflag:s21] =	ssyncadd.s32 $0xFFFFE700  }
0xbb: {  	[spmem:s2] =	stream.indirect.scatter.add.f32 [tilespmem:s24], [sflag:$0xA], $0x50, s0, s16, $0xb8;
	[tilespmem:$0x161C0] =	vst v63  }
0xbc: {  	_ =	swait.ge [sflag:s26], $0x1900  }
0xbd: {  	[sflag:s26] =	ssyncset.done $0x0  }
0xbe: {  	[sflag:s26] =	ssyncadd.s32 $0xFFFFE700  }
0xbf: {  	_ =	swait.ge [sflag:s31], $0x1900  }
0xc0: {  	[sflag:s31] =	ssyncset.done $0x0  }
0xc1: {  	[sflag:s31] =	ssyncadd.s32 $0xFFFFE700  }
0xc2: {  	_ =	swait.ge [sflag:s11], $0x1900  }
0xc3: {  	[sflag:s11] =	ssyncset.done $0x0  }
0xc4: {  	s1 =	sadd.s32 $0x1, s1;
	[sflag:s11] =	ssyncadd.s32 $0xFFFFE700  }
0xc5: {  	p0 =	sne.s32 s1, $0x5;
	_ =	swait.ge [sflag:s4], $0x1900  }
.Ltmp1:
0xc6: {  	[sflag:s4] =	ssyncset.done $0x0;
	(pc) =	sbr.rel @p0 .LBB2_2-.Ltmp1, $4  }
0xc7: {  	[sflag:s4] =	ssyncadd.s32 $0xFFFFE700  }
0xc8: {  	_ =	swait.ge [sflag:s28], $0x1900  }
0xc9: {  	[sflag:s28] =	ssyncset.done $0x0  }
0xca: {  	[sflag:s28] =	ssyncadd.s32 $0xFFFFE700  }
0xcb: {  	[bflag:$0x0] =	sbarrier.arrive $0xFFFF  }
0xcc: {  	s13 =	rddreg [dreg:$0x5]  }
0xcd: {  	s1 =	rddreg [dreg:$0x6]  }
0xce: {  	s12 =	simm.s32 $0x10;
	s19 =	rddreg [dreg:$0x8]  }
0xcf: {  	[hbm:s1@s12], [sflag:s13] =	dma.strided [spmem:s19@s28], $0x18B0, s25, $0xa   }
0xd0: {  	_ =	swait.ge [sflag:s14], $0x18B0  }
0xd1: {  	s1 =	rddreg [dreg:$0x4]  }
0xd2: {  	s12 =	sadd.s32 $0x1, s1;
	s1 =	rddreg [dreg:$0x7]  }
0xd3: {  	p0 =	sne.s32 s12, s1  }
.Ltmp2:
0xd4: {  	_ = 	snop;
	(pc) =	sbr.rel @p0 .LBB2_1-.Ltmp2, $3  }
0xd5: {  	_ =	sdelay $0x1  }
0xd6: {  	[sflag:s14] =	ssyncset.done $0x0  }
0xd7: {  	[sflag:s14] =	ssyncadd.s32 $0xFFFFE750  }
0xd8: {  	_ =	sfence.sel $0x180000  }
0xd9: {  	[bflag:$0x0] =	sbarrier.arrive $0xFFFF  }
0xda: {  	_ =	strace $0x9000004A  }
0xdb: {  	s0 =	stileid.u32;
	[bflag:$0x2] =	sbarrier.arrive $0xFFFF  }
0xdc: {  	p0 =	sne.s32 s0, $0x0;
	s0 =	rddreg [dreg:$0x3]  }
0xdd: {  	s0 =	sadd.s32 @!p0 $0x100000, s0  }
0xde: {  	[sflag:s0] =	ssyncadd.tile.s32 @!p0 $0x1;
	_ =	shalt  }
.Lfunc_end2:
_tile_overlayer_lowered:
.L_overlay_start_2:
0xdf: {  	(tag) =	ssettag $0x2  }
0xe0: {  	s0 =	rddreg [dreg:$0x0];
	s2 =	stileid.u32  }
0xe1: {  	s1 =	rddreg [dreg:$0x1];
	p0 =	sne.s32 s2, $0x0  }
0xe2: {  	s3 =	rddreg [dreg:$0x2];
	[bflag:$0x3] =	sbarrier.arrive $0xFFFF;
	s2 =	simm.s32 @!p0 $0x1C0B  }
0xe3: {  	[timem:s3], [sflag:s2] =	dma.local @!p0 [hbm:s0], s1  }
0xe4: {  	s0 =	simm.s32 @!p0 $0xB  }
0xe5: {  	_ =	swait.ge @!p0 [sflag:s0], s1  }
0xe6: {  	s1 =	ssub.s32 @!p0 $0x0, s1;
	[sflag:s0] =	ssyncset.done @!p0 $0x0  }
0xe7: {  	[sflag:s0] =	ssyncadd.s32 @!p0 s1  }
0xe8: {  	[bflag:$0x3] =	sbarrier.arrive $0xFFFF  }
0xe9: {  	_ =	shalt  }

// kernel: kernel.19.cloned.1.call-start
scs
__scs_entry_jumppad:
0x0: {  	(pc) =	sbr.rel $0x88, $3  }
0x1: {  	(tag) =	ssettag $0x0;
	lr =	simm.s32 $0x1  }
0x2: {  	[smem:$0x3F93] =	sst lr;
	_ =	strace $0xD0000000  }
0x3: {  	_ = 	snop  }
0x4: {  	_ = 	snop  }
0x5: {  	_ = 	snop  }
0x6: {  	_ = 	snop  }
0x7: {  	_ = 	snop  }
__scs_overlays_trampoline_lowered:
0x8: {  	[smem:$0x3FA2] =	sst s0  }
0x9: {  	[smem:$0x3FA3] =	sst s1  }
0xa: {  	[smem:$0x3FA4] =	sst s2  }
0xb: {  	[smem:$0x3FA5] =	sst s3  }
0xc: {  	[smem:$0x3FA6] =	sst s4  }
0xd: {  	[smem:$0x3FA7] =	sst s5  }
0xe: {  	[smem:$0x3FA8] =	sst s6  }
0xf: {  	[smem:$0x3FA9] =	sst s7  }
0x10: {  	[smem:$0x3FAA] =	sst s8  }
0x11: {  	[smem:$0x3FAB] =	sst s9;
	s0 =	simm.s32 @!p0 $0x0  }
0x12: {  	s1 =	sld [smem:$0x3F91];
	s0 =	simm.s32 @p0 $0x1  }
0x13: {  	[smem:$0x3FAC] =	sst s0;
	s0 =	simm.s32 @!p1 $0x0  }
0x14: {  	s2 =	sld [smem:$0x3F90];
	s0 =	simm.s32 @p1 $0x1  }
0x15: {  	[smem:$0x3FAD] =	sst s0;
	s0 =	simm.s32 @!p2 $0x0  }
0x16: {  	s3 =	sld [smem:$0x3FDB];
	s0 =	simm.s32 @p2 $0x1  }
0x17: {  	s4 =	simm.s32 $0x1BF5;
	[smem:$0x3FAF] =	sst s0  }
0x18: {  	s0 =	sld [smem:$0x3F92];
	_ =	swait.ge [sflag:s4], $0x0  }
0x19: {  	s7 =	sld [smem:$0x3F93]  }
0x1a: {  	s8 =	sadd.s32 $0xFFFFE003, lr  }
0x1b: {  	s9 =	sadd.s32 $0xFFFFFEF7, lr;
	s5 =	simm.s32 $0xFFFFFFFF;
	p2 =	slt.u32 s8, $0xFFFFF086  }
0x1c: {  	p1 =	slt.u32 s9, $0xF7A;
	s5 =	simm.s32 @!p2 $0x0  }
0x1d: {  	s5 =	simm.s32 @p1 $0x1;
	p0 =	seq.s32 s7, s2  }
0x1e: {  	s7 =	smul.u32 @!p0 $0xF7A, s2;
	p2 =	seq.s32 @!p0 s5, $0x0  }
0x1f: {  	s9 =	smul.u32 $0xF7A, s1;
	s8 =	simm.s32 @!p0 $0x1BF5;
	p2 =	por !p2, p0  }
0x20: {  	[sflag:s8] =	ssyncset.s32 @!p0 $0xFFFFF086;
	s6 =	sadd.s32 @!p0 s3, s7;
	s7 =	simm.s32 @!p0 $0x108  }
0x21: {  	s3 =	sadd.s32 s3, s9;
	s6 =	sadd.s32 @!p0 $0x88, s6;
	s7 =	simm.s32 @p2 $0x1082  }
0x22: {  	[simem:s7], [sflag:s8] =	dma.local @!p0 [hbm:s6], $0xF7A  }
0x23: {  	s9 =	sor.u32 $0xD0000000, s2;
	s6 =	simm.s32 $0x108;
	_ =	swait.ge @!p0 [sflag:s8], $0x0  }
0x24: {  	s3 =	sadd.s32 $0x88, s3;
	s6 =	simm.s32 @!p1 $0x1082;
	[sflag:s4] =	ssyncset.s32 $0xFFFFF086  }
0x25: {  	[simem:s6], [sflag:s4] =	dma.local [hbm:s3], $0xF7A  }
0x26: {  	[smem:$0x3F93] =	sst s1;
	(tag) =	ssettag s2;
	_ =	strace s9  }
0x27: {  	s1 =	sld [smem:$0x3FA3]  }
0x28: {  	s2 =	sld [smem:$0x3FA4]  }
0x29: {  	s4 =	sld [smem:$0x3FA6]  }
0x2a: {  	p0 =	seq.s32 s5, $0x0;
	s5 =	sld [smem:$0x3FA7]  }
0x2b: {  	s6 =	sld [smem:$0x3FA8]  }
0x2c: {  	s7 =	sld [smem:$0x3FA9]  }
0x2d: {  	s3 =	simm.s32 $0x108;
	s8 =	sld [smem:$0x3FAA]  }
0x2e: {  	s3 =	simm.s32 @!p0 $0x1082;
	s9 =	sld [smem:$0x3FAB]  }
0x2f: {  	lr =	sadd.s32 s0, s3;
	s0 =	sld [smem:$0x3FA2]  }
0x30: {  	s3 =	sld [smem:$0x3FA5]  }
0x31: {  	[smem:$0x3FAE] =	sst s10  }
0x32: {  	s10 =	sld [smem:$0x3FAC];
	_ =	sdelay $0x3  }
0x33: {  	p0 =	seq.s32 s10, $0x1;
	s10 =	sld [smem:$0x3FAE];
	_ =	sdelay $0x3  }
0x34: {  	[smem:$0x3FAE] =	sst s10  }
0x35: {  	s10 =	sld [smem:$0x3FAD];
	_ =	sdelay $0x3  }
0x36: {  	p1 =	seq.s32 s10, $0x1;
	s10 =	sld [smem:$0x3FAE];
	_ =	sdelay $0x3  }
0x37: {  	[smem:$0x3FAE] =	sst s10  }
0x38: {  	s10 =	sld [smem:$0x3FAF]  }
0x39: {  	_ = 	snop;
	(pc) =	sbr.ind lr, $3  }
0x3a: {  	_ = 	snop  }
0x3b: {  	_ = 	snop  }
0x3c: {  	p2 =	seq.s32 s10, $0x1;
	s10 =	sld [smem:$0x3FAE]  }
0x3d: {  	_ =	shalt  }
0x3e: {  	_ =	shalt  }
0x3f: {  	_ =	shalt  }
0x40: {  	_ =	shalt  }
0x41: {  	_ =	shalt  }
0x42: {  	_ =	shalt  }
0x43: {  	_ =	shalt  }
0x44: {  	_ =	shalt  }
0x45: {  	_ =	shalt  }
0x46: {  	_ =	shalt  }
0x47: {  	_ =	shalt  }
0x48: {  	_ =	shalt  }
0x49: {  	_ =	shalt  }
0x4a: {  	_ =	shalt  }
0x4b: {  	_ =	shalt  }
0x4c: {  	_ =	shalt  }
0x4d: {  	_ =	shalt  }
0x4e: {  	_ =	shalt  }
0x4f: {  	_ =	shalt  }
0x50: {  	_ =	shalt  }
0x51: {  	_ =	shalt  }
0x52: {  	_ =	shalt  }
0x53: {  	_ =	shalt  }
0x54: {  	_ =	shalt  }
0x55: {  	_ =	shalt  }
0x56: {  	_ =	shalt  }
0x57: {  	_ =	shalt  }
0x58: {  	_ =	shalt  }
0x59: {  	_ =	shalt  }
0x5a: {  	_ =	shalt  }
0x5b: {  	_ =	shalt  }
0x5c: {  	_ =	shalt  }
0x5d: {  	_ =	shalt  }
0x5e: {  	_ =	shalt  }
0x5f: {  	_ =	shalt  }
0x60: {  	_ =	shalt  }
0x61: {  	_ =	shalt  }
0x62: {  	_ =	shalt  }
0x63: {  	_ =	shalt  }
0x64: {  	_ =	shalt  }
0x65: {  	_ =	shalt  }
0x66: {  	_ =	shalt  }
0x67: {  	_ =	shalt  }
0x68: {  	_ =	shalt  }
0x69: {  	_ =	shalt  }
0x6a: {  	_ =	shalt  }
0x6b: {  	_ =	shalt  }
0x6c: {  	_ =	shalt  }
0x6d: {  	_ =	shalt  }
0x6e: {  	_ =	shalt  }
0x6f: {  	_ =	shalt  }
0x70: {  	_ =	shalt  }
0x71: {  	_ =	shalt  }
0x72: {  	_ =	shalt  }
0x73: {  	_ =	shalt  }
0x74: {  	_ =	shalt  }
0x75: {  	_ =	shalt  }
0x76: {  	_ =	shalt  }
0x77: {  	_ =	shalt  }
0x78: {  	_ =	shalt  }
0x79: {  	_ =	shalt  }
0x7a: {  	_ =	shalt  }
0x7b: {  	_ =	shalt  }
0x7c: {  	_ =	shalt  }
0x7d: {  	_ =	shalt  }
0x7e: {  	_ =	shalt  }
0x7f: {  	_ =	shalt  }
0x80: {  	_ =	shalt  }
0x81: {  	_ =	shalt  }
0x82: {  	_ =	shalt  }
0x83: {  	_ =	shalt  }
0x84: {  	_ =	shalt  }
0x85: {  	_ =	shalt  }
0x86: {  	_ =	shalt  }
0x87: {  	_ =	shalt  }
.Lfunc_end0:
.L_simem_size_0:
called_computation.2_lowered:
.L_overlay_start_0:
0x88: {  	s2 =	sld [smem:$0x3FD9]  }
0x89: {  	s3 =	sld [smem:$0x3FFE];
	_ =	sdelay $0x1  }
0x8a: {  	s1 =	srdreg.scid  }
0x8b: {  	s0 =	sand.u32 $0x1, s1  }
0x8c: {  	s17 =	sshll.u32 s0, $0xA;
	s2 =	sadd.s32 s3, s2  }
0x8d: {  	s2 =	sadd.s32 s2, s17  }
0x8e: {  	[smem:$0x3FBA] =	sst s2  }
0x8f: {  	_ = 	snop  }
0x90: {  	s2 =	sld [smem:$0x3FD0];
	(tm) =	ssettm $0x1  }
0x91: {  	s18 =	sld [smem:$0x3FFB];
	_ =	sdelay $0x3  }
0x92: {  	_ =	strace s18  }
0x93: {  	s3 =	sld [smem:$0x3FFC];
	_ =	sdelay $0x3  }
0x94: {  	_ =	strace s3  }
0x95: {  	s3 =	sld [smem:$0x3FFD];
	_ =	sdelay $0x3  }
0x96: {  	_ =	strace s3  }
0x97: {  	_ =	strace $0x8FFFFFFF  }
0x98: {  	s19 =	sld [smem:$0x3FDB];
	_ =	sdelay $0x1  }
0x99: {  	s4 =	simm.s32 $_scs_section_size  }
0x9a: {  	s5 =	simm.s32 $_size__tile_overlayer_lowered;
	s6 =	simm.s32 $_tile_overlayer_lowered  }
0x9b: {  	s22 =	simm.s32 $0x1BFF;
	s21 =	sshll.u32 s6, $0x1;
	s3 =	sadd.s32 s4, s19  }
0x9c: {  	s7 =	simm.s32 $0x0;
	s20 =	sshll.u32 s5, $0x1;
	s5 =	sadd.s32 s21, s3  }
0x9d: {  	[timem:s7], [sflag:s22] =	dma.local [hbm:s5], s20  }
0x9e: {  	_ =	swait.ge [sflag:s22], s20  }
0x9f: {  	s4 =	ssub.s32 $0x0, s20;
	[sflag:s22] =	ssyncset.done $0x0  }
0xa0: {  	[sflag:s22] =	ssyncadd.s32 s4;
	_ =	sdelay $0x1  }
0xa1: {  	s23 =	simm.s32 $0x1B8B  }
0xa2: {  	_ =	swait.ge [sflag:s23], $0x1  }
0xa3: {  	[sflag:s23] =	ssyncset.done $0x0  }
0xa4: {  	s25 =	simm.s32 $0x1B8E;
	s24 =	sld [smem:$0x3FFE];
	[sflag:s23] =	ssyncadd.s32 $0xFFFFFFFF  }
0xa5: {  	s26 =	simm.s32 $execute0_lowered;
	[smem:$0x3FD2] =	sst s25  }
0xa6: {  	s5 =	sshll.u32 s26, $0x1;
	_ =	strace $0x8000004C;
	[dreg:$0x1] =	wrdreg $0xFFFFFFFF  }
0xa7: {  	s28 =	simm.s32 $_size_execute0_lowered;
	s3 =	sadd.s32 s3, s5;
	[dreg:$0x0] =	wrdreg $0x0  }
0xa8: {  	s5 =	sshll.u32 s28, $0x1;
	[dreg:$0x2] =	wrdreg s3  }
0xa9: {  	[dreg:$0x3] =	wrdreg s5  }
0xaa: {  	[dreg:$0x4] =	wrdreg $0xC0  }
0xab: {  	_ =	task [dreg:s7], $0x5FFFF  }
0xac: {  	[dreg:$0x1] =	wrdreg $0xFFFFFFFF  }
0xad: {  	[dreg:$0x0] =	wrdreg $0x60  }
0xae: {  	[dreg:$0x2] =	wrdreg s2  }
0xaf: {  	[dreg:$0x3] =	wrdreg s24  }
0xb0: {  	[dreg:$0x4] =	wrdreg $0x83400  }
0xb1: {  	[dreg:$0x5] =	wrdreg $0x9  }
0xb2: {  	_ =	task.clear_ibuf [dreg:s7], $0x6FFFF;
	_ =	strace $0x9000004C  }
0xb3: {  	s29 =	simm.s32 $0x9;
	_ =	strace $0x8000004E  }
0xb4: {  	_ =	swait.ge [sflag:s29], $0x1  }
0xb5: {  	[sflag:s29] =	ssyncadd.s32 $0xFFFFFFFF  }
0xb6: {  	_ =	strace $0x9000004E  }
0xb7: {  	_ =	sfence  }
0xb8: {  	s30 =	sld [smem:$0x0];
	_ =	sdelay $0x2  }
0xb9: {  	s31 =	sshll.u32 s1, $0xD;
	s1 =	sshrl.u32 s1, $0x2  }
0xba: {  	s3 =	sand.u32 $0x4000, s31;
	s1 =	sadd.s32 s1, s30  }
0xbb: {  	s0 =	sor.u32 s3, s0;
	s1 =	sshll.u32 s1, $0x11  }
0xbc: {  	s0 =	sor.u32 s1, s0  }
0xbd: {  	s0 =	sadd.s32 $0x8F2B, s0  }
0xbe: {  	[sflag:s0] =	ssyncadd.remote.s32 $0x1  }
0xbf: {  	_ =	sfence.sel $0xFFFF  }
0xc0: {  	[dreg:$0x0] =	wrdreg $0xFFFFFFFF;
	(pc) =	sbr.abs _section_cstart, $3  }
0xc1: {  	[dreg:$0x1] =	wrdreg $0xFFFFFFFF  }
0xc2: {  	_ =	task.clear_ibuf [dreg:s7], $0x2FFFF;
	_ =	strace $0x9FFFFFFF  }
0xc3: {  	(tm) =	ssettm $0x7FFFFFFF  }
tec
execute0_lowered:
.L_overlay_start_1:
0x0: {  	(tag) =	ssettag $0x1  }
0x1: {  	s1 =	rddreg [dreg:$0x0]  }
0x2: {  	s0 =	rddreg [dreg:$0x1]  }
0x3: {  	s3 =	rddreg [dreg:$0x2]  }
0x4: {  	s12 =	simm.s32 $0x0;
	s2 =	srdreg.scid;
	s11 =	stileid.u32  }
0x5: {  	s14 =	simm.s32 $0xB;
	s15 =	simm.s32 $0xFA0;
	s16 =	simm.s32 $0x50  }
0x6: {  	s17 =	simm.s32 $0x1F40;
	s18 =	simm.s32 $0x3340;
	s20 =	simm.s32 $0x4740  }
0x7: {  	s29 =	simm.s32 $0x2;
	s31 =	simm.s32 $0x7;
	s21 =	simm.s32 $0x5  }
0x8: {  	s28 =	simm.s32 $0xA;
	s30 =	simm.s32 $0xF50;
	[smem:$0x7FF] =	sst s12  }
0x9: {  	s2 =	sand.u32 $0x1, s2;
	s4 =	smul.u32 $0x13C00, s11;
	s5 =	sadd.s32 $0x35800, s0  }
0xa: {  	s6 =	sadd.s32 $0x4000, s0;
	s8 =	sadd.s32 $0xDE00, s0;
	s23 =	smul.u32 $0x27800, s11  }
0xb: {  	s10 =	sshll.u32 s11, $0x6;
	_ =	strace $0x8000004D;
	s7 =	sshll.u32 s2, $0x6  }
0xc: {  	[dreg:$0x5] =	wrdreg s8;
	s22 =	ssub.s32 $0x2, s2;
	s2 =	smul.u32 $0xFA0, s2  }
0xd: {  	s8 =	smul.u32 $0xFA, s11;
	s13 =	sor.u32 $0x1C0B, s10;
	s11 =	simm.s32 $0x8  }
0xe: {  	s4 =	sor.u32 s7, s4;
	s24 =	sshrl.u32 s22, $0x1;
	s9 =	sshrl.u32 s23, $0x2  }
0xf: {  	s23 =	simm.s32 $0x10E0;
	[dreg:$0x6] =	wrdreg s13;
	s4 =	sshrl.u32 s4, $0x3  }
0x10: {  	s25 =	sadd.s32 s9, s3;
	s10 =	sadd.s32 s2, s8;
	s2 =	simm.s32 $0x3  }
0x11: {  	s9 =	simm.s32 $0x4;
	s0 =	sadd.s32 s4, s0;
	s4 =	ssub.s32 s22, s24  }
0x12: {  	s19 =	sshrl.u32 s25, $0x3;
	s22 =	simm.s32 $0x5B40;
	s24 =	simm.s32 $0x6F40  }
0x13: {  	s25 =	simm.s32 $0x1;
	s0 =	sadd.s32 $0x97400, s0;
	[dreg:$0x9] =	wrdreg s19  }
0x14: {  	s26 =	smax.u32 s4, $0x1;
	s4 =	simm.s32 $0x9;
	[dreg:$0x7] =	wrdreg s0  }
0x15: {  	[dreg:$0x8] =	wrdreg s26;
	s26 =	simm.s32 $0x6;
	s0 =	simm.s32 $0x1EF0  }
.LBB2_1:
0x16: {  	[dreg:$0x4] =	wrdreg s12  }
0x17: {  	s7 =	rddreg [dreg:$0x5]  }
0x18: {  	[spmem:s19], [sflag:s13] =	dma.local [hbm:s7], $0x13C0  }
0x19: {  	_ =	swait.ge [sflag:s14], $0x13C0  }
0x1a: {  	[sflag:s14] =	ssyncset.done $0x0  }
0x1b: {  	[sflag:s14] =	ssyncadd.s32 $0xFFFFEC40  }
0x1c: {  	s7 =	simm.s32 $0x0;
	[bflag:$0x0] =	sbarrier.arrive $0xFFFF  }
.LBB2_2:
0x1d: {  	s12 =	smul.u32 $0x32, s7;
	_ =	sdelay $0x1  }
0x1e: {  	s13 =	sadd.s32 s10, s12  }
0x1f: {  	s13 =	smul.u32 $0xA, s13;
	_ =	sdelay $0x1  }
0x20: {  	s19 =	simm.s32 $0x0;
	s12 =	sadd.s32 s8, s12;
	s13 =	sadd.s32 s5, s13  }
0x21: {  	[tilespmem:s19], [sflag:$0xB] =	stream.linear.gather [hbm4b:s13+s19], $0xFA0, $0x38;
	[tilespmem:$0x12140] =	vst v63  }
0x22: {  	s12 =	smul.u32 $0xA, s12;
	_ =	swait.ge [sflag:s14], $0xFA0  }
0x23: {  	[sflag:s14] =	ssyncset.done $0x0  }
0x24: {  	s12 =	sadd.s32 s6, s12;
	[sflag:s14] =	ssyncadd.s32 $0xFFFFF060  }
0x25: {  	[tilespmem:s15], [sflag:$0xB] =	stream.linear.gather [hbm4b:s12+s19], $0xFA0, $0x38;
	[tilespmem:$0x12140] =	vst v63  }
0x26: {  	_ =	swait.ge [sflag:s14], $0xFA0  }
0x27: {  	[sflag:s14] =	ssyncset.done $0x0  }
0x28: {  	[sflag:s14] =	ssyncadd.s32 $0xFFFFF060  }
0x29: {  	[tilespmem:s17], [sflag:$0x1] =	stream.indirect.gather [hbm4b:s1+s16], $0x40, s19, s16, $0xb8;
	[tilespmem:$0x12140] =	vst v63  }
0x2a: {  	_ = 	snop  }
0x2b: {  	[tilespmem:s18], [sflag:$0x2] =	stream.indirect.gather [hbm4b:s1+s16], $0x40, s16, s16, $0xb8;
	[tilespmem:$0x12140] =	vst v63  }
0x2c: {  	s19 =	simm.s32 $0xA0  }
0x2d: {  	[tilespmem:s20], [sflag:$0x3] =	stream.indirect.gather [hbm4b:s1+s16], $0x40, s19, s16, $0xb8;
	[tilespmem:$0x12140] =	vst v63  }
0x2e: {  	s13 =	simm.s32 $0xF0  }
0x2f: {  	[tilespmem:s22], [sflag:$0x4] =	stream.indirect.gather [hbm4b:s1+s16], $0x40, s13, s16, $0xb8;
	[tilespmem:$0x12140] =	vst v63  }
0x30: {  	s19 =	simm.s32 $0x140  }
0x31: {  	[tilespmem:s24], [sflag:$0x5] =	stream.indirect.gather [hbm4b:s1+s16], $0x40, s19, s16, $0xb8;
	[tilespmem:$0x12140] =	vst v63  }
0x32: {  	_ =	swait.ge [sflag:s25], $0x1400  }
0x33: {  	[sflag:s25] =	ssyncset.done $0x0  }
0x34: {  	[sflag:s25] =	ssyncadd.s32 $0xFFFFEC00  }
0x35: {  	[spmem:s3] =	stream.indirect.scatter.add.f32 [tilespmem:s17], [sflag:$0x6], $0x40, s15, s16, $0xb8;
	[tilespmem:$0x12140] =	vst v63  }
0x36: {  	_ =	swait.ge [sflag:s26], $0x1400  }
0x37: {  	[sflag:s26] =	ssyncset.done $0x0  }
0x38: {  	s13 =	simm.s32 $0x190;
	[sflag:s26] =	ssyncadd.s32 $0xFFFFEC00  }
0x39: {  	[tilespmem:s17], [sflag:$0x1] =	stream.indirect.gather [hbm4b:s1+s16], $0x40, s13, s16, $0xb8;
	[tilespmem:$0x12140] =	vst v63  }
0x3a: {  	_ =	swait.ge [sflag:s29], $0x1400  }
0x3b: {  	[sflag:s29] =	ssyncset.done $0x0  }
0x3c: {  	s19 =	simm.s32 $0xFF0;
	[sflag:s29] =	ssyncadd.s32 $0xFFFFEC00  }
0x3d: {  	[spmem:s3] =	stream.indirect.scatter.add.f32 [tilespmem:s18], [sflag:$0x7], $0x40, s19, s16, $0xb8;
	[tilespmem:$0x12140] =	vst v63  }
0x3e: {  	_ =	swait.ge [sflag:s31], $0x1400  }
0x3f: {  	[sflag:s31] =	ssyncset.done $0x0  }
0x40: {  	s13 =	simm.s32 $0x1E0;
	[sflag:s31] =	ssyncadd.s32 $0xFFFFEC00  }
0x41: {  	[tilespmem:s18], [sflag:$0x2] =	stream.indirect.gather [hbm4b:s1+s16], $0x40, s13, s16, $0xb8;
	[tilespmem:$0x12140] =	vst v63  }
0x42: {  	_ =	swait.ge [sflag:s2], $0x1400  }
0x43: {  	[sflag:s2] =	ssyncset.done $0x0  }
0x44: {  	s19 =	simm.s32 $0x1040;
	[sflag:s2] =	ssyncadd.s32 $0xFFFFEC00  }
0x45: {  	[spmem:s3] =	stream.indirect.scatter.add.f32 [tilespmem:s20], [sflag:$0x8], $0x40, s19, s16, $0xb8;
	[tilespmem:$0x12140] =	vst v63  }
0x46: {  	_ =	swait.ge [sflag:s11], $0x1400  }
0x47: {  	[sflag:s11] =	ssyncset.done $0x0  }
0x48: {  	s13 =	simm.s32 $0x230;
	[sflag:s11] =	ssyncadd.s32 $0xFFFFEC00  }
0x49: {  	[tilespmem:s20], [sflag:$0x3] =	stream.indirect.gather [hbm4b:s1+s16], $0x40, s13, s16, $0xb8;
	[tilespmem:$0x12140] =	vst v63  }
0x4a: {  	_ =	swait.ge [sflag:s9], $0x1400  }
0x4b: {  	[sflag:s9] =	ssyncset.done $0x0  }
0x4c: {  	s19 =	simm.s32 $0x1090;
	[sflag:s9] =	ssyncadd.s32 $0xFFFFEC00  }
0x4d: {  	[spmem:s3] =	stream.indirect.scatter.add.f32 [tilespmem:s22], [sflag:$0x9], $0x40, s19, s16, $0xb8;
	[tilespmem:$0x12140] =	vst v63  }
0x4e: {  	_ =	swait.ge [sflag:s4], $0x1400  }
0x4f: {  	[sflag:s4] =	ssyncset.done $0x0  }
0x50: {  	s13 =	simm.s32 $0x280;
	[sflag:s4] =	ssyncadd.s32 $0xFFFFEC00  }
0x51: {  	[tilespmem:s22], [sflag:$0x4] =	stream.indirect.gather [hbm4b:s1+s16], $0x40, s13, s16, $0xb8;
	[tilespmem:$0x12140] =	vst v63  }
0x52: {  	_ =	swait.ge [sflag:s21], $0x1400  }
0x53: {  	[sflag:s21] =	ssyncset.done $0x0  }
0x54: {  	[sflag:s21] =	ssyncadd.s32 $0xFFFFEC00  }
0x55: {  	[spmem:s3] =	stream.indirect.scatter.add.f32 [tilespmem:s24], [sflag:$0xA], $0x40, s23, s16, $0xb8;
	[tilespmem:$0x12140] =	vst v63  }
0x56: {  	_ =	swait.ge [sflag:s28], $0x1400  }
0x57: {  	[sflag:s28] =	ssyncset.done $0x0  }
0x58: {  	s19 =	simm.s32 $0x2D0;
	[sflag:s28] =	ssyncadd.s32 $0xFFFFEC00  }
0x59: {  	[tilespmem:s24], [sflag:$0x5] =	stream.indirect.gather [hbm4b:s1+s16], $0x40, s19, s16, $0xb8;
	[tilespmem:$0x12140] =	vst v63  }
0x5a: {  	_ =	swait.ge [sflag:s25], $0x1400  }
0x5b: {  	[sflag:s25] =	ssyncset.done $0x0  }
0x5c: {  	s13 =	simm.s32 $0x1130;
	[sflag:s25] =	ssyncadd.s32 $0xFFFFEC00  }
0x5d: {  	[spmem:s3] =	stream.indirect.scatter.add.f32 [tilespmem:s17], [sflag:$0x6], $0x40, s13, s16, $0xb8;
	[tilespmem:$0x12140] =	vst v63  }
0x5e: {  	_ =	swait.ge [sflag:s26], $0x1400  }
0x5f: {  	[sflag:s26] =	ssyncset.done $0x0  }
0x60: {  	s19 =	simm.s32 $0x320;
	[sflag:s26] =	ssyncadd.s32 $0xFFFFEC00  }
0x61: {  	[tilespmem:s17], [sflag:$0x1] =	stream.indirect.gather [hbm4b:s1+s16], $0x40, s19, s16, $0xb8;
	[tilespmem:$0x12140] =	vst v63  }
0x62: {  	_ =	swait.ge [sflag:s29], $0x1400  }
0x63: {  	[sflag:s29] =	ssyncset.done $0x0  }
0x64: {  	s13 =	simm.s32 $0x1180;
	[sflag:s29] =	ssyncadd.s32 $0xFFFFEC00  }
0x65: {  	[spmem:s3] =	stream.indirect.scatter.add.f32 [tilespmem:s18], [sflag:$0x7], $0x40, s13, s16, $0xb8;
	[tilespmem:$0x12140] =	vst v63  }
0x66: {  	_ =	swait.ge [sflag:s31], $0x1400  }
0x67: {  	[sflag:s31] =	ssyncset.done $0x0  }
0x68: {  	s19 =	simm.s32 $0x370;
	[sflag:s31] =	ssyncadd.s32 $0xFFFFEC00  }
0x69: {  	[tilespmem:s18], [sflag:$0x2] =	stream.indirect.gather [hbm4b:s1+s16], $0x40, s19, s16, $0xb8;
	[tilespmem:$0x12140] =	vst v63  }
0x6a: {  	_ =	swait.ge [sflag:s2], $0x1400  }
0x6b: {  	[sflag:s2] =	ssyncset.done $0x0  }
0x6c: {  	s13 =	simm.s32 $0x11D0;
	[sflag:s2] =	ssyncadd.s32 $0xFFFFEC00  }
0x6d: {  	[spmem:s3] =	stream.indirect.scatter.add.f32 [tilespmem:s20], [sflag:$0x8], $0x40, s13, s16, $0xb8;
	[tilespmem:$0x12140] =	vst v63  }
0x6e: {  	_ =	swait.ge [sflag:s11], $0x1400  }
0x6f: {  	[sflag:s11] =	ssyncset.done $0x0  }
0x70: {  	s19 =	simm.s32 $0x3C0;
	[sflag:s11] =	ssyncadd.s32 $0xFFFFEC00  }
0x71: {  	[tilespmem:s20], [sflag:$0x3] =	stream.indirect.gather [hbm4b:s1+s16], $0x40, s19, s16, $0xb8;
	[tilespmem:$0x12140] =	vst v63  }
0x72: {  	_ =	swait.ge [sflag:s9], $0x1400  }
0x73: {  	[sflag:s9] =	ssyncset.done $0x0  }
0x74: {  	s13 =	simm.s32 $0x1220;
	[sflag:s9] =	ssyncadd.s32 $0xFFFFEC00  }
0x75: {  	[spmem:s3] =	stream.indirect.scatter.add.f32 [tilespmem:s22], [sflag:$0x9], $0x40, s13, s16, $0xb8;
	[tilespmem:$0x12140] =	vst v63  }
0x76: {  	_ =	swait.ge [sflag:s4], $0x1400  }
0x77: {  	[sflag:s4] =	ssyncset.done $0x0  }
0x78: {  	s19 =	simm.s32 $0x410;
	[sflag:s4] =	ssyncadd.s32 $0xFFFFEC00  }
0x79: {  	[tilespmem:s22], [sflag:$0x4] =	stream.indirect.gather [hbm4b:s1+s16], $0x40, s19, s16, $0xb8;
	[tilespmem:$0x12140] =	vst v63  }
0x7a: {  	_ =	swait.ge [sflag:s21], $0x1400  }
0x7b: {  	[sflag:s21] =	ssyncset.done $0x0  }
0x7c: {  	s12 =	simm.s32 $0x640;
	s13 =	simm.s32 $0x1270;
	[sflag:s21] =	ssyncadd.s32 $0xFFFFEC00  }
.LBB2_3:
0x7d: {  	[spmem:s3] =	stream.indirect.scatter.add.f32 [tilespmem:s24], [sflag:$0xA], $0x40, s13, s16, $0xb8;
	[tilespmem:$0x12140] =	vst v63  }
0x7e: {  	s13 =	smov.u32 s12;
	s12 =	sadd.s32 $0x640, s12;
	_ =	swait.ge [sflag:s28], $0x1400  }
0x7f: {  	s13 =	sshra.s32 s13, $0x2;
	p0 =	sne.s32 s12, $0x3200;
	[sflag:s28] =	ssyncset.done $0x0  }
0x80: {  	s19 =	sadd.s32 $0x2D0, s13;
	[sflag:s28] =	ssyncadd.s32 $0xFFFFEC00  }
0x81: {  	[tilespmem:s24], [sflag:$0x5] =	stream.indirect.gather [hbm4b:s1+s16], $0x40, s19, s16, $0xb8;
	[tilespmem:$0x12140] =	vst v63  }
0x82: {  	_ =	swait.ge [sflag:s25], $0x1400  }
0x83: {  	[sflag:s25] =	ssyncset.done $0x0  }
0x84: {  	s19 =	sadd.s32 $0x1130, s13;
	[sflag:s25] =	ssyncadd.s32 $0xFFFFEC00  }
0x85: {  	[spmem:s3] =	stream.indirect.scatter.add.f32 [tilespmem:s17], [sflag:$0x6], $0x40, s19, s16, $0xb8;
	[tilespmem:$0x12140] =	vst v63  }
0x86: {  	_ =	swait.ge [sflag:s26], $0x1400  }
0x87: {  	[sflag:s26] =	ssyncset.done $0x0  }
0x88: {  	s19 =	sadd.s32 $0x320, s13;
	[sflag:s26] =	ssyncadd.s32 $0xFFFFEC00  }
0x89: {  	[tilespmem:s17], [sflag:$0x1] =	stream.indirect.gather [hbm4b:s1+s16], $0x40, s19, s16, $0xb8;
	[tilespmem:$0x12140] =	vst v63  }
0x8a: {  	_ =	swait.ge [sflag:s29], $0x1400  }
0x8b: {  	[sflag:s29] =	ssyncset.done $0x0  }
0x8c: {  	s19 =	sadd.s32 $0x1180, s13;
	[sflag:s29] =	ssyncadd.s32 $0xFFFFEC00  }
0x8d: {  	[spmem:s3] =	stream.indirect.scatter.add.f32 [tilespmem:s18], [sflag:$0x7], $0x40, s19, s16, $0xb8;
	[tilespmem:$0x12140] =	vst v63  }
0x8e: {  	_ =	swait.ge [sflag:s31], $0x1400  }
0x8f: {  	[sflag:s31] =	ssyncset.done $0x0  }
0x90: {  	s19 =	sadd.s32 $0x370, s13;
	[sflag:s31] =	ssyncadd.s32 $0xFFFFEC00  }
0x91: {  	[tilespmem:s18], [sflag:$0x2] =	stream.indirect.gather [hbm4b:s1+s16], $0x40, s19, s16, $0xb8;
	[tilespmem:$0x12140] =	vst v63  }
0x92: {  	_ =	swait.ge [sflag:s2], $0x1400  }
0x93: {  	[sflag:s2] =	ssyncset.done $0x0  }
0x94: {  	s19 =	sadd.s32 $0x11D0, s13;
	[sflag:s2] =	ssyncadd.s32 $0xFFFFEC00  }
0x95: {  	[spmem:s3] =	stream.indirect.scatter.add.f32 [tilespmem:s20], [sflag:$0x8], $0x40, s19, s16, $0xb8;
	[tilespmem:$0x12140] =	vst v63  }
0x96: {  	_ =	swait.ge [sflag:s11], $0x1400  }
0x97: {  	[sflag:s11] =	ssyncset.done $0x0  }
0x98: {  	s19 =	sadd.s32 $0x3C0, s13;
	[sflag:s11] =	ssyncadd.s32 $0xFFFFEC00  }
0x99: {  	[tilespmem:s20], [sflag:$0x3] =	stream.indirect.gather [hbm4b:s1+s16], $0x40, s19, s16, $0xb8;
	[tilespmem:$0x12140] =	vst v63  }
0x9a: {  	_ =	swait.ge [sflag:s9], $0x1400  }
0x9b: {  	[sflag:s9] =	ssyncset.done $0x0  }
0x9c: {  	s19 =	sadd.s32 $0x1220, s13;
	[sflag:s9] =	ssyncadd.s32 $0xFFFFEC00  }
0x9d: {  	[spmem:s3] =	stream.indirect.scatter.add.f32 [tilespmem:s22], [sflag:$0x9], $0x40, s19, s16, $0xb8;
	[tilespmem:$0x12140] =	vst v63  }
0x9e: {  	_ =	swait.ge [sflag:s4], $0x1400  }
0x9f: {  	[sflag:s4] =	ssyncset.done $0x0  }
.Ltmp0:
0xa0: {  	s19 =	sadd.s32 $0x410, s13;
	[sflag:s4] =	ssyncadd.s32 $0xFFFFEC00;
	(pc) =	sbr.rel @p0 .LBB2_3-.Ltmp0, $4  }
0xa1: {  	[tilespmem:s22], [sflag:$0x4] =	stream.indirect.gather [hbm4b:s1+s16], $0x40, s19, s16, $0xb8;
	[tilespmem:$0x12140] =	vst v63  }
0xa2: {  	_ =	swait.ge [sflag:s21], $0x1400  }
0xa3: {  	[sflag:s21] =	ssyncset.done $0x0  }
0xa4: {  	s13 =	sadd.s32 $0x1270, s13;
	[sflag:s21] =	ssyncadd.s32 $0xFFFFEC00  }
0xa5: {  	[spmem:s3] =	stream.indirect.scatter.add.f32 [tilespmem:s24], [sflag:$0xA], $0x40, s13, s16, $0xb8;
	[tilespmem:$0x12140] =	vst v63  }
0xa6: {  	_ =	swait.ge [sflag:s28], $0x1400  }
0xa7: {  	[sflag:s28] =	ssyncset.done $0x0  }
0xa8: {  	[sflag:s28] =	ssyncadd.s32 $0xFFFFEC00  }
0xa9: {  	[tilespmem:s24], [sflag:$0x5] =	stream.indirect.gather [hbm4b:s1+s16], $0x40, s30, s16, $0xb8;
	[tilespmem:$0x12140] =	vst v63  }
0xaa: {  	_ =	swait.ge [sflag:s25], $0x1400  }
0xab: {  	s12 =	sshra.s32 s12, $0x2;
	[sflag:s25] =	ssyncset.done $0x0  }
0xac: {  	s19 =	sadd.s32 $0x1130, s12;
	[sflag:s25] =	ssyncadd.s32 $0xFFFFEC00  }
0xad: {  	[spmem:s3] =	stream.indirect.scatter.add.f32 [tilespmem:s17], [sflag:$0x6], $0x40, s19, s16, $0xb8;
	[tilespmem:$0x12140] =	vst v63  }
0xae: {  	_ =	swait.ge [sflag:s29], $0x1400  }
0xaf: {  	[sflag:s29] =	ssyncset.done $0x0  }
0xb0: {  	s19 =	sadd.s32 $0x1180, s12;
	[sflag:s29] =	ssyncadd.s32 $0xFFFFEC00  }
0xb1: {  	[spmem:s3] =	stream.indirect.scatter.add.f32 [tilespmem:s18], [sflag:$0x7], $0x40, s19, s16, $0xb8;
	[tilespmem:$0x12140] =	vst v63  }
0xb2: {  	_ =	swait.ge [sflag:s2], $0x1400  }
0xb3: {  	[sflag:s2] =	ssyncset.done $0x0  }
0xb4: {  	s19 =	sadd.s32 $0x11D0, s12;
	[sflag:s2] =	ssyncadd.s32 $0xFFFFEC00  }
0xb5: {  	[spmem:s3] =	stream.indirect.scatter.add.f32 [tilespmem:s20], [sflag:$0x8], $0x40, s19, s16, $0xb8;
	[tilespmem:$0x12140] =	vst v63  }
0xb6: {  	_ =	swait.ge [sflag:s9], $0x1400  }
0xb7: {  	[sflag:s9] =	ssyncset.done $0x0  }
0xb8: {  	s12 =	sadd.s32 $0x1220, s12;
	[sflag:s9] =	ssyncadd.s32 $0xFFFFEC00  }
0xb9: {  	[spmem:s3] =	stream.indirect.scatter.add.f32 [tilespmem:s22], [sflag:$0x9], $0x40, s12, s16, $0xb8;
	[tilespmem:$0x12140] =	vst v63  }
0xba: {  	_ =	swait.ge [sflag:s21], $0x1400  }
0xbb: {  	[sflag:s21] =	ssyncset.done $0x0  }
0xbc: {  	[sflag:s21] =	ssyncadd.s32 $0xFFFFEC00  }
0xbd: {  	[spmem:s3] =	stream.indirect.scatter.add.f32 [tilespmem:s24], [sflag:$0xA], $0x40, s0, s16, $0xb8;
	[tilespmem:$0x12140] =	vst v63  }
0xbe: {  	_ =	swait.ge [sflag:s26], $0x1400  }
0xbf: {  	[sflag:s26] =	ssyncset.done $0x0  }
0xc0: {  	[sflag:s26] =	ssyncadd.s32 $0xFFFFEC00  }
0xc1: {  	_ =	swait.ge [sflag:s31], $0x1400  }
0xc2: {  	[sflag:s31] =	ssyncset.done $0x0  }
0xc3: {  	[sflag:s31] =	ssyncadd.s32 $0xFFFFEC00  }
0xc4: {  	_ =	swait.ge [sflag:s11], $0x1400  }
0xc5: {  	[sflag:s11] =	ssyncset.done $0x0  }
0xc6: {  	s7 =	sadd.s32 $0x1, s7;
	[sflag:s11] =	ssyncadd.s32 $0xFFFFEC00  }
0xc7: {  	p0 =	sne.s32 s7, $0x5;
	_ =	swait.ge [sflag:s4], $0x1400  }
.Ltmp1:
0xc8: {  	[sflag:s4] =	ssyncset.done $0x0;
	(pc) =	sbr.rel @p0 .LBB2_2-.Ltmp1, $4  }
0xc9: {  	[sflag:s4] =	ssyncadd.s32 $0xFFFFEC00  }
0xca: {  	_ =	swait.ge [sflag:s28], $0x1400  }
0xcb: {  	[sflag:s28] =	ssyncset.done $0x0  }
0xcc: {  	[sflag:s28] =	ssyncadd.s32 $0xFFFFEC00  }
0xcd: {  	[bflag:$0x0] =	sbarrier.arrive $0xFFFF  }
0xce: {  	s13 =	rddreg [dreg:$0x6]  }
0xcf: {  	s7 =	rddreg [dreg:$0x7]  }
0xd0: {  	s12 =	simm.s32 $0x10;
	s19 =	rddreg [dreg:$0x9]  }
0xd1: {  	[hbm:s7@s12], [sflag:s13] =	dma.strided [spmem:s19@s11], $0x13C0, s25, $0x8   }
0xd2: {  	_ =	swait.ge [sflag:s14], $0x13C0  }
0xd3: {  	s7 =	rddreg [dreg:$0x4]  }
0xd4: {  	s12 =	sadd.s32 $0x1, s7;
	s7 =	rddreg [dreg:$0x8]  }
0xd5: {  	p0 =	sne.s32 s12, s7  }
.Ltmp2:
0xd6: {  	_ = 	snop;
	(pc) =	sbr.rel @p0 .LBB2_1-.Ltmp2, $3  }
0xd7: {  	_ =	sdelay $0x1  }
0xd8: {  	[sflag:s14] =	ssyncset.done $0x0  }
0xd9: {  	[sflag:s14] =	ssyncadd.s32 $0xFFFFEC40  }
0xda: {  	_ =	sfence.sel $0x180000  }
0xdb: {  	[bflag:$0x0] =	sbarrier.arrive $0xFFFF  }
0xdc: {  	_ =	strace $0x9000004D  }
0xdd: {  	s0 =	stileid.u32;
	[bflag:$0x2] =	sbarrier.arrive $0xFFFF  }
0xde: {  	p0 =	sne.s32 s0, $0x0;
	s0 =	rddreg [dreg:$0x3]  }
0xdf: {  	s0 =	sadd.s32 @!p0 $0x100000, s0  }
0xe0: {  	[sflag:s0] =	ssyncadd.tile.s32 @!p0 $0x1;
	_ =	shalt  }
.Lfunc_end2:
_tile_overlayer_lowered:
.L_overlay_start_2:
0xe1: {  	(tag) =	ssettag $0x2  }
0xe2: {  	s0 =	rddreg [dreg:$0x0];
	s2 =	stileid.u32  }
0xe3: {  	s1 =	rddreg [dreg:$0x1];
	p0 =	sne.s32 s2, $0x0  }
0xe4: {  	s3 =	rddreg [dreg:$0x2];
	[bflag:$0x3] =	sbarrier.arrive $0xFFFF;
	s2 =	simm.s32 @!p0 $0x1C0B  }
0xe5: {  	[timem:s3], [sflag:s2] =	dma.local @!p0 [hbm:s0], s1  }
0xe6: {  	s0 =	simm.s32 @!p0 $0xB  }
0xe7: {  	_ =	swait.ge @!p0 [sflag:s0], s1  }
0xe8: {  	s1 =	ssub.s32 @!p0 $0x0, s1;
	[sflag:s0] =	ssyncset.done @!p0 $0x0  }
0xe9: {  	[sflag:s0] =	ssyncadd.s32 @!p0 s1  }
0xea: {  	[bflag:$0x3] =	sbarrier.arrive $0xFFFF  }
0xeb: {  	_ =	shalt  }

// kernel: kernel.22.cloned.1.call-start
scs
__scs_entry_jumppad:
0x0: {  	(pc) =	sbr.rel $0x88, $3  }
0x1: {  	(tag) =	ssettag $0x0;
	lr =	simm.s32 $0x1  }
0x2: {  	[smem:$0x3F93] =	sst lr;
	_ =	strace $0xD0000000  }
0x3: {  	_ = 	snop  }
0x4: {  	_ = 	snop  }
0x5: {  	_ = 	snop  }
0x6: {  	_ = 	snop  }
0x7: {  	_ = 	snop  }
__scs_overlays_trampoline_lowered:
0x8: {  	[smem:$0x3FA2] =	sst s0  }
0x9: {  	[smem:$0x3FA3] =	sst s1  }
0xa: {  	[smem:$0x3FA4] =	sst s2  }
0xb: {  	[smem:$0x3FA5] =	sst s3  }
0xc: {  	[smem:$0x3FA6] =	sst s4  }
0xd: {  	[smem:$0x3FA7] =	sst s5  }
0xe: {  	[smem:$0x3FA8] =	sst s6  }
0xf: {  	[smem:$0x3FA9] =	sst s7  }
0x10: {  	[smem:$0x3FAA] =	sst s8  }
0x11: {  	[smem:$0x3FAB] =	sst s9;
	s0 =	simm.s32 @!p0 $0x0  }
0x12: {  	s1 =	sld [smem:$0x3F91];
	s0 =	simm.s32 @p0 $0x1  }
0x13: {  	[smem:$0x3FAC] =	sst s0;
	s0 =	simm.s32 @!p1 $0x0  }
0x14: {  	s2 =	sld [smem:$0x3F90];
	s0 =	simm.s32 @p1 $0x1  }
0x15: {  	[smem:$0x3FAD] =	sst s0;
	s0 =	simm.s32 @!p2 $0x0  }
0x16: {  	s3 =	sld [smem:$0x3FDB];
	s0 =	simm.s32 @p2 $0x1  }
0x17: {  	s4 =	simm.s32 $0x1BF5;
	[smem:$0x3FAF] =	sst s0  }
0x18: {  	s0 =	sld [smem:$0x3F92];
	_ =	swait.ge [sflag:s4], $0x0  }
0x19: {  	s7 =	sld [smem:$0x3F93]  }
0x1a: {  	s8 =	sadd.s32 $0xFFFFE003, lr  }
0x1b: {  	s9 =	sadd.s32 $0xFFFFFEF7, lr;
	s5 =	simm.s32 $0xFFFFFFFF;
	p2 =	slt.u32 s8, $0xFFFFF086  }
0x1c: {  	p1 =	slt.u32 s9, $0xF7A;
	s5 =	simm.s32 @!p2 $0x0  }
0x1d: {  	s5 =	simm.s32 @p1 $0x1;
	p0 =	seq.s32 s7, s2  }
0x1e: {  	s7 =	smul.u32 @!p0 $0xF7A, s2;
	p2 =	seq.s32 @!p0 s5, $0x0  }
0x1f: {  	s9 =	smul.u32 $0xF7A, s1;
	s8 =	simm.s32 @!p0 $0x1BF5;
	p2 =	por !p2, p0  }
0x20: {  	[sflag:s8] =	ssyncset.s32 @!p0 $0xFFFFF086;
	s6 =	sadd.s32 @!p0 s3, s7;
	s7 =	simm.s32 @!p0 $0x108  }
0x21: {  	s3 =	sadd.s32 s3, s9;
	s6 =	sadd.s32 @!p0 $0x88, s6;
	s7 =	simm.s32 @p2 $0x1082  }
0x22: {  	[simem:s7], [sflag:s8] =	dma.local @!p0 [hbm:s6], $0xF7A  }
0x23: {  	s9 =	sor.u32 $0xD0000000, s2;
	s6 =	simm.s32 $0x108;
	_ =	swait.ge @!p0 [sflag:s8], $0x0  }
0x24: {  	s3 =	sadd.s32 $0x88, s3;
	s6 =	simm.s32 @!p1 $0x1082;
	[sflag:s4] =	ssyncset.s32 $0xFFFFF086  }
0x25: {  	[simem:s6], [sflag:s4] =	dma.local [hbm:s3], $0xF7A  }
0x26: {  	[smem:$0x3F93] =	sst s1;
	(tag) =	ssettag s2;
	_ =	strace s9  }
0x27: {  	s1 =	sld [smem:$0x3FA3]  }
0x28: {  	s2 =	sld [smem:$0x3FA4]  }
0x29: {  	s4 =	sld [smem:$0x3FA6]  }
0x2a: {  	p0 =	seq.s32 s5, $0x0;
	s5 =	sld [smem:$0x3FA7]  }
0x2b: {  	s6 =	sld [smem:$0x3FA8]  }
0x2c: {  	s7 =	sld [smem:$0x3FA9]  }
0x2d: {  	s3 =	simm.s32 $0x108;
	s8 =	sld [smem:$0x3FAA]  }
0x2e: {  	s3 =	simm.s32 @!p0 $0x1082;
	s9 =	sld [smem:$0x3FAB]  }
0x2f: {  	lr =	sadd.s32 s0, s3;
	s0 =	sld [smem:$0x3FA2]  }
0x30: {  	s3 =	sld [smem:$0x3FA5]  }
0x31: {  	[smem:$0x3FAE] =	sst s10  }
0x32: {  	s10 =	sld [smem:$0x3FAC];
	_ =	sdelay $0x3  }
0x33: {  	p0 =	seq.s32 s10, $0x1;
	s10 =	sld [smem:$0x3FAE];
	_ =	sdelay $0x3  }
0x34: {  	[smem:$0x3FAE] =	sst s10  }
0x35: {  	s10 =	sld [smem:$0x3FAD];
	_ =	sdelay $0x3  }
0x36: {  	p1 =	seq.s32 s10, $0x1;
	s10 =	sld [smem:$0x3FAE];
	_ =	sdelay $0x3  }
0x37: {  	[smem:$0x3FAE] =	sst s10  }
0x38: {  	s10 =	sld [smem:$0x3FAF]  }
0x39: {  	_ = 	snop;
	(pc) =	sbr.ind lr, $3  }
0x3a: {  	_ = 	snop  }
0x3b: {  	_ = 	snop  }
0x3c: {  	p2 =	seq.s32 s10, $0x1;
	s10 =	sld [smem:$0x3FAE]  }
0x3d: {  	_ =	shalt  }
0x3e: {  	_ =	shalt  }
0x3f: {  	_ =	shalt  }
0x40: {  	_ =	shalt  }
0x41: {  	_ =	shalt  }
0x42: {  	_ =	shalt  }
0x43: {  	_ =	shalt  }
0x44: {  	_ =	shalt  }
0x45: {  	_ =	shalt  }
0x46: {  	_ =	shalt  }
0x47: {  	_ =	shalt  }
0x48: {  	_ =	shalt  }
0x49: {  	_ =	shalt  }
0x4a: {  	_ =	shalt  }
0x4b: {  	_ =	shalt  }
0x4c: {  	_ =	shalt  }
0x4d: {  	_ =	shalt  }
0x4e: {  	_ =	shalt  }
0x4f: {  	_ =	shalt  }
0x50: {  	_ =	shalt  }
0x51: {  	_ =	shalt  }
0x52: {  	_ =	shalt  }
0x53: {  	_ =	shalt  }
0x54: {  	_ =	shalt  }
0x55: {  	_ =	shalt  }
0x56: {  	_ =	shalt  }
0x57: {  	_ =	shalt  }
0x58: {  	_ =	shalt  }
0x59: {  	_ =	shalt  }
0x5a: {  	_ =	shalt  }
0x5b: {  	_ =	shalt  }
0x5c: {  	_ =	shalt  }
0x5d: {  	_ =	shalt  }
0x5e: {  	_ =	shalt  }
0x5f: {  	_ =	shalt  }
0x60: {  	_ =	shalt  }
0x61: {  	_ =	shalt  }
0x62: {  	_ =	shalt  }
0x63: {  	_ =	shalt  }
0x64: {  	_ =	shalt  }
0x65: {  	_ =	shalt  }
0x66: {  	_ =	shalt  }
0x67: {  	_ =	shalt  }
0x68: {  	_ =	shalt  }
0x69: {  	_ =	shalt  }
0x6a: {  	_ =	shalt  }
0x6b: {  	_ =	shalt  }
0x6c: {  	_ =	shalt  }
0x6d: {  	_ =	shalt  }
0x6e: {  	_ =	shalt  }
0x6f: {  	_ =	shalt  }
0x70: {  	_ =	shalt  }
0x71: {  	_ =	shalt  }
0x72: {  	_ =	shalt  }
0x73: {  	_ =	shalt  }
0x74: {  	_ =	shalt  }
0x75: {  	_ =	shalt  }
0x76: {  	_ =	shalt  }
0x77: {  	_ =	shalt  }
0x78: {  	_ =	shalt  }
0x79: {  	_ =	shalt  }
0x7a: {  	_ =	shalt  }
0x7b: {  	_ =	shalt  }
0x7c: {  	_ =	shalt  }
0x7d: {  	_ =	shalt  }
0x7e: {  	_ =	shalt  }
0x7f: {  	_ =	shalt  }
0x80: {  	_ =	shalt  }
0x81: {  	_ =	shalt  }
0x82: {  	_ =	shalt  }
0x83: {  	_ =	shalt  }
0x84: {  	_ =	shalt  }
0x85: {  	_ =	shalt  }
0x86: {  	_ =	shalt  }
0x87: {  	_ =	shalt  }
.Lfunc_end0:
.L_simem_size_0:
called_computation.3_lowered:
.L_overlay_start_0:
0x88: {  	s2 =	sld [smem:$0x3FD9]  }
0x89: {  	s3 =	sld [smem:$0x3FFE];
	_ =	sdelay $0x1  }
0x8a: {  	s1 =	srdreg.scid  }
0x8b: {  	s0 =	sand.u32 $0x1, s1  }
0x8c: {  	s17 =	sshll.u32 s0, $0xA;
	s2 =	sadd.s32 s3, s2  }
0x8d: {  	s2 =	sadd.s32 s2, s17  }
0x8e: {  	[smem:$0x3FBA] =	sst s2  }
0x8f: {  	_ = 	snop  }
0x90: {  	s2 =	sld [smem:$0x3FD0];
	(tm) =	ssettm $0x1  }
0x91: {  	s18 =	sld [smem:$0x3FFB];
	_ =	sdelay $0x3  }
0x92: {  	_ =	strace s18  }
0x93: {  	s3 =	sld [smem:$0x3FFC];
	_ =	sdelay $0x3  }
0x94: {  	_ =	strace s3  }
0x95: {  	s3 =	sld [smem:$0x3FFD];
	_ =	sdelay $0x3  }
0x96: {  	_ =	strace s3  }
0x97: {  	_ =	strace $0x8FFFFFFF  }
0x98: {  	s19 =	sld [smem:$0x3FDB];
	_ =	sdelay $0x1  }
0x99: {  	s4 =	simm.s32 $_scs_section_size  }
0x9a: {  	s5 =	simm.s32 $_size__tile_overlayer_lowered;
	s6 =	simm.s32 $_tile_overlayer_lowered  }
0x9b: {  	s22 =	simm.s32 $0x1BFF;
	s21 =	sshll.u32 s6, $0x1;
	s3 =	sadd.s32 s4, s19  }
0x9c: {  	s7 =	simm.s32 $0x0;
	s20 =	sshll.u32 s5, $0x1;
	s5 =	sadd.s32 s21, s3  }
0x9d: {  	[timem:s7], [sflag:s22] =	dma.local [hbm:s5], s20  }
0x9e: {  	_ =	swait.ge [sflag:s22], s20  }
0x9f: {  	s4 =	ssub.s32 $0x0, s20;
	[sflag:s22] =	ssyncset.done $0x0  }
0xa0: {  	[sflag:s22] =	ssyncadd.s32 s4;
	_ =	sdelay $0x1  }
0xa1: {  	s23 =	simm.s32 $0x1B8B  }
0xa2: {  	_ =	swait.ge [sflag:s23], $0x1  }
0xa3: {  	[sflag:s23] =	ssyncset.done $0x0  }
0xa4: {  	s25 =	simm.s32 $0x1B8E;
	s24 =	sld [smem:$0x3FFE];
	[sflag:s23] =	ssyncadd.s32 $0xFFFFFFFF  }
0xa5: {  	s26 =	simm.s32 $execute0_lowered;
	[smem:$0x3FD2] =	sst s25  }
0xa6: {  	s5 =	sshll.u32 s26, $0x1;
	_ =	strace $0x8000004F;
	[dreg:$0x1] =	wrdreg $0xFFFFFFFF  }
0xa7: {  	s28 =	simm.s32 $_size_execute0_lowered;
	s3 =	sadd.s32 s3, s5;
	[dreg:$0x0] =	wrdreg $0x0  }
0xa8: {  	s5 =	sshll.u32 s28, $0x1;
	[dreg:$0x2] =	wrdreg s3  }
0xa9: {  	[dreg:$0x3] =	wrdreg s5  }
0xaa: {  	[dreg:$0x4] =	wrdreg $0xC0  }
0xab: {  	_ =	task [dreg:s7], $0x5FFFF  }
0xac: {  	[dreg:$0x1] =	wrdreg $0xFFFFFFFF  }
0xad: {  	[dreg:$0x0] =	wrdreg $0x60  }
0xae: {  	[dreg:$0x2] =	wrdreg s2  }
0xaf: {  	[dreg:$0x3] =	wrdreg s24  }
0xb0: {  	[dreg:$0x4] =	wrdreg $0x9  }
0xb1: {  	_ =	task.clear_ibuf [dreg:s7], $0x5FFFF;
	_ =	strace $0x9000004F  }
0xb2: {  	s29 =	simm.s32 $0x9;
	_ =	strace $0x80000051  }
0xb3: {  	_ =	swait.ge [sflag:s29], $0x1  }
0xb4: {  	[sflag:s29] =	ssyncadd.s32 $0xFFFFFFFF  }
0xb5: {  	_ =	strace $0x90000051  }
0xb6: {  	_ =	sfence  }
0xb7: {  	s30 =	sld [smem:$0x0];
	_ =	sdelay $0x2  }
0xb8: {  	s31 =	sshll.u32 s1, $0xD;
	s1 =	sshrl.u32 s1, $0x2  }
0xb9: {  	s3 =	sand.u32 $0x4000, s31;
	s1 =	sadd.s32 s1, s30  }
0xba: {  	s0 =	sor.u32 s3, s0;
	s1 =	sshll.u32 s1, $0x11  }
0xbb: {  	s0 =	sor.u32 s1, s0  }
0xbc: {  	s0 =	sadd.s32 $0x8F2B, s0  }
0xbd: {  	[sflag:s0] =	ssyncadd.remote.s32 $0x1  }
0xbe: {  	_ =	sfence.sel $0xFFFF  }
0xbf: {  	[dreg:$0x0] =	wrdreg $0xFFFFFFFF;
	(pc) =	sbr.abs _section_cstart, $3  }
0xc0: {  	[dreg:$0x1] =	wrdreg $0xFFFFFFFF  }
0xc1: {  	_ =	task.clear_ibuf [dreg:s7], $0x2FFFF;
	_ =	strace $0x9FFFFFFF  }
0xc2: {  	(tm) =	ssettm $0x7FFFFFFF  }
0xc3: {  	_ =	shalt  }
tec
execute0_lowered:
.L_overlay_start_1:
0x0: {  	(tag) =	ssettag $0x1  }
0x1: {  	s1 =	rddreg [dreg:$0x0]  }
0x2: {  	s0 =	rddreg [dreg:$0x1];
	s11 =	simm.s32 $0x0;
	s2 =	srdreg.scid  }
0x3: {  	s10 =	stileid.u32;
	s12 =	simm.s32 $0x7;
	s13 =	simm.s32 $0xFA0  }
0x4: {  	s14 =	simm.s32 $0x50;
	s15 =	simm.s32 $0x1F40;
	s17 =	simm.s32 $0x4740  }
0x5: {  	s19 =	simm.s32 $0x5B40;
	s20 =	simm.s32 $0x1;
	s21 =	simm.s32 $0x2  }
0x6: {  	s22 =	simm.s32 $0x40;
	s23 =	simm.s32 $0x80;
	s24 =	simm.s32 $0x3  }
0x7: {  	s25 =	simm.s32 $0x4;
	s26 =	simm.s32 $0x5;
	s28 =	simm.s32 $0x6  }
0x8: {  	[smem:$0x7FF] =	sst s11;
	s2 =	sand.u32 $0x1, s2;
	s4 =	sadd.s32 $0x49200, s0  }
.Ltmp0:
0x9: {  	s5 =	sadd.s32 $0x35800, s0;
	s8 =	ssub.s32 $0x2, s2;
	(pc) =	sbr.rel .LBB2_1-.Ltmp0, $4  }
0xa: {  	s9 =	smul.u32 $0xFA, s10;
	s6 =	sadd.s32 $0xF200, s0;
	s31 =	sshrl.u32 s8, $0x1  }
0xb: {  	s7 =	sadd.s32 $0x70400, s0;
	s3 =	smul.u32 $0xFA0, s2;
	s0 =	ssub.s32 s8, s31  }
0xc: {  	_ =	strace $0x80000050;
	s8 =	smul.u32 $0x4E20, s10;
	s0 =	smax.u32 s0, $0x1  }
0xd: {  	s9 =	sadd.s32 s9, s3;
	s10 =	sshll.u32 s2, $0x6;
	[dreg:$0x4] =	wrdreg s0  }
.LBB2_10:
0xe: {  	s11 =	rddreg [dreg:$0x3]  }
0xf: {  	s0 =	rddreg [dreg:$0x4];
	s11 =	sadd.s32 $0x1, s11  }
0x10: {  	p0 =	sne.s32 s11, s0  }
.Ltmp1:
0x11: {  	_ = 	snop;
	(pc) =	sbr.rel @!p0 .LBB2_11-.Ltmp1, $1  }
0x12: {  	_ =	sdelay $0x3  }
.LBB2_1:
.Ltmp2:
0x13: {  	(pc) =	sbr.rel .LBB2_2-.Ltmp2, $2  }
0x14: {  	_ =	sdelay $0x2  }
0x15: {  	[dreg:$0x3] =	wrdreg s11;
	s29 =	simm.s32 $0x0  }
.LBB2_9:
0x16: {  	s29 =	sadd.s32 $0x1, s29  }
0x17: {  	_ =	swait.ge [sflag:s26], $0x1400;
	p0 =	sne.s32 s29, $0x5  }
.Ltmp3:
0x18: {  	[sflag:s26] =	ssyncset.done $0x0;
	(pc) =	sbr.rel @!p0 .LBB2_10-.Ltmp3, $4  }
0x19: {  	[sflag:s26] =	ssyncadd.s32 $0xFFFFEC00  }
0x1a: {  	_ =	swait.ge [sflag:s28], $0x1400  }
0x1b: {  	[sflag:s28] =	ssyncset.done $0x0  }
0x1c: {  	[sflag:s28] =	ssyncadd.s32 $0xFFFFEC00  }
.LBB2_2:
0x1d: {  	s30 =	smul.u32 $0x32, s29;
	_ =	sdelay $0x1  }
0x1e: {  	s0 =	sadd.s32 s30, s9  }
0x1f: {  	s0 =	smul.u32 $0xA, s0;
	_ =	sdelay $0x1  }
0x20: {  	s31 =	simm.s32 $0x0;
	s2 =	sadd.s32 s5, s0  }
0x21: {  	[tilespmem:s31], [sflag:$0x7] =	stream.linear.gather [hbm4b:s2+s31], $0xFA0, $0x38;
	[tilespmem:$0x6F40] =	vst v63  }
0x22: {  	_ =	swait.ge [sflag:s12], $0xFA0  }
0x23: {  	[sflag:s12] =	ssyncset.done $0x0  }
0x24: {  	s0 =	sadd.s32 s6, s0;
	[sflag:s12] =	ssyncadd.s32 $0xFFFFF060  }
0x25: {  	[tilespmem:s13], [sflag:$0x7] =	stream.linear.gather [hbm4b:s0+s31], $0xFA0, $0x38;
	[tilespmem:$0x6F40] =	vst v63  }
0x26: {  	_ =	swait.ge [sflag:s12], $0xFA0  }
0x27: {  	[sflag:s12] =	ssyncset.done $0x0  }
0x28: {  	[sflag:s12] =	ssyncadd.s32 $0xFFFFF060  }
0x29: {  	[tilespmem:s15], [sflag:$0x1] =	stream.indirect.gather [hbm4b:s1+s14], $0x40, s31, s14, $0xb8;
	[tilespmem:$0x6F40] =	vst v63  }
0x2a: {  	s16 =	simm.s32 $0x3340  }
0x2b: {  	[tilespmem:s16], [sflag:$0x2] =	stream.indirect.gather [hbm4b:s4+s14], $0x40, s13, s14, $0xb8;
	[tilespmem:$0x6F40] =	vst v63  }
0x2c: {  	_ = 	snop  }
0x2d: {  	[tilespmem:s17], [sflag:$0x3] =	stream.indirect.gather [hbm4b:s1+s14], $0x40, s14, s14, $0xb8;
	[tilespmem:$0x6F40] =	vst v63  }
0x2e: {  	s18 =	simm.s32 $0xFF0;
	s0 =	sor.u32 $0x1, s30  }
0x2f: {  	[tilespmem:s19], [sflag:$0x4] =	stream.indirect.gather [hbm4b:s4+s14], $0x40, s18, s14, $0xb8;
	[tilespmem:$0x6F40] =	vst v63  }
.LBB2_3:
0x30: {  	_ =	swait.ge [sflag:s20], $0x1400  }
0x31: {  	[sflag:s20] =	ssyncset.done $0x0  }
0x32: {  	[sflag:s20] =	ssyncadd.s32 $0xFFFFEC00  }
0x33: {  	_ =	swait.ge [sflag:s21], $0x1400  }
0x34: {  	[sflag:s21] =	ssyncset.done $0x0  }
0x35: {  	s11 =	simm.s32 $0x0;
	[sflag:s21] =	ssyncadd.s32 $0xFFFFEC00  }
0x36: {  	v5 =	vld [tilespmem:s11+$0x3340]  }
0x37: {  	v6 =	vld [tilespmem:s11+$0x3350]  }
0x38: {  	v1 =	vld [tilespmem:s11+$0x3360]  }
0x39: {  	v0 =	vld [tilespmem:s11+$0x3370]  }
0x3a: {  	v3 =	vld [tilespmem:s11+$0x1F40]  }
0x3b: {  	v4 =	vld [tilespmem:s11+$0x1F50]  }
0x3c: {  	s3 =	simm.s32 $0x100;
	v2 =	vld [tilespmem:s11+$0x1F60]  }
.LBB2_4:
0x3d: {  	s2 =	sshra.s32 s3, $0x2;
	p0 =	sne.s32 s3, $0x4F00;
	v7 =	vld [tilespmem:s11+$0x1F70];
	v8 =	vmov v1  }
0x3e: {  	v9 =	vld [tilespmem:s2+$0x3340];
	v10 =	vmov v0  }
0x3f: {  	v11 =	vld [tilespmem:s2+$0x3350];
	v3 =	vadd.f32 v5, v3  }
.Ltmp4:
0x40: {  	v1 =	vld [tilespmem:s2+$0x3360];
	v4 =	vadd.f32 v6, v4;
	(pc) =	sbr.rel @p0 .LBB2_4-.Ltmp4, $4  }
0x41: {  	v0 =	vld [tilespmem:s2+$0x3370];
	[tilespmem:s11+$0x1F40] =	vst v3;
	v2 =	vadd.f32 v8, v2  }
0x42: {  	v3 =	vld [tilespmem:s2+$0x1F40];
	[tilespmem:s11+$0x1F50] =	vst v4;
	v7 =	vadd.f32 v10, v7  }
0x43: {  	v4 =	vld [tilespmem:s2+$0x1F50];
	[tilespmem:s11+$0x1F60] =	vst v2;
	v5 =	vmov v9  }
0x44: {  	s3 =	sadd.s32 $0x100, s3;
	v2 =	vld [tilespmem:s2+$0x1F60];
	[tilespmem:s11+$0x1F70] =	vst v7;
	v6 =	vmov v11;
	s11 =	smov.u32 s2  }
0x45: {  	s3 =	sshll.u32 s31, $0x1  }
0x46: {  	v7 =	vld [tilespmem:s11+$0x1F70];
	s2 =	sadd.s32 s30, s3  }
0x47: {  	s2 =	smul.u32 $0x50, s2  }
0x48: {  	v3 =	vadd.f32 v5, v3  }
0x49: {  	v4 =	vadd.f32 v6, v4;
	s2 =	sadd.s32 s8, s2  }
0x4a: {  	[tilespmem:s11+$0x1F40] =	vst v3;
	v1 =	vadd.f32 v1, v2;
	s2 =	sshll.u32 s2, $0x7  }
0x4b: {  	[tilespmem:s11+$0x1F50] =	vst v4;
	v0 =	vadd.f32 v0, v7;
	s2 =	sor.u32 s10, s2  }
0x4c: {  	[tilespmem:s11+$0x1F60] =	vst v1;
	s2 =	sshrl.u32 s2, $0x3  }
0x4d: {  	p0 =	seq.s32 s31, $0x18;
	[tilespmem:s11+$0x1F70] =	vst v0;
	s2 =	sadd.s32 s7, s2  }
0x4e: {  	[hbm4b:s2+s22] =	stream.strided.scatter [tilespmem:s15], [sflag:$0x5], $0x1400, s23, s22, $0x38;
	[tilespmem:$0x6F40] =	vst v63  }
0x4f: {  	s2 =	simm.s32 @!p0 $0x5  }
0x50: {  	s11 =	smul.u32 @!p0 $0xA0, s31;
	_ =	swait.ge @!p0 [sflag:s2], $0x1400  }
0x51: {  	s16 =	simm.s32 @!p0 $0x50;
	[sflag:s2] =	ssyncset.done @!p0 $0x0  }
0x52: {  	s18 =	simm.s32 @!p0 $0x1F40;
	[sflag:s2] =	ssyncadd.s32 @!p0 $0xFFFFEC00;
	s2 =	sadd.s32 @!p0 $0xA0, s11  }
0x53: {  	[tilespmem:s18], [sflag:$0x1] =	stream.indirect.gather @!p0 [hbm4b:s1+s16], $0x40, s2, s16, $0xb8;
	[tilespmem:$0x6F40] =	vst v63  }
0x54: {  	s2 =	sadd.s32 @!p0 $0x1040, s11;
	s11 =	simm.s32 @!p0 $0x3340  }
0x55: {  	[tilespmem:s11], [sflag:$0x2] =	stream.indirect.gather @!p0 [hbm4b:s4+s16], $0x40, s2, s16, $0xb8;
	[tilespmem:$0x6F40] =	vst v63  }
0x56: {  	_ =	swait.ge [sflag:s24], $0x1400  }
0x57: {  	[sflag:s24] =	ssyncset.done $0x0  }
0x58: {  	[sflag:s24] =	ssyncadd.s32 $0xFFFFEC00  }
0x59: {  	_ =	swait.ge [sflag:s25], $0x1400  }
0x5a: {  	[sflag:s25] =	ssyncset.done $0x0  }
0x5b: {  	s11 =	simm.s32 $0x0;
	[sflag:s25] =	ssyncadd.s32 $0xFFFFEC00  }
0x5c: {  	v5 =	vld [tilespmem:s11+$0x5B40]  }
0x5d: {  	v6 =	vld [tilespmem:s11+$0x5B50]  }
0x5e: {  	v1 =	vld [tilespmem:s11+$0x5B60]  }
0x5f: {  	v0 =	vld [tilespmem:s11+$0x5B70]  }
0x60: {  	v3 =	vld [tilespmem:s11+$0x4740]  }
0x61: {  	v4 =	vld [tilespmem:s11+$0x4750]  }
0x62: {  	s2 =	simm.s32 $0x100;
	v2 =	vld [tilespmem:s11+$0x4760]  }
.LBB2_6:
0x63: {  	s16 =	sshra.s32 s2, $0x2;
	p1 =	sne.s32 s2, $0x4F00;
	v7 =	vld [tilespmem:s11+$0x4770];
	v8 =	vmov v1  }
0x64: {  	v9 =	vld [tilespmem:s16+$0x5B40];
	v10 =	vmov v0  }
0x65: {  	v11 =	vld [tilespmem:s16+$0x5B50];
	v3 =	vadd.f32 v5, v3  }
.Ltmp5:
0x66: {  	v1 =	vld [tilespmem:s16+$0x5B60];
	v4 =	vadd.f32 v6, v4;
	(pc) =	sbr.rel @p1 .LBB2_6-.Ltmp5, $4  }
0x67: {  	v0 =	vld [tilespmem:s16+$0x5B70];
	[tilespmem:s11+$0x4740] =	vst v3;
	v2 =	vadd.f32 v8, v2  }
0x68: {  	v3 =	vld [tilespmem:s16+$0x4740];
	[tilespmem:s11+$0x4750] =	vst v4;
	v7 =	vadd.f32 v10, v7  }
0x69: {  	v4 =	vld [tilespmem:s16+$0x4750];
	[tilespmem:s11+$0x4760] =	vst v2;
	v5 =	vmov v9  }
0x6a: {  	s2 =	sadd.s32 $0x100, s2;
	v2 =	vld [tilespmem:s16+$0x4760];
	[tilespmem:s11+$0x4770] =	vst v7;
	v6 =	vmov v11;
	s11 =	smov.u32 s16  }
0x6b: {  	v7 =	vld [tilespmem:s11+$0x4770];
	s2 =	sadd.s32 s3, s0  }
0x6c: {  	s2 =	smul.u32 $0x50, s2  }
0x6d: {  	v3 =	vadd.f32 v5, v3  }
0x6e: {  	v4 =	vadd.f32 v6, v4;
	s2 =	sadd.s32 s8, s2  }
.Ltmp6:
0x6f: {  	[tilespmem:s11+$0x4740] =	vst v3;
	v1 =	vadd.f32 v1, v2;
	s2 =	sshll.u32 s2, $0x7;
	(pc) =	sbr.rel @p0 .LBB2_9-.Ltmp6, $4  }
0x70: {  	[tilespmem:s11+$0x4750] =	vst v4;
	v0 =	vadd.f32 v0, v7;
	s2 =	sor.u32 s10, s2  }
0x71: {  	[tilespmem:s11+$0x4760] =	vst v1;
	s2 =	sshrl.u32 s2, $0x3  }
0x72: {  	[tilespmem:s11+$0x4770] =	vst v0;
	s2 =	sadd.s32 s7, s2  }
0x73: {  	[hbm4b:s2+s22] =	stream.strided.scatter [tilespmem:s17], [sflag:$0x6], $0x1400, s23, s22, $0x38;
	[tilespmem:$0x6F40] =	vst v63  }
0x74: {  	_ =	swait.ge [sflag:s28], $0x1400;
	s2 =	smul.u32 $0xA0, s31  }
.Ltmp7:
0x75: {  	[sflag:s28] =	ssyncset.done $0x0;
	(pc) =	sbr.rel .LBB2_3-.Ltmp7, $4  }
0x76: {  	[sflag:s28] =	ssyncadd.s32 $0xFFFFEC00;
	s3 =	sadd.s32 $0xF0, s2  }
0x77: {  	[tilespmem:s17], [sflag:$0x3] =	stream.indirect.gather [hbm4b:s1+s14], $0x40, s3, s14, $0xb8;
	[tilespmem:$0x6F40] =	vst v63  }
0x78: {  	s31 =	sadd.s32 $0x1, s31;
	s2 =	sadd.s32 $0x1090, s2  }
0x79: {  	[tilespmem:s19], [sflag:$0x4] =	stream.indirect.gather [hbm4b:s4+s14], $0x40, s2, s14, $0xb8;
	[tilespmem:$0x6F40] =	vst v63  }
.LBB2_11:
0x7a: {  	_ =	sfence.sel $0x180000  }
0x7b: {  	[bflag:$0x0] =	sbarrier.arrive $0xFFFF  }
0x7c: {  	_ =	strace $0x90000050  }
0x7d: {  	s0 =	stileid.u32;
	[bflag:$0x2] =	sbarrier.arrive $0xFFFF  }
0x7e: {  	p0 =	sne.s32 s0, $0x0;
	s0 =	rddreg [dreg:$0x2]  }
0x7f: {  	s0 =	sadd.s32 @!p0 $0x100000, s0  }
0x80: {  	[sflag:s0] =	ssyncadd.tile.s32 @!p0 $0x1;
	_ =	shalt  }
.Lfunc_end2:
_tile_overlayer_lowered:
.L_overlay_start_2:
0x81: {  	(tag) =	ssettag $0x2  }
0x82: {  	s0 =	rddreg [dreg:$0x0];
	s2 =	stileid.u32  }
0x83: {  	s1 =	rddreg [dreg:$0x1];
	p0 =	sne.s32 s2, $0x0  }
0x84: {  	s3 =	rddreg [dreg:$0x2];
	[bflag:$0x3] =	sbarrier.arrive $0xFFFF;
	s2 =	simm.s32 @!p0 $0x1C07  }
0x85: {  	[timem:s3], [sflag:s2] =	dma.local @!p0 [hbm:s0], s1  }
0x86: {  	s0 =	simm.s32 @!p0 $0x7  }
0x87: {  	_ =	swait.ge @!p0 [sflag:s0], s1  }
0x88: {  	s1 =	ssub.s32 @!p0 $0x0, s1;
	[sflag:s0] =	ssyncset.done @!p0 $0x0  }
0x89: {  	[sflag:s0] =	ssyncadd.s32 @!p0 s1  }
0x8a: {  	[bflag:$0x3] =	sbarrier.arrive $0xFFFF  }
0x8b: {  	_ =	shalt  }

</sc_bundles>
